<compile_context>
chip_gen: v7x
topology: tpu7x:2x2x1
jax: 0.10.2.dev20260603
libtpu: 0.0.44.dev20260713+nightly
codegen_flags: <defaults>
</compile_context>

<pallas_src>
import functools

import jax
import jax.numpy as jnp
from jax import lax
from jax.experimental import pallas as pl
from jax.experimental.pallas import tpu as pltpu
from jax.experimental.pallas import tpu_sc as plsc

D_MODEL = 1024
MAX_REL = 10
N_TABLE = 2 * MAX_REL + 1

_SC_INFO = plsc.get_sparse_core_info()
_NC = _SC_INFO.num_cores
_NS = _SC_INFO.num_subcores
_NW = _NC * _NS
_LANES = _SC_INFO.num_lanes

CHUNK = 32
N_ROWS = 2 * 4096 - 1
N_SLOTS = (N_ROWS + CHUNK - 1) // CHUNK
N_FULL = N_ROWS // CHUNK
SLOTS_PER_W = N_SLOTS // _NW
SPAN = CHUNK * SLOTS_PER_W
TAIL_START = N_FULL * CHUNK
SHIFT = N_ROWS // 2 - MAX_REL
BAND_LO = SHIFT + 1
BAND_HI = SHIFT + N_TABLE - 2
LANE_GROUPS = D_MODEL // _LANES


def _emb_sc(pe_flat):
    mesh = plsc.VectorSubcoreMesh(core_axis_name="c", subcore_axis_name="s")

    @functools.partial(
        pl.kernel,
        mesh=mesh,
        out_type=jax.ShapeDtypeStruct((N_ROWS, D_MODEL), jnp.float32),
        scratch_types=[
            pltpu.VMEM((N_TABLE * D_MODEL,), jnp.float32),
            pltpu.VMEM((CHUNK,), jnp.int32),
            pltpu.VMEM((CHUNK, D_MODEL), jnp.float32),
            pltpu.VMEM((CHUNK, D_MODEL), jnp.float32),
            pltpu.SemaphoreType.DMA,
            pltpu.SemaphoreType.DMA,
        ],
    )
    def k(pe_hbm, out_hbm, tab, tidx, buf_const, buf_mix, csem, msem):
        wid = lax.axis_index("s") * _NC + lax.axis_index("c")
        iota = lax.iota(jnp.int32, _LANES)
        span_start = wid * SPAN

        pltpu.sync_copy(pe_hbm, tab)

        below = span_start < BAND_LO
        t_const = jnp.clip(
            jnp.where(below, span_start, span_start + SPAN - 1) - SHIFT,
            0, N_TABLE - 1)

        def fill_const(c, carry):
            v = tab[pl.ds(t_const * D_MODEL + c * _LANES, _LANES)]
            for j in range(CHUNK):
                buf_const[j, pl.ds(c * _LANES, _LANES)] = v
            return carry
        lax.fori_loop(0, LANE_GROUPS, fill_const, 0)

        mixed_any = (span_start <= BAND_HI) & (span_start + SPAN - 1 >= BAND_LO)
        c_mix = jnp.where(below, BAND_LO // CHUNK, BAND_HI // CHUNK)

        @pl.when(mixed_any)
        def _fill_mix():
            s_mix = c_mix * CHUNK
            for j in range(CHUNK):
                t_j = jnp.clip(s_mix + j - SHIFT, 0, N_TABLE - 1)

                def cp(c, carry, t_j=t_j, j=j):
                    buf_mix[j, pl.ds(c * _LANES, _LANES)] = tab[
                        pl.ds(t_j * D_MODEL + c * _LANES, _LANES)]
                    return carry
                lax.fori_loop(0, LANE_GROUPS, cp, 0)

        descs = []
        for k_step in range(SLOTS_PER_W):
            c = wid * SLOTS_PER_W + k_step
            s = pl.multiple_of(c * CHUNK, CHUNK)
            is_mix = mixed_any & (c == c_mix)
            live = c < N_FULL
            dc = pltpu.make_async_copy(
                buf_const, out_hbm.at[pl.ds(s, CHUNK)], csem)
            dm = pltpu.make_async_copy(
                buf_mix, out_hbm.at[pl.ds(s, CHUNK)], msem)

            @pl.when(live & jnp.logical_not(is_mix))
            def _(dc=dc):
                dc.start()

            @pl.when(live & is_mix)
            def _(dm=dm):
                dm.start()
            descs.append((live, is_mix, dc, dm))

        for live, is_mix, dc, dm in descs:
            @pl.when(live & jnp.logical_not(is_mix))
            def _(dc=dc):
                dc.wait()

            @pl.when(live & is_mix)
            def _(dm=dm):
                dm.wait()

        @pl.when(wid == _NW - 1)
        def _tail():
            for g in range(CHUNK // _LANES):
                tidx[pl.ds(g * _LANES, _LANES)] = jnp.minimum(
                    TAIL_START + g * _LANES + iota, N_ROWS - 1)
            pltpu.async_copy(buf_const, out_hbm.at[tidx], msem).wait()

    return k(pe_flat)


_COPY_ROWS = 2048


def _copy_block(i_ref, o_ref):
    o_ref[...] = i_ref[...]


def _passthrough_tc(x):
    b, t, d = x.shape
    flat = x.reshape(b * t, d)
    out = pl.pallas_call(
        _copy_block,
        grid=(flat.shape[0] // _COPY_ROWS,),
        in_specs=[pl.BlockSpec((_COPY_ROWS, d), lambda i: (i, 0))],
        out_specs=pl.BlockSpec((_COPY_ROWS, d), lambda i: (i, 0)),
        out_shape=jax.ShapeDtypeStruct(flat.shape, x.dtype),
    )(flat)
    return out.reshape(b, t, d)


def kernel(x, pe):
    emb = _emb_sc(pe.reshape(-1))
    return (_passthrough_tc(x), emb)

# --- scband reference (transcript-rebuilt; emitter-appended) ---
"""Pipeline reference for scband-relative-positional-encoding-31095563223739 (READ-ONLY COPY).

The authoritative reference and input builder live on the scoring server;
editing this copy changes nothing except your own understanding.
"""

import math
import jax, jax.numpy as jnp
import numpy as np

D_MODEL = 1024
MAX_REL = 10


def _make_pe(d_model, max_relative_len):
    max_len = 2 * max_relative_len + 1
    position = np.arange(0.0, max_len)[:, None]
    div_term = np.exp(np.arange(0.0, d_model, 2) * -(math.log(10000.0) / d_model))
    pe = np.zeros((max_len, d_model), dtype=np.float32)
    pe[:, 0::2] = np.sin(position * div_term)
    pe[:, 1::2] = np.cos(position * div_term)
    return jnp.asarray(pe)


def setup_inputs(seed: int = 0) -> dict:
    key = jax.random.key(seed)
    x = jax.random.normal(key, (4, 4096, D_MODEL), dtype=jnp.float32)
    pe = _make_pe(D_MODEL, MAX_REL)
    return {"x": x, "pe": pe}


def reference(x, pe):
    # distance based on sequence length (dim 1)
    distance = x.shape[1] - 1
    range_vec = jnp.arange(-distance, distance + 1, dtype=jnp.int32)
    index_vec = jnp.clip(range_vec, -MAX_REL, MAX_REL)
    index_vec = index_vec + min(MAX_REL, distance)
    emb = jnp.take(pe, index_vec, axis=0)
    # dropout is identity in eval mode
    return (x, emb)

if __name__ == "__main__":
    import jax
    _d = setup_inputs()
    print(jax.jit(kernel)(*tuple(_d.values())))

</pallas_src>

<mosaic_0001>
#map = affine_map<(d0, d1) -> (0)>
#map1 = affine_map<(d0, d1) -> (0, 0)>
module attributes {stable_mosaic.version = 14 : i64} {
  func.func @k(%arg0: i32, %arg1: i32, %arg2: memref<21504xf32, #tpu.memory_space<hbm>>, %arg3: memref<8191x1024xf32, #tpu.memory_space<hbm>>, %arg4: memref<21504xf32, #tpu.memory_space<vmem>>, %arg5: memref<32xi32, #tpu.memory_space<vmem>>, %arg6: memref<32x1024xf32, #tpu.memory_space<vmem>>, %arg7: memref<32x1024xf32, #tpu.memory_space<vmem>>, %arg8: memref<!tpu.dma_semaphore, #tpu.memory_space<semaphore_mem>>, %arg9: memref<!tpu.dma_semaphore, #tpu.memory_space<semaphore_mem>>) attributes {dimension_semantics = [#tpu.dimension_semantics<core_parallel>, #tpu.dimension_semantics<subcore_parallel>], iteration_bounds = array<i64: 2, 16>, scalar_prefetch = 0 : i64, scratch_operands = 6 : i64, tpu.core_type = #tpu.core_type<sc_vector_subcore>, window_params = [{transform_indices = #map}, {transform_indices = #map1}]} {
    %mul3A = arith.constant 2 : i32
    %mul3A_0 = arith.muli %arg1, %mul3A : i32
    %add3A = arith.addi %mul3A_0, %arg0 : i32
    %iota3A = tpu.iota {dimensions = array<i32: 0>} : vector<16xi32>
    %mul3A_1 = arith.constant 256 : i32
    %mul3A_2 = arith.muli %add3A, %mul3A_1 : i32
    "tpu.region"() ({
      %run_scoped3A = tpu.sem_alloc : memref<!tpu.dma_semaphore, #tpu.memory_space<semaphore_mem>>
      tpu.enqueue_dma source(%arg2 : memref<21504xf32, #tpu.memory_space<hbm>>) target(%arg4 : memref<21504xf32, #tpu.memory_space<vmem>>) target_semaphore(%run_scoped3A : memref<!tpu.dma_semaphore, #tpu.memory_space<semaphore_mem>>)
      tpu.wait_dma2 semaphore(%run_scoped3A : memref<!tpu.dma_semaphore, #tpu.memory_space<semaphore_mem>>) src(%arg2 : memref<21504xf32, #tpu.memory_space<hbm>>) dst(%arg4 : memref<21504xf32, #tpu.memory_space<vmem>>)
      tpu.yield
    }) : () -> ()
    %lt3A = arith.constant 4086 : i32
    %lt3A_3 = arith.cmpi slt, %mul3A_2, %lt3A : i32
    %add3A_4 = arith.constant 256 : i32
    %add3A_5 = arith.addi %mul3A_2, %add3A_4 : i32
    %sub3A = arith.constant 1 : i32
    %sub3A_6 = arith.subi %add3A_5, %sub3A : i32
    %select_n3A = arith.select %lt3A_3, %mul3A_2, %sub3A_6 : i32
    %sub3A_7 = arith.constant 4085 : i32
    %sub3A_8 = arith.subi %select_n3A, %sub3A_7 : i32
    %jit3A = arith.constant 0 : i32
    %jit3A_9 = arith.constant 20 : i32
    %max3A = arith.maxsi %jit3A, %sub3A_8 : i32
    %min3A = arith.minsi %jit3A_9, %max3A : i32
    %scan3A = arith.constant 0 : i32
    %scan3A_10 = arith.constant 0 : i32
    %scan3A_11 = arith.constant 64 : i32
    %scan3A_12 = arith.addi %scan3A_10, %scan3A_11 : i32
    %scan3A_13 = arith.constant 1 : i32
    scf.for %scan3A_275 = %scan3A_10 to %scan3A_12 step %scan3A_13  : i32 {
      %mul3A_276 = arith.constant 1024 : i32
      %mul3A_277 = arith.muli %min3A, %mul3A_276 : i32
      %mul3A_278 = arith.constant 16 : i32
      %mul3A_279 = arith.muli %scan3A_275, %mul3A_278 : i32
      %add3A_280 = arith.addi %mul3A_277, %mul3A_279 : i32
      %get3A = arith.index_cast %add3A_280 : i32 to index
      %get3A_281 = tpu.vector_load %arg4[%get3A] {strides = array<i32>} : memref<21504xf32, #tpu.memory_space<vmem>>, vector<16xf32>,
      %get3A_282 = vector.shape_cast %get3A_281 : vector<16xf32> to vector<16xf32>
      %mul3A_283 = arith.constant 16 : i32
      %mul3A_284 = arith.muli %scan3A_275, %mul3A_283 : i32
      %swap3A = arith.constant 0 : i32
      %swap3A_285 = arith.index_cast %swap3A : i32 to index
      %swap3A_286 = arith.index_cast %mul3A_284 : i32 to index
      %swap3A_287 = tpu.vector_load %arg6[%swap3A_285, %swap3A_286] {strides = array<i32>} : memref<32x1024xf32, #tpu.memory_space<vmem>>, vector<1x16xf32>,
      %swap3A_288 = vector.shape_cast %swap3A_287 : vector<1x16xf32> to vector<16xf32>
      %swap3A_289 = vector.shape_cast %get3A_282 : vector<16xf32> to vector<1x16xf32>
      tpu.vector_store %arg6[%swap3A_285, %swap3A_286], %swap3A_289 {strides = array<i32>} : memref<32x1024xf32, #tpu.memory_space<vmem>>, vector<1x16xf32>,
      %mul3A_290 = arith.constant 16 : i32
      %mul3A_291 = arith.muli %scan3A_275, %mul3A_290 : i32
      %swap3A_292 = arith.constant 1 : i32
      %swap3A_293 = arith.index_cast %swap3A_292 : i32 to index
      %swap3A_294 = arith.index_cast %mul3A_291 : i32 to index
      %swap3A_295 = tpu.vector_load %arg6[%swap3A_293, %swap3A_294] {strides = array<i32>} : memref<32x1024xf32, #tpu.memory_space<vmem>>, vector<1x16xf32>,
      %swap3A_296 = vector.shape_cast %swap3A_295 : vector<1x16xf32> to vector<16xf32>
      %swap3A_297 = vector.shape_cast %get3A_282 : vector<16xf32> to vector<1x16xf32>
      tpu.vector_store %arg6[%swap3A_293, %swap3A_294], %swap3A_297 {strides = array<i32>} : memref<32x1024xf32, #tpu.memory_space<vmem>>, vector<1x16xf32>,
      %mul3A_298 = arith.constant 16 : i32
      %mul3A_299 = arith.muli %scan3A_275, %mul3A_298 : i32
      %swap3A_300 = arith.constant 2 : i32
      %swap3A_301 = arith.index_cast %swap3A_300 : i32 to index
      %swap3A_302 = arith.index_cast %mul3A_299 : i32 to index
      %swap3A_303 = tpu.vector_load %arg6[%swap3A_301, %swap3A_302] {strides = array<i32>} : memref<32x1024xf32, #tpu.memory_space<vmem>>, vector<1x16xf32>,
      %swap3A_304 = vector.shape_cast %swap3A_303 : vector<1x16xf32> to vector<16xf32>
      %swap3A_305 = vector.shape_cast %get3A_282 : vector<16xf32> to vector<1x16xf32>
      tpu.vector_store %arg6[%swap3A_301, %swap3A_302], %swap3A_305 {strides = array<i32>} : memref<32x1024xf32, #tpu.memory_space<vmem>>, vector<1x16xf32>,
      %mul3A_306 = arith.constant 16 : i32
      %mul3A_307 = arith.muli %scan3A_275, %mul3A_306 : i32
      %swap3A_308 = arith.constant 3 : i32
      %swap3A_309 = arith.index_cast %swap3A_308 : i32 to index
      %swap3A_310 = arith.index_cast %mul3A_307 : i32 to index
      %swap3A_311 = tpu.vector_load %arg6[%swap3A_309, %swap3A_310] {strides = array<i32>} : memref<32x1024xf32, #tpu.memory_space<vmem>>, vector<1x16xf32>,
      %swap3A_312 = vector.shape_cast %swap3A_311 : vector<1x16xf32> to vector<16xf32>
      %swap3A_313 = vector.shape_cast %get3A_282 : vector<16xf32> to vector<1x16xf32>
      tpu.vector_store %arg6[%swap3A_309, %swap3A_310], %swap3A_313 {strides = array<i32>} : memref<32x1024xf32, #tpu.memory_space<vmem>>, vector<1x16xf32>,
      %mul3A_314 = arith.constant 16 : i32
      %mul3A_315 = arith.muli %scan3A_275, %mul3A_314 : i32
      %swap3A_316 = arith.constant 4 : i32
      %swap3A_317 = arith.index_cast %swap3A_316 : i32 to index
      %swap3A_318 = arith.index_cast %mul3A_315 : i32 to index
      %swap3A_319 = tpu.vector_load %arg6[%swap3A_317, %swap3A_318] {strides = array<i32>} : memref<32x1024xf32, #tpu.memory_space<vmem>>, vector<1x16xf32>,
      %swap3A_320 = vector.shape_cast %swap3A_319 : vector<1x16xf32> to vector<16xf32>
      %swap3A_321 = vector.shape_cast %get3A_282 : vector<16xf32> to vector<1x16xf32>
      tpu.vector_store %arg6[%swap3A_317, %swap3A_318], %swap3A_321 {strides = array<i32>} : memref<32x1024xf32, #tpu.memory_space<vmem>>, vector<1x16xf32>,
      %mul3A_322 = arith.constant 16 : i32
      %mul3A_323 = arith.muli %scan3A_275, %mul3A_322 : i32
      %swap3A_324 = arith.constant 5 : i32
      %swap3A_325 = arith.index_cast %swap3A_324 : i32 to index
      %swap3A_326 = arith.index_cast %mul3A_323 : i32 to index
      %swap3A_327 = tpu.vector_load %arg6[%swap3A_325, %swap3A_326] {strides = array<i32>} : memref<32x1024xf32, #tpu.memory_space<vmem>>, vector<1x16xf32>,
      %swap3A_328 = vector.shape_cast %swap3A_327 : vector<1x16xf32> to vector<16xf32>
      %swap3A_329 = vector.shape_cast %get3A_282 : vector<16xf32> to vector<1x16xf32>
      tpu.vector_store %arg6[%swap3A_325, %swap3A_326], %swap3A_329 {strides = array<i32>} : memref<32x1024xf32, #tpu.memory_space<vmem>>, vector<1x16xf32>,
      %mul3A_330 = arith.constant 16 : i32
      %mul3A_331 = arith.muli %scan3A_275, %mul3A_330 : i32
      %swap3A_332 = arith.constant 6 : i32
      %swap3A_333 = arith.index_cast %swap3A_332 : i32 to index
      %swap3A_334 = arith.index_cast %mul3A_331 : i32 to index
      %swap3A_335 = tpu.vector_load %arg6[%swap3A_333, %swap3A_334] {strides = array<i32>} : memref<32x1024xf32, #tpu.memory_space<vmem>>, vector<1x16xf32>,
      %swap3A_336 = vector.shape_cast %swap3A_335 : vector<1x16xf32> to vector<16xf32>
      %swap3A_337 = vector.shape_cast %get3A_282 : vector<16xf32> to vector<1x16xf32>
      tpu.vector_store %arg6[%swap3A_333, %swap3A_334], %swap3A_337 {strides = array<i32>} : memref<32x1024xf32, #tpu.memory_space<vmem>>, vector<1x16xf32>,
      %mul3A_338 = arith.constant 16 : i32
      %mul3A_339 = arith.muli %scan3A_275, %mul3A_338 : i32
      %swap3A_340 = arith.constant 7 : i32
      %swap3A_341 = arith.index_cast %swap3A_340 : i32 to index
      %swap3A_342 = arith.index_cast %mul3A_339 : i32 to index
      %swap3A_343 = tpu.vector_load %arg6[%swap3A_341, %swap3A_342] {strides = array<i32>} : memref<32x1024xf32, #tpu.memory_space<vmem>>, vector<1x16xf32>,
      %swap3A_344 = vector.shape_cast %swap3A_343 : vector<1x16xf32> to vector<16xf32>
      %swap3A_345 = vector.shape_cast %get3A_282 : vector<16xf32> to vector<1x16xf32>
      tpu.vector_store %arg6[%swap3A_341, %swap3A_342], %swap3A_345 {strides = array<i32>} : memref<32x1024xf32, #tpu.memory_space<vmem>>, vector<1x16xf32>,
      %mul3A_346 = arith.constant 16 : i32
      %mul3A_347 = arith.muli %scan3A_275, %mul3A_346 : i32
      %swap3A_348 = arith.constant 8 : i32
      %swap3A_349 = arith.index_cast %swap3A_348 : i32 to index
      %swap3A_350 = arith.index_cast %mul3A_347 : i32 to index
      %swap3A_351 = tpu.vector_load %arg6[%swap3A_349, %swap3A_350] {strides = array<i32>} : memref<32x1024xf32, #tpu.memory_space<vmem>>, vector<1x16xf32>,
      %swap3A_352 = vector.shape_cast %swap3A_351 : vector<1x16xf32> to vector<16xf32>
      %swap3A_353 = vector.shape_cast %get3A_282 : vector<16xf32> to vector<1x16xf32>
      tpu.vector_store %arg6[%swap3A_349, %swap3A_350], %swap3A_353 {strides = array<i32>} : memref<32x1024xf32, #tpu.memory_space<vmem>>, vector<1x16xf32>,
      %mul3A_354 = arith.constant 16 : i32
      %mul3A_355 = arith.muli %scan3A_275, %mul3A_354 : i32
      %swap3A_356 = arith.constant 9 : i32
      %swap3A_357 = arith.index_cast %swap3A_356 : i32 to index
      %swap3A_358 = arith.index_cast %mul3A_355 : i32 to index
      %swap3A_359 = tpu.vector_load %arg6[%swap3A_357, %swap3A_358] {strides = array<i32>} : memref<32x1024xf32, #tpu.memory_space<vmem>>, vector<1x16xf32>,
      %swap3A_360 = vector.shape_cast %swap3A_359 : vector<1x16xf32> to vector<16xf32>
      %swap3A_361 = vector.shape_cast %get3A_282 : vector<16xf32> to vector<1x16xf32>
      tpu.vector_store %arg6[%swap3A_357, %swap3A_358], %swap3A_361 {strides = array<i32>} : memref<32x1024xf32, #tpu.memory_space<vmem>>, vector<1x16xf32>,
      %mul3A_362 = arith.constant 16 : i32
      %mul3A_363 = arith.muli %scan3A_275, %mul3A_362 : i32
      %swap3A_364 = arith.constant 10 : i32
      %swap3A_365 = arith.index_cast %swap3A_364 : i32 to index
      %swap3A_366 = arith.index_cast %mul3A_363 : i32 to index
      %swap3A_367 = tpu.vector_load %arg6[%swap3A_365, %swap3A_366] {strides = array<i32>} : memref<32x1024xf32, #tpu.memory_space<vmem>>, vector<1x16xf32>,
      %swap3A_368 = vector.shape_cast %swap3A_367 : vector<1x16xf32> to vector<16xf32>
      %swap3A_369 = vector.shape_cast %get3A_282 : vector<16xf32> to vector<1x16xf32>
      tpu.vector_store %arg6[%swap3A_365, %swap3A_366], %swap3A_369 {strides = array<i32>} : memref<32x1024xf32, #tpu.memory_space<vmem>>, vector<1x16xf32>,
      %mul3A_370 = arith.constant 16 : i32
      %mul3A_371 = arith.muli %scan3A_275, %mul3A_370 : i32
      %swap3A_372 = arith.constant 11 : i32
      %swap3A_373 = arith.index_cast %swap3A_372 : i32 to index
      %swap3A_374 = arith.index_cast %mul3A_371 : i32 to index
      %swap3A_375 = tpu.vector_load %arg6[%swap3A_373, %swap3A_374] {strides = array<i32>} : memref<32x1024xf32, #tpu.memory_space<vmem>>, vector<1x16xf32>,
      %swap3A_376 = vector.shape_cast %swap3A_375 : vector<1x16xf32> to vector<16xf32>
      %swap3A_377 = vector.shape_cast %get3A_282 : vector<16xf32> to vector<1x16xf32>
      tpu.vector_store %arg6[%swap3A_373, %swap3A_374], %swap3A_377 {strides = array<i32>} : memref<32x1024xf32, #tpu.memory_space<vmem>>, vector<1x16xf32>,
      %mul3A_378 = arith.constant 16 : i32
      %mul3A_379 = arith.muli %scan3A_275, %mul3A_378 : i32
      %swap3A_380 = arith.constant 12 : i32
      %swap3A_381 = arith.index_cast %swap3A_380 : i32 to index
      %swap3A_382 = arith.index_cast %mul3A_379 : i32 to index
      %swap3A_383 = tpu.vector_load %arg6[%swap3A_381, %swap3A_382] {strides = array<i32>} : memref<32x1024xf32, #tpu.memory_space<vmem>>, vector<1x16xf32>,
      %swap3A_384 = vector.shape_cast %swap3A_383 : vector<1x16xf32> to vector<16xf32>
      %swap3A_385 = vector.shape_cast %get3A_282 : vector<16xf32> to vector<1x16xf32>
      tpu.vector_store %arg6[%swap3A_381, %swap3A_382], %swap3A_385 {strides = array<i32>} : memref<32x1024xf32, #tpu.memory_space<vmem>>, vector<1x16xf32>,
      %mul3A_386 = arith.constant 16 : i32
      %mul3A_387 = arith.muli %scan3A_275, %mul3A_386 : i32
      %swap3A_388 = arith.constant 13 : i32
      %swap3A_389 = arith.index_cast %swap3A_388 : i32 to index
      %swap3A_390 = arith.index_cast %mul3A_387 : i32 to index
      %swap3A_391 = tpu.vector_load %arg6[%swap3A_389, %swap3A_390] {strides = array<i32>} : memref<32x1024xf32, #tpu.memory_space<vmem>>, vector<1x16xf32>,
      %swap3A_392 = vector.shape_cast %swap3A_391 : vector<1x16xf32> to vector<16xf32>
      %swap3A_393 = vector.shape_cast %get3A_282 : vector<16xf32> to vector<1x16xf32>
      tpu.vector_store %arg6[%swap3A_389, %swap3A_390], %swap3A_393 {strides = array<i32>} : memref<32x1024xf32, #tpu.memory_space<vmem>>, vector<1x16xf32>,
      %mul3A_394 = arith.constant 16 : i32
      %mul3A_395 = arith.muli %scan3A_275, %mul3A_394 : i32
      %swap3A_396 = arith.constant 14 : i32
      %swap3A_397 = arith.index_cast %swap3A_396 : i32 to index
      %swap3A_398 = arith.index_cast %mul3A_395 : i32 to index
      %swap3A_399 = tpu.vector_load %arg6[%swap3A_397, %swap3A_398] {strides = array<i32>} : memref<32x1024xf32, #tpu.memory_space<vmem>>, vector<1x16xf32>,
      %swap3A_400 = vector.shape_cast %swap3A_399 : vector<1x16xf32> to vector<16xf32>
      %swap3A_401 = vector.shape_cast %get3A_282 : vector<16xf32> to vector<1x16xf32>
      tpu.vector_store %arg6[%swap3A_397, %swap3A_398], %swap3A_401 {strides = array<i32>} : memref<32x1024xf32, #tpu.memory_space<vmem>>, vector<1x16xf32>,
      %mul3A_402 = arith.constant 16 : i32
      %mul3A_403 = arith.muli %scan3A_275, %mul3A_402 : i32
      %swap3A_404 = arith.constant 15 : i32
      %swap3A_405 = arith.index_cast %swap3A_404 : i32 to index
      %swap3A_406 = arith.index_cast %mul3A_403 : i32 to index
      %swap3A_407 = tpu.vector_load %arg6[%swap3A_405, %swap3A_406] {strides = array<i32>} : memref<32x1024xf32, #tpu.memory_space<vmem>>, vector<1x16xf32>,
      %swap3A_408 = vector.shape_cast %swap3A_407 : vector<1x16xf32> to vector<16xf32>
      %swap3A_409 = vector.shape_cast %get3A_282 : vector<16xf32> to vector<1x16xf32>
      tpu.vector_store %arg6[%swap3A_405, %swap3A_406], %swap3A_409 {strides = array<i32>} : memref<32x1024xf32, #tpu.memory_space<vmem>>, vector<1x16xf32>,
      %mul3A_410 = arith.constant 16 : i32
      %mul3A_411 = arith.muli %scan3A_275, %mul3A_410 : i32
      %swap3A_412 = arith.constant 16 : i32
      %swap3A_413 = arith.index_cast %swap3A_412 : i32 to index
      %swap3A_414 = arith.index_cast %mul3A_411 : i32 to index
      %swap3A_415 = tpu.vector_load %arg6[%swap3A_413, %swap3A_414] {strides = array<i32>} : memref<32x1024xf32, #tpu.memory_space<vmem>>, vector<1x16xf32>,
      %swap3A_416 = vector.shape_cast %swap3A_415 : vector<1x16xf32> to vector<16xf32>
      %swap3A_417 = vector.shape_cast %get3A_282 : vector<16xf32> to vector<1x16xf32>
      tpu.vector_store %arg6[%swap3A_413, %swap3A_414], %swap3A_417 {strides = array<i32>} : memref<32x1024xf32, #tpu.memory_space<vmem>>, vector<1x16xf32>,
      %mul3A_418 = arith.constant 16 : i32
      %mul3A_419 = arith.muli %scan3A_275, %mul3A_418 : i32
      %swap3A_420 = arith.constant 17 : i32
      %swap3A_421 = arith.index_cast %swap3A_420 : i32 to index
      %swap3A_422 = arith.index_cast %mul3A_419 : i32 to index
      %swap3A_423 = tpu.vector_load %arg6[%swap3A_421, %swap3A_422] {strides = array<i32>} : memref<32x1024xf32, #tpu.memory_space<vmem>>, vector<1x16xf32>,
      %swap3A_424 = vector.shape_cast %swap3A_423 : vector<1x16xf32> to vector<16xf32>
      %swap3A_425 = vector.shape_cast %get3A_282 : vector<16xf32> to vector<1x16xf32>
      tpu.vector_store %arg6[%swap3A_421, %swap3A_422], %swap3A_425 {strides = array<i32>} : memref<32x1024xf32, #tpu.memory_space<vmem>>, vector<1x16xf32>,
      %mul3A_426 = arith.constant 16 : i32
      %mul3A_427 = arith.muli %scan3A_275, %mul3A_426 : i32
      %swap3A_428 = arith.constant 18 : i32
      %swap3A_429 = arith.index_cast %swap3A_428 : i32 to index
      %swap3A_430 = arith.index_cast %mul3A_427 : i32 to index
      %swap3A_431 = tpu.vector_load %arg6[%swap3A_429, %swap3A_430] {strides = array<i32>} : memref<32x1024xf32, #tpu.memory_space<vmem>>, vector<1x16xf32>,
      %swap3A_432 = vector.shape_cast %swap3A_431 : vector<1x16xf32> to vector<16xf32>
      %swap3A_433 = vector.shape_cast %get3A_282 : vector<16xf32> to vector<1x16xf32>
      tpu.vector_store %arg6[%swap3A_429, %swap3A_430], %swap3A_433 {strides = array<i32>} : memref<32x1024xf32, #tpu.memory_space<vmem>>, vector<1x16xf32>,
      %mul3A_434 = arith.constant 16 : i32
      %mul3A_435 = arith.muli %scan3A_275, %mul3A_434 : i32
      %swap3A_436 = arith.constant 19 : i32
      %swap3A_437 = arith.index_cast %swap3A_436 : i32 to index
      %swap3A_438 = arith.index_cast %mul3A_435 : i32 to index
      %swap3A_439 = tpu.vector_load %arg6[%swap3A_437, %swap3A_438] {strides = array<i32>} : memref<32x1024xf32, #tpu.memory_space<vmem>>, vector<1x16xf32>,
      %swap3A_440 = vector.shape_cast %swap3A_439 : vector<1x16xf32> to vector<16xf32>
      %swap3A_441 = vector.shape_cast %get3A_282 : vector<16xf32> to vector<1x16xf32>
      tpu.vector_store %arg6[%swap3A_437, %swap3A_438], %swap3A_441 {strides = array<i32>} : memref<32x1024xf32, #tpu.memory_space<vmem>>, vector<1x16xf32>,
      %mul3A_442 = arith.constant 16 : i32
      %mul3A_443 = arith.muli %scan3A_275, %mul3A_442 : i32
      %swap3A_444 = arith.constant 20 : i32
      %swap3A_445 = arith.index_cast %swap3A_444 : i32 to index
      %swap3A_446 = arith.index_cast %mul3A_443 : i32 to index
      %swap3A_447 = tpu.vector_load %arg6[%swap3A_445, %swap3A_446] {strides = array<i32>} : memref<32x1024xf32, #tpu.memory_space<vmem>>, vector<1x16xf32>,
      %swap3A_448 = vector.shape_cast %swap3A_447 : vector<1x16xf32> to vector<16xf32>
      %swap3A_449 = vector.shape_cast %get3A_282 : vector<16xf32> to vector<1x16xf32>
      tpu.vector_store %arg6[%swap3A_445, %swap3A_446], %swap3A_449 {strides = array<i32>} : memref<32x1024xf32, #tpu.memory_space<vmem>>, vector<1x16xf32>,
      %mul3A_450 = arith.constant 16 : i32
      %mul3A_451 = arith.muli %scan3A_275, %mul3A_450 : i32
      %swap3A_452 = arith.constant 21 : i32
      %swap3A_453 = arith.index_cast %swap3A_452 : i32 to index
      %swap3A_454 = arith.index_cast %mul3A_451 : i32 to index
      %swap3A_455 = tpu.vector_load %arg6[%swap3A_453, %swap3A_454] {strides = array<i32>} : memref<32x1024xf32, #tpu.memory_space<vmem>>, vector<1x16xf32>,
      %swap3A_456 = vector.shape_cast %swap3A_455 : vector<1x16xf32> to vector<16xf32>
      %swap3A_457 = vector.shape_cast %get3A_282 : vector<16xf32> to vector<1x16xf32>
      tpu.vector_store %arg6[%swap3A_453, %swap3A_454], %swap3A_457 {strides = array<i32>} : memref<32x1024xf32, #tpu.memory_space<vmem>>, vector<1x16xf32>,
      %mul3A_458 = arith.constant 16 : i32
      %mul3A_459 = arith.muli %scan3A_275, %mul3A_458 : i32
      %swap3A_460 = arith.constant 22 : i32
      %swap3A_461 = arith.index_cast %swap3A_460 : i32 to index
      %swap3A_462 = arith.index_cast %mul3A_459 : i32 to index
      %swap3A_463 = tpu.vector_load %arg6[%swap3A_461, %swap3A_462] {strides = array<i32>} : memref<32x1024xf32, #tpu.memory_space<vmem>>, vector<1x16xf32>,
      %swap3A_464 = vector.shape_cast %swap3A_463 : vector<1x16xf32> to vector<16xf32>
      %swap3A_465 = vector.shape_cast %get3A_282 : vector<16xf32> to vector<1x16xf32>
      tpu.vector_store %arg6[%swap3A_461, %swap3A_462], %swap3A_465 {strides = array<i32>} : memref<32x1024xf32, #tpu.memory_space<vmem>>, vector<1x16xf32>,
      %mul3A_466 = arith.constant 16 : i32
      %mul3A_467 = arith.muli %scan3A_275, %mul3A_466 : i32
      %swap3A_468 = arith.constant 23 : i32
      %swap3A_469 = arith.index_cast %swap3A_468 : i32 to index
      %swap3A_470 = arith.index_cast %mul3A_467 : i32 to index
      %swap3A_471 = tpu.vector_load %arg6[%swap3A_469, %swap3A_470] {strides = array<i32>} : memref<32x1024xf32, #tpu.memory_space<vmem>>, vector<1x16xf32>,
      %swap3A_472 = vector.shape_cast %swap3A_471 : vector<1x16xf32> to vector<16xf32>
      %swap3A_473 = vector.shape_cast %get3A_282 : vector<16xf32> to vector<1x16xf32>
      tpu.vector_store %arg6[%swap3A_469, %swap3A_470], %swap3A_473 {strides = array<i32>} : memref<32x1024xf32, #tpu.memory_space<vmem>>, vector<1x16xf32>,
      %mul3A_474 = arith.constant 16 : i32
      %mul3A_475 = arith.muli %scan3A_275, %mul3A_474 : i32
      %swap3A_476 = arith.constant 24 : i32
      %swap3A_477 = arith.index_cast %swap3A_476 : i32 to index
      %swap3A_478 = arith.index_cast %mul3A_475 : i32 to index
      %swap3A_479 = tpu.vector_load %arg6[%swap3A_477, %swap3A_478] {strides = array<i32>} : memref<32x1024xf32, #tpu.memory_space<vmem>>, vector<1x16xf32>,
      %swap3A_480 = vector.shape_cast %swap3A_479 : vector<1x16xf32> to vector<16xf32>
      %swap3A_481 = vector.shape_cast %get3A_282 : vector<16xf32> to vector<1x16xf32>
      tpu.vector_store %arg6[%swap3A_477, %swap3A_478], %swap3A_481 {strides = array<i32>} : memref<32x1024xf32, #tpu.memory_space<vmem>>, vector<1x16xf32>,
      %mul3A_482 = arith.constant 16 : i32
      %mul3A_483 = arith.muli %scan3A_275, %mul3A_482 : i32
      %swap3A_484 = arith.constant 25 : i32
      %swap3A_485 = arith.index_cast %swap3A_484 : i32 to index
      %swap3A_486 = arith.index_cast %mul3A_483 : i32 to index
      %swap3A_487 = tpu.vector_load %arg6[%swap3A_485, %swap3A_486] {strides = array<i32>} : memref<32x1024xf32, #tpu.memory_space<vmem>>, vector<1x16xf32>,
      %swap3A_488 = vector.shape_cast %swap3A_487 : vector<1x16xf32> to vector<16xf32>
      %swap3A_489 = vector.shape_cast %get3A_282 : vector<16xf32> to vector<1x16xf32>
      tpu.vector_store %arg6[%swap3A_485, %swap3A_486], %swap3A_489 {strides = array<i32>} : memref<32x1024xf32, #tpu.memory_space<vmem>>, vector<1x16xf32>,
      %mul3A_490 = arith.constant 16 : i32
      %mul3A_491 = arith.muli %scan3A_275, %mul3A_490 : i32
      %swap3A_492 = arith.constant 26 : i32
      %swap3A_493 = arith.index_cast %swap3A_492 : i32 to index
      %swap3A_494 = arith.index_cast %mul3A_491 : i32 to index
      %swap3A_495 = tpu.vector_load %arg6[%swap3A_493, %swap3A_494] {strides = array<i32>} : memref<32x1024xf32, #tpu.memory_space<vmem>>, vector<1x16xf32>,
      %swap3A_496 = vector.shape_cast %swap3A_495 : vector<1x16xf32> to vector<16xf32>
      %swap3A_497 = vector.shape_cast %get3A_282 : vector<16xf32> to vector<1x16xf32>
      tpu.vector_store %arg6[%swap3A_493, %swap3A_494], %swap3A_497 {strides = array<i32>} : memref<32x1024xf32, #tpu.memory_space<vmem>>, vector<1x16xf32>,
      %mul3A_498 = arith.constant 16 : i32
      %mul3A_499 = arith.muli %scan3A_275, %mul3A_498 : i32
      %swap3A_500 = arith.constant 27 : i32
      %swap3A_501 = arith.index_cast %swap3A_500 : i32 to index
      %swap3A_502 = arith.index_cast %mul3A_499 : i32 to index
      %swap3A_503 = tpu.vector_load %arg6[%swap3A_501, %swap3A_502] {strides = array<i32>} : memref<32x1024xf32, #tpu.memory_space<vmem>>, vector<1x16xf32>,
      %swap3A_504 = vector.shape_cast %swap3A_503 : vector<1x16xf32> to vector<16xf32>
      %swap3A_505 = vector.shape_cast %get3A_282 : vector<16xf32> to vector<1x16xf32>
      tpu.vector_store %arg6[%swap3A_501, %swap3A_502], %swap3A_505 {strides = array<i32>} : memref<32x1024xf32, #tpu.memory_space<vmem>>, vector<1x16xf32>,
      %mul3A_506 = arith.constant 16 : i32
      %mul3A_507 = arith.muli %scan3A_275, %mul3A_506 : i32
      %swap3A_508 = arith.constant 28 : i32
      %swap3A_509 = arith.index_cast %swap3A_508 : i32 to index
      %swap3A_510 = arith.index_cast %mul3A_507 : i32 to index
      %swap3A_511 = tpu.vector_load %arg6[%swap3A_509, %swap3A_510] {strides = array<i32>} : memref<32x1024xf32, #tpu.memory_space<vmem>>, vector<1x16xf32>,
      %swap3A_512 = vector.shape_cast %swap3A_511 : vector<1x16xf32> to vector<16xf32>
      %swap3A_513 = vector.shape_cast %get3A_282 : vector<16xf32> to vector<1x16xf32>
      tpu.vector_store %arg6[%swap3A_509, %swap3A_510], %swap3A_513 {strides = array<i32>} : memref<32x1024xf32, #tpu.memory_space<vmem>>, vector<1x16xf32>,
      %mul3A_514 = arith.constant 16 : i32
      %mul3A_515 = arith.muli %scan3A_275, %mul3A_514 : i32
      %swap3A_516 = arith.constant 29 : i32
      %swap3A_517 = arith.index_cast %swap3A_516 : i32 to index
      %swap3A_518 = arith.index_cast %mul3A_515 : i32 to index
      %swap3A_519 = tpu.vector_load %arg6[%swap3A_517, %swap3A_518] {strides = array<i32>} : memref<32x1024xf32, #tpu.memory_space<vmem>>, vector<1x16xf32>,
      %swap3A_520 = vector.shape_cast %swap3A_519 : vector<1x16xf32> to vector<16xf32>
      %swap3A_521 = vector.shape_cast %get3A_282 : vector<16xf32> to vector<1x16xf32>
      tpu.vector_store %arg6[%swap3A_517, %swap3A_518], %swap3A_521 {strides = array<i32>} : memref<32x1024xf32, #tpu.memory_space<vmem>>, vector<1x16xf32>,
      %mul3A_522 = arith.constant 16 : i32
      %mul3A_523 = arith.muli %scan3A_275, %mul3A_522 : i32
      %swap3A_524 = arith.constant 30 : i32
      %swap3A_525 = arith.index_cast %swap3A_524 : i32 to index
      %swap3A_526 = arith.index_cast %mul3A_523 : i32 to index
      %swap3A_527 = tpu.vector_load %arg6[%swap3A_525, %swap3A_526] {strides = array<i32>} : memref<32x1024xf32, #tpu.memory_space<vmem>>, vector<1x16xf32>,
      %swap3A_528 = vector.shape_cast %swap3A_527 : vector<1x16xf32> to vector<16xf32>
      %swap3A_529 = vector.shape_cast %get3A_282 : vector<16xf32> to vector<1x16xf32>
      tpu.vector_store %arg6[%swap3A_525, %swap3A_526], %swap3A_529 {strides = array<i32>} : memref<32x1024xf32, #tpu.memory_space<vmem>>, vector<1x16xf32>,
      %mul3A_530 = arith.constant 16 : i32
      %mul3A_531 = arith.muli %scan3A_275, %mul3A_530 : i32
      %swap3A_532 = arith.constant 31 : i32
      %swap3A_533 = arith.index_cast %swap3A_532 : i32 to index
      %swap3A_534 = arith.index_cast %mul3A_531 : i32 to index
      %swap3A_535 = tpu.vector_load %arg6[%swap3A_533, %swap3A_534] {strides = array<i32>} : memref<32x1024xf32, #tpu.memory_space<vmem>>, vector<1x16xf32>,
      %swap3A_536 = vector.shape_cast %swap3A_535 : vector<1x16xf32> to vector<16xf32>
      %swap3A_537 = vector.shape_cast %get3A_282 : vector<16xf32> to vector<1x16xf32>
      tpu.vector_store %arg6[%swap3A_533, %swap3A_534], %swap3A_537 {strides = array<i32>} : memref<32x1024xf32, #tpu.memory_space<vmem>>, vector<1x16xf32>,
    }
    %scan3A_14 = arith.constant 64 : i32
    %le3A = arith.constant 4104 : i32
    %le3A_15 = arith.cmpi sle, %mul3A_2, %le3A : i32
    %add3A_16 = arith.constant 256 : i32
    %add3A_17 = arith.addi %mul3A_2, %add3A_16 : i32
    %sub3A_18 = arith.constant 1 : i32
    %sub3A_19 = arith.subi %add3A_17, %sub3A_18 : i32
    %ge3A = arith.constant 4086 : i32
    %ge3A_20 = arith.cmpi sge, %sub3A_19, %ge3A : i32
    %and3A = arith.andi %le3A_15, %ge3A_20 : i1
    %jit3A_21 = arith.constant 127 : i32
    %jit3A_22 = arith.constant 128 : i32
    %select_n3A_23 = arith.select %lt3A_3, %jit3A_21, %jit3A_22 : i32
    %convert_element_type3A = arith.extui %and3A : i1 to i32
    %cond3A = arith.constant 0 : i32
    %cond3A_24 = arith.cmpi ne, %convert_element_type3A, %cond3A : i32
    scf.if %cond3A_24 {
      %mul3A_275 = arith.constant 32 : i32
      %mul3A_276 = arith.muli %select_n3A_23, %mul3A_275 : i32
      %add3A_277 = arith.constant 0 : i32
      %add3A_278 = arith.addi %mul3A_276, %add3A_277 : i32
      %sub3A_279 = arith.constant 4085 : i32
      %sub3A_280 = arith.subi %add3A_278, %sub3A_279 : i32
      %jit3A_281 = arith.constant 0 : i32
      %jit3A_282 = arith.constant 20 : i32
      %max3A_283 = arith.maxsi %jit3A_281, %sub3A_280 : i32
      %min3A_284 = arith.minsi %jit3A_282, %max3A_283 : i32
      %scan3A_285 = arith.constant 0 : i32
      %scan3A_286 = arith.constant 0 : i32
      %scan3A_287 = arith.constant 64 : i32
      %scan3A_288 = arith.addi %scan3A_286, %scan3A_287 : i32
      %scan3A_289 = arith.constant 1 : i32
      scf.for %scan3A_725 = %scan3A_286 to %scan3A_288 step %scan3A_289  : i32 {
        %mul3A_726 = arith.constant 1024 : i32
        %mul3A_727 = arith.muli %min3A_284, %mul3A_726 : i32
        %mul3A_728 = arith.constant 16 : i32
        %mul3A_729 = arith.muli %scan3A_725, %mul3A_728 : i32
        %add3A_730 = arith.addi %mul3A_727, %mul3A_729 : i32
        %get3A = arith.index_cast %add3A_730 : i32 to index
        %get3A_731 = tpu.vector_load %arg4[%get3A] {strides = array<i32>} : memref<21504xf32, #tpu.memory_space<vmem>>, vector<16xf32>,
        %get3A_732 = vector.shape_cast %get3A_731 : vector<16xf32> to vector<16xf32>
        %mul3A_733 = arith.constant 16 : i32
        %mul3A_734 = arith.muli %scan3A_725, %mul3A_733 : i32
        %swap3A = arith.constant 0 : i32
        %swap3A_735 = arith.index_cast %swap3A : i32 to index
        %swap3A_736 = arith.index_cast %mul3A_734 : i32 to index
        %swap3A_737 = tpu.vector_load %arg7[%swap3A_735, %swap3A_736] {strides = array<i32>} : memref<32x1024xf32, #tpu.memory_space<vmem>>, vector<1x16xf32>,
        %swap3A_738 = vector.shape_cast %swap3A_737 : vector<1x16xf32> to vector<16xf32>
        %swap3A_739 = vector.shape_cast %get3A_732 : vector<16xf32> to vector<1x16xf32>
        tpu.vector_store %arg7[%swap3A_735, %swap3A_736], %swap3A_739 {strides = array<i32>} : memref<32x1024xf32, #tpu.memory_space<vmem>>, vector<1x16xf32>,
      }
      %scan3A_290 = arith.constant 64 : i32
      %add3A_291 = arith.constant 1 : i32
      %add3A_292 = arith.addi %mul3A_276, %add3A_291 : i32
      %sub3A_293 = arith.constant 4085 : i32
      %sub3A_294 = arith.subi %add3A_292, %sub3A_293 : i32
      %jit3A_295 = arith.constant 0 : i32
      %jit3A_296 = arith.constant 20 : i32
      %max3A_297 = arith.maxsi %jit3A_295, %sub3A_294 : i32
      %min3A_298 = arith.minsi %jit3A_296, %max3A_297 : i32
      %scan3A_299 = arith.constant 0 : i32
      %scan3A_300 = arith.constant 0 : i32
      %scan3A_301 = arith.constant 64 : i32
      %scan3A_302 = arith.addi %scan3A_300, %scan3A_301 : i32
      %scan3A_303 = arith.constant 1 : i32
      scf.for %scan3A_725 = %scan3A_300 to %scan3A_302 step %scan3A_303  : i32 {
        %mul3A_726 = arith.constant 1024 : i32
        %mul3A_727 = arith.muli %min3A_298, %mul3A_726 : i32
        %mul3A_728 = arith.constant 16 : i32
        %mul3A_729 = arith.muli %scan3A_725, %mul3A_728 : i32
        %add3A_730 = arith.addi %mul3A_727, %mul3A_729 : i32
        %get3A = arith.index_cast %add3A_730 : i32 to index
        %get3A_731 = tpu.vector_load %arg4[%get3A] {strides = array<i32>} : memref<21504xf32, #tpu.memory_space<vmem>>, vector<16xf32>,
        %get3A_732 = vector.shape_cast %get3A_731 : vector<16xf32> to vector<16xf32>
        %mul3A_733 = arith.constant 16 : i32
        %mul3A_734 = arith.muli %scan3A_725, %mul3A_733 : i32
        %swap3A = arith.constant 1 : i32
        %swap3A_735 = arith.index_cast %swap3A : i32 to index
        %swap3A_736 = arith.index_cast %mul3A_734 : i32 to index
        %swap3A_737 = tpu.vector_load %arg7[%swap3A_735, %swap3A_736] {strides = array<i32>} : memref<32x1024xf32, #tpu.memory_space<vmem>>, vector<1x16xf32>,
        %swap3A_738 = vector.shape_cast %swap3A_737 : vector<1x16xf32> to vector<16xf32>
        %swap3A_739 = vector.shape_cast %get3A_732 : vector<16xf32> to vector<1x16xf32>
        tpu.vector_store %arg7[%swap3A_735, %swap3A_736], %swap3A_739 {strides = array<i32>} : memref<32x1024xf32, #tpu.memory_space<vmem>>, vector<1x16xf32>,
      }
      %scan3A_304 = arith.constant 64 : i32
      %add3A_305 = arith.constant 2 : i32
      %add3A_306 = arith.addi %mul3A_276, %add3A_305 : i32
      %sub3A_307 = arith.constant 4085 : i32
      %sub3A_308 = arith.subi %add3A_306, %sub3A_307 : i32
      %jit3A_309 = arith.constant 0 : i32
      %jit3A_310 = arith.constant 20 : i32
      %max3A_311 = arith.maxsi %jit3A_309, %sub3A_308 : i32
      %min3A_312 = arith.minsi %jit3A_310, %max3A_311 : i32
      %scan3A_313 = arith.constant 0 : i32
      %scan3A_314 = arith.constant 0 : i32
      %scan3A_315 = arith.constant 64 : i32
      %scan3A_316 = arith.addi %scan3A_314, %scan3A_315 : i32
      %scan3A_317 = arith.constant 1 : i32
      scf.for %scan3A_725 = %scan3A_314 to %scan3A_316 step %scan3A_317  : i32 {
        %mul3A_726 = arith.constant 1024 : i32
        %mul3A_727 = arith.muli %min3A_312, %mul3A_726 : i32
        %mul3A_728 = arith.constant 16 : i32
        %mul3A_729 = arith.muli %scan3A_725, %mul3A_728 : i32
        %add3A_730 = arith.addi %mul3A_727, %mul3A_729 : i32
        %get3A = arith.index_cast %add3A_730 : i32 to index
        %get3A_731 = tpu.vector_load %arg4[%get3A] {strides = array<i32>} : memref<21504xf32, #tpu.memory_space<vmem>>, vector<16xf32>,
        %get3A_732 = vector.shape_cast %get3A_731 : vector<16xf32> to vector<16xf32>
        %mul3A_733 = arith.constant 16 : i32
        %mul3A_734 = arith.muli %scan3A_725, %mul3A_733 : i32
        %swap3A = arith.constant 2 : i32
        %swap3A_735 = arith.index_cast %swap3A : i32 to index
        %swap3A_736 = arith.index_cast %mul3A_734 : i32 to index
        %swap3A_737 = tpu.vector_load %arg7[%swap3A_735, %swap3A_736] {strides = array<i32>} : memref<32x1024xf32, #tpu.memory_space<vmem>>, vector<1x16xf32>,
        %swap3A_738 = vector.shape_cast %swap3A_737 : vector<1x16xf32> to vector<16xf32>
        %swap3A_739 = vector.shape_cast %get3A_732 : vector<16xf32> to vector<1x16xf32>
        tpu.vector_store %arg7[%swap3A_735, %swap3A_736], %swap3A_739 {strides = array<i32>} : memref<32x1024xf32, #tpu.memory_space<vmem>>, vector<1x16xf32>,
      }
      %scan3A_318 = arith.constant 64 : i32
      %add3A_319 = arith.constant 3 : i32
      %add3A_320 = arith.addi %mul3A_276, %add3A_319 : i32
      %sub3A_321 = arith.constant 4085 : i32
      %sub3A_322 = arith.subi %add3A_320, %sub3A_321 : i32
      %jit3A_323 = arith.constant 0 : i32
      %jit3A_324 = arith.constant 20 : i32
      %max3A_325 = arith.maxsi %jit3A_323, %sub3A_322 : i32
      %min3A_326 = arith.minsi %jit3A_324, %max3A_325 : i32
      %scan3A_327 = arith.constant 0 : i32
      %scan3A_328 = arith.constant 0 : i32
      %scan3A_329 = arith.constant 64 : i32
      %scan3A_330 = arith.addi %scan3A_328, %scan3A_329 : i32
      %scan3A_331 = arith.constant 1 : i32
      scf.for %scan3A_725 = %scan3A_328 to %scan3A_330 step %scan3A_331  : i32 {
        %mul3A_726 = arith.constant 1024 : i32
        %mul3A_727 = arith.muli %min3A_326, %mul3A_726 : i32
        %mul3A_728 = arith.constant 16 : i32
        %mul3A_729 = arith.muli %scan3A_725, %mul3A_728 : i32
        %add3A_730 = arith.addi %mul3A_727, %mul3A_729 : i32
        %get3A = arith.index_cast %add3A_730 : i32 to index
        %get3A_731 = tpu.vector_load %arg4[%get3A] {strides = array<i32>} : memref<21504xf32, #tpu.memory_space<vmem>>, vector<16xf32>,
        %get3A_732 = vector.shape_cast %get3A_731 : vector<16xf32> to vector<16xf32>
        %mul3A_733 = arith.constant 16 : i32
        %mul3A_734 = arith.muli %scan3A_725, %mul3A_733 : i32
        %swap3A = arith.constant 3 : i32
        %swap3A_735 = arith.index_cast %swap3A : i32 to index
        %swap3A_736 = arith.index_cast %mul3A_734 : i32 to index
        %swap3A_737 = tpu.vector_load %arg7[%swap3A_735, %swap3A_736] {strides = array<i32>} : memref<32x1024xf32, #tpu.memory_space<vmem>>, vector<1x16xf32>,
        %swap3A_738 = vector.shape_cast %swap3A_737 : vector<1x16xf32> to vector<16xf32>
        %swap3A_739 = vector.shape_cast %get3A_732 : vector<16xf32> to vector<1x16xf32>
        tpu.vector_store %arg7[%swap3A_735, %swap3A_736], %swap3A_739 {strides = array<i32>} : memref<32x1024xf32, #tpu.memory_space<vmem>>, vector<1x16xf32>,
      }
      %scan3A_332 = arith.constant 64 : i32
      %add3A_333 = arith.constant 4 : i32
      %add3A_334 = arith.addi %mul3A_276, %add3A_333 : i32
      %sub3A_335 = arith.constant 4085 : i32
      %sub3A_336 = arith.subi %add3A_334, %sub3A_335 : i32
      %jit3A_337 = arith.constant 0 : i32
      %jit3A_338 = arith.constant 20 : i32
      %max3A_339 = arith.maxsi %jit3A_337, %sub3A_336 : i32
      %min3A_340 = arith.minsi %jit3A_338, %max3A_339 : i32
      %scan3A_341 = arith.constant 0 : i32
      %scan3A_342 = arith.constant 0 : i32
      %scan3A_343 = arith.constant 64 : i32
      %scan3A_344 = arith.addi %scan3A_342, %scan3A_343 : i32
      %scan3A_345 = arith.constant 1 : i32
      scf.for %scan3A_725 = %scan3A_342 to %scan3A_344 step %scan3A_345  : i32 {
        %mul3A_726 = arith.constant 1024 : i32
        %mul3A_727 = arith.muli %min3A_340, %mul3A_726 : i32
        %mul3A_728 = arith.constant 16 : i32
        %mul3A_729 = arith.muli %scan3A_725, %mul3A_728 : i32
        %add3A_730 = arith.addi %mul3A_727, %mul3A_729 : i32
        %get3A = arith.index_cast %add3A_730 : i32 to index
        %get3A_731 = tpu.vector_load %arg4[%get3A] {strides = array<i32>} : memref<21504xf32, #tpu.memory_space<vmem>>, vector<16xf32>,
        %get3A_732 = vector.shape_cast %get3A_731 : vector<16xf32> to vector<16xf32>
        %mul3A_733 = arith.constant 16 : i32
        %mul3A_734 = arith.muli %scan3A_725, %mul3A_733 : i32
        %swap3A = arith.constant 4 : i32
        %swap3A_735 = arith.index_cast %swap3A : i32 to index
        %swap3A_736 = arith.index_cast %mul3A_734 : i32 to index
        %swap3A_737 = tpu.vector_load %arg7[%swap3A_735, %swap3A_736] {strides = array<i32>} : memref<32x1024xf32, #tpu.memory_space<vmem>>, vector<1x16xf32>,
        %swap3A_738 = vector.shape_cast %swap3A_737 : vector<1x16xf32> to vector<16xf32>
        %swap3A_739 = vector.shape_cast %get3A_732 : vector<16xf32> to vector<1x16xf32>
        tpu.vector_store %arg7[%swap3A_735, %swap3A_736], %swap3A_739 {strides = array<i32>} : memref<32x1024xf32, #tpu.memory_space<vmem>>, vector<1x16xf32>,
      }
      %scan3A_346 = arith.constant 64 : i32
      %add3A_347 = arith.constant 5 : i32
      %add3A_348 = arith.addi %mul3A_276, %add3A_347 : i32
      %sub3A_349 = arith.constant 4085 : i32
      %sub3A_350 = arith.subi %add3A_348, %sub3A_349 : i32
      %jit3A_351 = arith.constant 0 : i32
      %jit3A_352 = arith.constant 20 : i32
      %max3A_353 = arith.maxsi %jit3A_351, %sub3A_350 : i32
      %min3A_354 = arith.minsi %jit3A_352, %max3A_353 : i32
      %scan3A_355 = arith.constant 0 : i32
      %scan3A_356 = arith.constant 0 : i32
      %scan3A_357 = arith.constant 64 : i32
      %scan3A_358 = arith.addi %scan3A_356, %scan3A_357 : i32
      %scan3A_359 = arith.constant 1 : i32
      scf.for %scan3A_725 = %scan3A_356 to %scan3A_358 step %scan3A_359  : i32 {
        %mul3A_726 = arith.constant 1024 : i32
        %mul3A_727 = arith.muli %min3A_354, %mul3A_726 : i32
        %mul3A_728 = arith.constant 16 : i32
        %mul3A_729 = arith.muli %scan3A_725, %mul3A_728 : i32
        %add3A_730 = arith.addi %mul3A_727, %mul3A_729 : i32
        %get3A = arith.index_cast %add3A_730 : i32 to index
        %get3A_731 = tpu.vector_load %arg4[%get3A] {strides = array<i32>} : memref<21504xf32, #tpu.memory_space<vmem>>, vector<16xf32>,
        %get3A_732 = vector.shape_cast %get3A_731 : vector<16xf32> to vector<16xf32>
        %mul3A_733 = arith.constant 16 : i32
        %mul3A_734 = arith.muli %scan3A_725, %mul3A_733 : i32
        %swap3A = arith.constant 5 : i32
        %swap3A_735 = arith.index_cast %swap3A : i32 to index
        %swap3A_736 = arith.index_cast %mul3A_734 : i32 to index
        %swap3A_737 = tpu.vector_load %arg7[%swap3A_735, %swap3A_736] {strides = array<i32>} : memref<32x1024xf32, #tpu.memory_space<vmem>>, vector<1x16xf32>,
        %swap3A_738 = vector.shape_cast %swap3A_737 : vector<1x16xf32> to vector<16xf32>
        %swap3A_739 = vector.shape_cast %get3A_732 : vector<16xf32> to vector<1x16xf32>
        tpu.vector_store %arg7[%swap3A_735, %swap3A_736], %swap3A_739 {strides = array<i32>} : memref<32x1024xf32, #tpu.memory_space<vmem>>, vector<1x16xf32>,
      }
      %scan3A_360 = arith.constant 64 : i32
      %add3A_361 = arith.constant 6 : i32
      %add3A_362 = arith.addi %mul3A_276, %add3A_361 : i32
      %sub3A_363 = arith.constant 4085 : i32
      %sub3A_364 = arith.subi %add3A_362, %sub3A_363 : i32
      %jit3A_365 = arith.constant 0 : i32
      %jit3A_366 = arith.constant 20 : i32
      %max3A_367 = arith.maxsi %jit3A_365, %sub3A_364 : i32
      %min3A_368 = arith.minsi %jit3A_366, %max3A_367 : i32
      %scan3A_369 = arith.constant 0 : i32
      %scan3A_370 = arith.constant 0 : i32
      %scan3A_371 = arith.constant 64 : i32
      %scan3A_372 = arith.addi %scan3A_370, %scan3A_371 : i32
      %scan3A_373 = arith.constant 1 : i32
      scf.for %scan3A_725 = %scan3A_370 to %scan3A_372 step %scan3A_373  : i32 {
        %mul3A_726 = arith.constant 1024 : i32
        %mul3A_727 = arith.muli %min3A_368, %mul3A_726 : i32
        %mul3A_728 = arith.constant 16 : i32
        %mul3A_729 = arith.muli %scan3A_725, %mul3A_728 : i32
        %add3A_730 = arith.addi %mul3A_727, %mul3A_729 : i32
        %get3A = arith.index_cast %add3A_730 : i32 to index
        %get3A_731 = tpu.vector_load %arg4[%get3A] {strides = array<i32>} : memref<21504xf32, #tpu.memory_space<vmem>>, vector<16xf32>,
        %get3A_732 = vector.shape_cast %get3A_731 : vector<16xf32> to vector<16xf32>
        %mul3A_733 = arith.constant 16 : i32
        %mul3A_734 = arith.muli %scan3A_725, %mul3A_733 : i32
        %swap3A = arith.constant 6 : i32
        %swap3A_735 = arith.index_cast %swap3A : i32 to index
        %swap3A_736 = arith.index_cast %mul3A_734 : i32 to index
        %swap3A_737 = tpu.vector_load %arg7[%swap3A_735, %swap3A_736] {strides = array<i32>} : memref<32x1024xf32, #tpu.memory_space<vmem>>, vector<1x16xf32>,
        %swap3A_738 = vector.shape_cast %swap3A_737 : vector<1x16xf32> to vector<16xf32>
        %swap3A_739 = vector.shape_cast %get3A_732 : vector<16xf32> to vector<1x16xf32>
        tpu.vector_store %arg7[%swap3A_735, %swap3A_736], %swap3A_739 {strides = array<i32>} : memref<32x1024xf32, #tpu.memory_space<vmem>>, vector<1x16xf32>,
      }
      %scan3A_374 = arith.constant 64 : i32
      %add3A_375 = arith.constant 7 : i32
      %add3A_376 = arith.addi %mul3A_276, %add3A_375 : i32
      %sub3A_377 = arith.constant 4085 : i32
      %sub3A_378 = arith.subi %add3A_376, %sub3A_377 : i32
      %jit3A_379 = arith.constant 0 : i32
      %jit3A_380 = arith.constant 20 : i32
      %max3A_381 = arith.maxsi %jit3A_379, %sub3A_378 : i32
      %min3A_382 = arith.minsi %jit3A_380, %max3A_381 : i32
      %scan3A_383 = arith.constant 0 : i32
      %scan3A_384 = arith.constant 0 : i32
      %scan3A_385 = arith.constant 64 : i32
      %scan3A_386 = arith.addi %scan3A_384, %scan3A_385 : i32
      %scan3A_387 = arith.constant 1 : i32
      scf.for %scan3A_725 = %scan3A_384 to %scan3A_386 step %scan3A_387  : i32 {
        %mul3A_726 = arith.constant 1024 : i32
        %mul3A_727 = arith.muli %min3A_382, %mul3A_726 : i32
        %mul3A_728 = arith.constant 16 : i32
        %mul3A_729 = arith.muli %scan3A_725, %mul3A_728 : i32
        %add3A_730 = arith.addi %mul3A_727, %mul3A_729 : i32
        %get3A = arith.index_cast %add3A_730 : i32 to index
        %get3A_731 = tpu.vector_load %arg4[%get3A] {strides = array<i32>} : memref<21504xf32, #tpu.memory_space<vmem>>, vector<16xf32>,
        %get3A_732 = vector.shape_cast %get3A_731 : vector<16xf32> to vector<16xf32>
        %mul3A_733 = arith.constant 16 : i32
        %mul3A_734 = arith.muli %scan3A_725, %mul3A_733 : i32
        %swap3A = arith.constant 7 : i32
        %swap3A_735 = arith.index_cast %swap3A : i32 to index
        %swap3A_736 = arith.index_cast %mul3A_734 : i32 to index
        %swap3A_737 = tpu.vector_load %arg7[%swap3A_735, %swap3A_736] {strides = array<i32>} : memref<32x1024xf32, #tpu.memory_space<vmem>>, vector<1x16xf32>,
        %swap3A_738 = vector.shape_cast %swap3A_737 : vector<1x16xf32> to vector<16xf32>
        %swap3A_739 = vector.shape_cast %get3A_732 : vector<16xf32> to vector<1x16xf32>
        tpu.vector_store %arg7[%swap3A_735, %swap3A_736], %swap3A_739 {strides = array<i32>} : memref<32x1024xf32, #tpu.memory_space<vmem>>, vector<1x16xf32>,
      }
      %scan3A_388 = arith.constant 64 : i32
      %add3A_389 = arith.constant 8 : i32
      %add3A_390 = arith.addi %mul3A_276, %add3A_389 : i32
      %sub3A_391 = arith.constant 4085 : i32
      %sub3A_392 = arith.subi %add3A_390, %sub3A_391 : i32
      %jit3A_393 = arith.constant 0 : i32
      %jit3A_394 = arith.constant 20 : i32
      %max3A_395 = arith.maxsi %jit3A_393, %sub3A_392 : i32
      %min3A_396 = arith.minsi %jit3A_394, %max3A_395 : i32
      %scan3A_397 = arith.constant 0 : i32
      %scan3A_398 = arith.constant 0 : i32
      %scan3A_399 = arith.constant 64 : i32
      %scan3A_400 = arith.addi %scan3A_398, %scan3A_399 : i32
      %scan3A_401 = arith.constant 1 : i32
      scf.for %scan3A_725 = %scan3A_398 to %scan3A_400 step %scan3A_401  : i32 {
        %mul3A_726 = arith.constant 1024 : i32
        %mul3A_727 = arith.muli %min3A_396, %mul3A_726 : i32
        %mul3A_728 = arith.constant 16 : i32
        %mul3A_729 = arith.muli %scan3A_725, %mul3A_728 : i32
        %add3A_730 = arith.addi %mul3A_727, %mul3A_729 : i32
        %get3A = arith.index_cast %add3A_730 : i32 to index
        %get3A_731 = tpu.vector_load %arg4[%get3A] {strides = array<i32>} : memref<21504xf32, #tpu.memory_space<vmem>>, vector<16xf32>,
        %get3A_732 = vector.shape_cast %get3A_731 : vector<16xf32> to vector<16xf32>
        %mul3A_733 = arith.constant 16 : i32
        %mul3A_734 = arith.muli %scan3A_725, %mul3A_733 : i32
        %swap3A = arith.constant 8 : i32
        %swap3A_735 = arith.index_cast %swap3A : i32 to index
        %swap3A_736 = arith.index_cast %mul3A_734 : i32 to index
        %swap3A_737 = tpu.vector_load %arg7[%swap3A_735, %swap3A_736] {strides = array<i32>} : memref<32x1024xf32, #tpu.memory_space<vmem>>, vector<1x16xf32>,
        %swap3A_738 = vector.shape_cast %swap3A_737 : vector<1x16xf32> to vector<16xf32>
        %swap3A_739 = vector.shape_cast %get3A_732 : vector<16xf32> to vector<1x16xf32>
        tpu.vector_store %arg7[%swap3A_735, %swap3A_736], %swap3A_739 {strides = array<i32>} : memref<32x1024xf32, #tpu.memory_space<vmem>>, vector<1x16xf32>,
      }
      %scan3A_402 = arith.constant 64 : i32
      %add3A_403 = arith.constant 9 : i32
      %add3A_404 = arith.addi %mul3A_276, %add3A_403 : i32
      %sub3A_405 = arith.constant 4085 : i32
      %sub3A_406 = arith.subi %add3A_404, %sub3A_405 : i32
      %jit3A_407 = arith.constant 0 : i32
      %jit3A_408 = arith.constant 20 : i32
      %max3A_409 = arith.maxsi %jit3A_407, %sub3A_406 : i32
      %min3A_410 = arith.minsi %jit3A_408, %max3A_409 : i32
      %scan3A_411 = arith.constant 0 : i32
      %scan3A_412 = arith.constant 0 : i32
      %scan3A_413 = arith.constant 64 : i32
      %scan3A_414 = arith.addi %scan3A_412, %scan3A_413 : i32
      %scan3A_415 = arith.constant 1 : i32
      scf.for %scan3A_725 = %scan3A_412 to %scan3A_414 step %scan3A_415  : i32 {
        %mul3A_726 = arith.constant 1024 : i32
        %mul3A_727 = arith.muli %min3A_410, %mul3A_726 : i32
        %mul3A_728 = arith.constant 16 : i32
        %mul3A_729 = arith.muli %scan3A_725, %mul3A_728 : i32
        %add3A_730 = arith.addi %mul3A_727, %mul3A_729 : i32
        %get3A = arith.index_cast %add3A_730 : i32 to index
        %get3A_731 = tpu.vector_load %arg4[%get3A] {strides = array<i32>} : memref<21504xf32, #tpu.memory_space<vmem>>, vector<16xf32>,
        %get3A_732 = vector.shape_cast %get3A_731 : vector<16xf32> to vector<16xf32>
        %mul3A_733 = arith.constant 16 : i32
        %mul3A_734 = arith.muli %scan3A_725, %mul3A_733 : i32
        %swap3A = arith.constant 9 : i32
        %swap3A_735 = arith.index_cast %swap3A : i32 to index
        %swap3A_736 = arith.index_cast %mul3A_734 : i32 to index
        %swap3A_737 = tpu.vector_load %arg7[%swap3A_735, %swap3A_736] {strides = array<i32>} : memref<32x1024xf32, #tpu.memory_space<vmem>>, vector<1x16xf32>,
        %swap3A_738 = vector.shape_cast %swap3A_737 : vector<1x16xf32> to vector<16xf32>
        %swap3A_739 = vector.shape_cast %get3A_732 : vector<16xf32> to vector<1x16xf32>
        tpu.vector_store %arg7[%swap3A_735, %swap3A_736], %swap3A_739 {strides = array<i32>} : memref<32x1024xf32, #tpu.memory_space<vmem>>, vector<1x16xf32>,
      }
      %scan3A_416 = arith.constant 64 : i32
      %add3A_417 = arith.constant 10 : i32
      %add3A_418 = arith.addi %mul3A_276, %add3A_417 : i32
      %sub3A_419 = arith.constant 4085 : i32
      %sub3A_420 = arith.subi %add3A_418, %sub3A_419 : i32
      %jit3A_421 = arith.constant 0 : i32
      %jit3A_422 = arith.constant 20 : i32
      %max3A_423 = arith.maxsi %jit3A_421, %sub3A_420 : i32
      %min3A_424 = arith.minsi %jit3A_422, %max3A_423 : i32
      %scan3A_425 = arith.constant 0 : i32
      %scan3A_426 = arith.constant 0 : i32
      %scan3A_427 = arith.constant 64 : i32
      %scan3A_428 = arith.addi %scan3A_426, %scan3A_427 : i32
      %scan3A_429 = arith.constant 1 : i32
      scf.for %scan3A_725 = %scan3A_426 to %scan3A_428 step %scan3A_429  : i32 {
        %mul3A_726 = arith.constant 1024 : i32
        %mul3A_727 = arith.muli %min3A_424, %mul3A_726 : i32
        %mul3A_728 = arith.constant 16 : i32
        %mul3A_729 = arith.muli %scan3A_725, %mul3A_728 : i32
        %add3A_730 = arith.addi %mul3A_727, %mul3A_729 : i32
        %get3A = arith.index_cast %add3A_730 : i32 to index
        %get3A_731 = tpu.vector_load %arg4[%get3A] {strides = array<i32>} : memref<21504xf32, #tpu.memory_space<vmem>>, vector<16xf32>,
        %get3A_732 = vector.shape_cast %get3A_731 : vector<16xf32> to vector<16xf32>
        %mul3A_733 = arith.constant 16 : i32
        %mul3A_734 = arith.muli %scan3A_725, %mul3A_733 : i32
        %swap3A = arith.constant 10 : i32
        %swap3A_735 = arith.index_cast %swap3A : i32 to index
        %swap3A_736 = arith.index_cast %mul3A_734 : i32 to index
        %swap3A_737 = tpu.vector_load %arg7[%swap3A_735, %swap3A_736] {strides = array<i32>} : memref<32x1024xf32, #tpu.memory_space<vmem>>, vector<1x16xf32>,
        %swap3A_738 = vector.shape_cast %swap3A_737 : vector<1x16xf32> to vector<16xf32>
        %swap3A_739 = vector.shape_cast %get3A_732 : vector<16xf32> to vector<1x16xf32>
        tpu.vector_store %arg7[%swap3A_735, %swap3A_736], %swap3A_739 {strides = array<i32>} : memref<32x1024xf32, #tpu.memory_space<vmem>>, vector<1x16xf32>,
      }
      %scan3A_430 = arith.constant 64 : i32
      %add3A_431 = arith.constant 11 : i32
      %add3A_432 = arith.addi %mul3A_276, %add3A_431 : i32
      %sub3A_433 = arith.constant 4085 : i32
      %sub3A_434 = arith.subi %add3A_432, %sub3A_433 : i32
      %jit3A_435 = arith.constant 0 : i32
      %jit3A_436 = arith.constant 20 : i32
      %max3A_437 = arith.maxsi %jit3A_435, %sub3A_434 : i32
      %min3A_438 = arith.minsi %jit3A_436, %max3A_437 : i32
      %scan3A_439 = arith.constant 0 : i32
      %scan3A_440 = arith.constant 0 : i32
      %scan3A_441 = arith.constant 64 : i32
      %scan3A_442 = arith.addi %scan3A_440, %scan3A_441 : i32
      %scan3A_443 = arith.constant 1 : i32
      scf.for %scan3A_725 = %scan3A_440 to %scan3A_442 step %scan3A_443  : i32 {
        %mul3A_726 = arith.constant 1024 : i32
        %mul3A_727 = arith.muli %min3A_438, %mul3A_726 : i32
        %mul3A_728 = arith.constant 16 : i32
        %mul3A_729 = arith.muli %scan3A_725, %mul3A_728 : i32
        %add3A_730 = arith.addi %mul3A_727, %mul3A_729 : i32
        %get3A = arith.index_cast %add3A_730 : i32 to index
        %get3A_731 = tpu.vector_load %arg4[%get3A] {strides = array<i32>} : memref<21504xf32, #tpu.memory_space<vmem>>, vector<16xf32>,
        %get3A_732 = vector.shape_cast %get3A_731 : vector<16xf32> to vector<16xf32>
        %mul3A_733 = arith.constant 16 : i32
        %mul3A_734 = arith.muli %scan3A_725, %mul3A_733 : i32
        %swap3A = arith.constant 11 : i32
        %swap3A_735 = arith.index_cast %swap3A : i32 to index
        %swap3A_736 = arith.index_cast %mul3A_734 : i32 to index
        %swap3A_737 = tpu.vector_load %arg7[%swap3A_735, %swap3A_736] {strides = array<i32>} : memref<32x1024xf32, #tpu.memory_space<vmem>>, vector<1x16xf32>,
        %swap3A_738 = vector.shape_cast %swap3A_737 : vector<1x16xf32> to vector<16xf32>
        %swap3A_739 = vector.shape_cast %get3A_732 : vector<16xf32> to vector<1x16xf32>
        tpu.vector_store %arg7[%swap3A_735, %swap3A_736], %swap3A_739 {strides = array<i32>} : memref<32x1024xf32, #tpu.memory_space<vmem>>, vector<1x16xf32>,
      }
      %scan3A_444 = arith.constant 64 : i32
      %add3A_445 = arith.constant 12 : i32
      %add3A_446 = arith.addi %mul3A_276, %add3A_445 : i32
      %sub3A_447 = arith.constant 4085 : i32
      %sub3A_448 = arith.subi %add3A_446, %sub3A_447 : i32
      %jit3A_449 = arith.constant 0 : i32
      %jit3A_450 = arith.constant 20 : i32
      %max3A_451 = arith.maxsi %jit3A_449, %sub3A_448 : i32
      %min3A_452 = arith.minsi %jit3A_450, %max3A_451 : i32
      %scan3A_453 = arith.constant 0 : i32
      %scan3A_454 = arith.constant 0 : i32
      %scan3A_455 = arith.constant 64 : i32
      %scan3A_456 = arith.addi %scan3A_454, %scan3A_455 : i32
      %scan3A_457 = arith.constant 1 : i32
      scf.for %scan3A_725 = %scan3A_454 to %scan3A_456 step %scan3A_457  : i32 {
        %mul3A_726 = arith.constant 1024 : i32
        %mul3A_727 = arith.muli %min3A_452, %mul3A_726 : i32
        %mul3A_728 = arith.constant 16 : i32
        %mul3A_729 = arith.muli %scan3A_725, %mul3A_728 : i32
        %add3A_730 = arith.addi %mul3A_727, %mul3A_729 : i32
        %get3A = arith.index_cast %add3A_730 : i32 to index
        %get3A_731 = tpu.vector_load %arg4[%get3A] {strides = array<i32>} : memref<21504xf32, #tpu.memory_space<vmem>>, vector<16xf32>,
        %get3A_732 = vector.shape_cast %get3A_731 : vector<16xf32> to vector<16xf32>
        %mul3A_733 = arith.constant 16 : i32
        %mul3A_734 = arith.muli %scan3A_725, %mul3A_733 : i32
        %swap3A = arith.constant 12 : i32
        %swap3A_735 = arith.index_cast %swap3A : i32 to index
        %swap3A_736 = arith.index_cast %mul3A_734 : i32 to index
        %swap3A_737 = tpu.vector_load %arg7[%swap3A_735, %swap3A_736] {strides = array<i32>} : memref<32x1024xf32, #tpu.memory_space<vmem>>, vector<1x16xf32>,
        %swap3A_738 = vector.shape_cast %swap3A_737 : vector<1x16xf32> to vector<16xf32>
        %swap3A_739 = vector.shape_cast %get3A_732 : vector<16xf32> to vector<1x16xf32>
        tpu.vector_store %arg7[%swap3A_735, %swap3A_736], %swap3A_739 {strides = array<i32>} : memref<32x1024xf32, #tpu.memory_space<vmem>>, vector<1x16xf32>,
      }
      %scan3A_458 = arith.constant 64 : i32
      %add3A_459 = arith.constant 13 : i32
      %add3A_460 = arith.addi %mul3A_276, %add3A_459 : i32
      %sub3A_461 = arith.constant 4085 : i32
      %sub3A_462 = arith.subi %add3A_460, %sub3A_461 : i32
      %jit3A_463 = arith.constant 0 : i32
      %jit3A_464 = arith.constant 20 : i32
      %max3A_465 = arith.maxsi %jit3A_463, %sub3A_462 : i32
      %min3A_466 = arith.minsi %jit3A_464, %max3A_465 : i32
      %scan3A_467 = arith.constant 0 : i32
      %scan3A_468 = arith.constant 0 : i32
      %scan3A_469 = arith.constant 64 : i32
      %scan3A_470 = arith.addi %scan3A_468, %scan3A_469 : i32
      %scan3A_471 = arith.constant 1 : i32
      scf.for %scan3A_725 = %scan3A_468 to %scan3A_470 step %scan3A_471  : i32 {
        %mul3A_726 = arith.constant 1024 : i32
        %mul3A_727 = arith.muli %min3A_466, %mul3A_726 : i32
        %mul3A_728 = arith.constant 16 : i32
        %mul3A_729 = arith.muli %scan3A_725, %mul3A_728 : i32
        %add3A_730 = arith.addi %mul3A_727, %mul3A_729 : i32
        %get3A = arith.index_cast %add3A_730 : i32 to index
        %get3A_731 = tpu.vector_load %arg4[%get3A] {strides = array<i32>} : memref<21504xf32, #tpu.memory_space<vmem>>, vector<16xf32>,
        %get3A_732 = vector.shape_cast %get3A_731 : vector<16xf32> to vector<16xf32>
        %mul3A_733 = arith.constant 16 : i32
        %mul3A_734 = arith.muli %scan3A_725, %mul3A_733 : i32
        %swap3A = arith.constant 13 : i32
        %swap3A_735 = arith.index_cast %swap3A : i32 to index
        %swap3A_736 = arith.index_cast %mul3A_734 : i32 to index
        %swap3A_737 = tpu.vector_load %arg7[%swap3A_735, %swap3A_736] {strides = array<i32>} : memref<32x1024xf32, #tpu.memory_space<vmem>>, vector<1x16xf32>,
        %swap3A_738 = vector.shape_cast %swap3A_737 : vector<1x16xf32> to vector<16xf32>
        %swap3A_739 = vector.shape_cast %get3A_732 : vector<16xf32> to vector<1x16xf32>
        tpu.vector_store %arg7[%swap3A_735, %swap3A_736], %swap3A_739 {strides = array<i32>} : memref<32x1024xf32, #tpu.memory_space<vmem>>, vector<1x16xf32>,
      }
      %scan3A_472 = arith.constant 64 : i32
      %add3A_473 = arith.constant 14 : i32
      %add3A_474 = arith.addi %mul3A_276, %add3A_473 : i32
      %sub3A_475 = arith.constant 4085 : i32
      %sub3A_476 = arith.subi %add3A_474, %sub3A_475 : i32
      %jit3A_477 = arith.constant 0 : i32
      %jit3A_478 = arith.constant 20 : i32
      %max3A_479 = arith.maxsi %jit3A_477, %sub3A_476 : i32
      %min3A_480 = arith.minsi %jit3A_478, %max3A_479 : i32
      %scan3A_481 = arith.constant 0 : i32
      %scan3A_482 = arith.constant 0 : i32
      %scan3A_483 = arith.constant 64 : i32
      %scan3A_484 = arith.addi %scan3A_482, %scan3A_483 : i32
      %scan3A_485 = arith.constant 1 : i32
      scf.for %scan3A_725 = %scan3A_482 to %scan3A_484 step %scan3A_485  : i32 {
        %mul3A_726 = arith.constant 1024 : i32
        %mul3A_727 = arith.muli %min3A_480, %mul3A_726 : i32
        %mul3A_728 = arith.constant 16 : i32
        %mul3A_729 = arith.muli %scan3A_725, %mul3A_728 : i32
        %add3A_730 = arith.addi %mul3A_727, %mul3A_729 : i32
        %get3A = arith.index_cast %add3A_730 : i32 to index
        %get3A_731 = tpu.vector_load %arg4[%get3A] {strides = array<i32>} : memref<21504xf32, #tpu.memory_space<vmem>>, vector<16xf32>,
        %get3A_732 = vector.shape_cast %get3A_731 : vector<16xf32> to vector<16xf32>
        %mul3A_733 = arith.constant 16 : i32
        %mul3A_734 = arith.muli %scan3A_725, %mul3A_733 : i32
        %swap3A = arith.constant 14 : i32
        %swap3A_735 = arith.index_cast %swap3A : i32 to index
        %swap3A_736 = arith.index_cast %mul3A_734 : i32 to index
        %swap3A_737 = tpu.vector_load %arg7[%swap3A_735, %swap3A_736] {strides = array<i32>} : memref<32x1024xf32, #tpu.memory_space<vmem>>, vector<1x16xf32>,
        %swap3A_738 = vector.shape_cast %swap3A_737 : vector<1x16xf32> to vector<16xf32>
        %swap3A_739 = vector.shape_cast %get3A_732 : vector<16xf32> to vector<1x16xf32>
        tpu.vector_store %arg7[%swap3A_735, %swap3A_736], %swap3A_739 {strides = array<i32>} : memref<32x1024xf32, #tpu.memory_space<vmem>>, vector<1x16xf32>,
      }
      %scan3A_486 = arith.constant 64 : i32
      %add3A_487 = arith.constant 15 : i32
      %add3A_488 = arith.addi %mul3A_276, %add3A_487 : i32
      %sub3A_489 = arith.constant 4085 : i32
      %sub3A_490 = arith.subi %add3A_488, %sub3A_489 : i32
      %jit3A_491 = arith.constant 0 : i32
      %jit3A_492 = arith.constant 20 : i32
      %max3A_493 = arith.maxsi %jit3A_491, %sub3A_490 : i32
      %min3A_494 = arith.minsi %jit3A_492, %max3A_493 : i32
      %scan3A_495 = arith.constant 0 : i32
      %scan3A_496 = arith.constant 0 : i32
      %scan3A_497 = arith.constant 64 : i32
      %scan3A_498 = arith.addi %scan3A_496, %scan3A_497 : i32
      %scan3A_499 = arith.constant 1 : i32
      scf.for %scan3A_725 = %scan3A_496 to %scan3A_498 step %scan3A_499  : i32 {
        %mul3A_726 = arith.constant 1024 : i32
        %mul3A_727 = arith.muli %min3A_494, %mul3A_726 : i32
        %mul3A_728 = arith.constant 16 : i32
        %mul3A_729 = arith.muli %scan3A_725, %mul3A_728 : i32
        %add3A_730 = arith.addi %mul3A_727, %mul3A_729 : i32
        %get3A = arith.index_cast %add3A_730 : i32 to index
        %get3A_731 = tpu.vector_load %arg4[%get3A] {strides = array<i32>} : memref<21504xf32, #tpu.memory_space<vmem>>, vector<16xf32>,
        %get3A_732 = vector.shape_cast %get3A_731 : vector<16xf32> to vector<16xf32>
        %mul3A_733 = arith.constant 16 : i32
        %mul3A_734 = arith.muli %scan3A_725, %mul3A_733 : i32
        %swap3A = arith.constant 15 : i32
        %swap3A_735 = arith.index_cast %swap3A : i32 to index
        %swap3A_736 = arith.index_cast %mul3A_734 : i32 to index
        %swap3A_737 = tpu.vector_load %arg7[%swap3A_735, %swap3A_736] {strides = array<i32>} : memref<32x1024xf32, #tpu.memory_space<vmem>>, vector<1x16xf32>,
        %swap3A_738 = vector.shape_cast %swap3A_737 : vector<1x16xf32> to vector<16xf32>
        %swap3A_739 = vector.shape_cast %get3A_732 : vector<16xf32> to vector<1x16xf32>
        tpu.vector_store %arg7[%swap3A_735, %swap3A_736], %swap3A_739 {strides = array<i32>} : memref<32x1024xf32, #tpu.memory_space<vmem>>, vector<1x16xf32>,
      }
      %scan3A_500 = arith.constant 64 : i32
      %add3A_501 = arith.constant 16 : i32
      %add3A_502 = arith.addi %mul3A_276, %add3A_501 : i32
      %sub3A_503 = arith.constant 4085 : i32
      %sub3A_504 = arith.subi %add3A_502, %sub3A_503 : i32
      %jit3A_505 = arith.constant 0 : i32
      %jit3A_506 = arith.constant 20 : i32
      %max3A_507 = arith.maxsi %jit3A_505, %sub3A_504 : i32
      %min3A_508 = arith.minsi %jit3A_506, %max3A_507 : i32
      %scan3A_509 = arith.constant 0 : i32
      %scan3A_510 = arith.constant 0 : i32
      %scan3A_511 = arith.constant 64 : i32
      %scan3A_512 = arith.addi %scan3A_510, %scan3A_511 : i32
      %scan3A_513 = arith.constant 1 : i32
      scf.for %scan3A_725 = %scan3A_510 to %scan3A_512 step %scan3A_513  : i32 {
        %mul3A_726 = arith.constant 1024 : i32
        %mul3A_727 = arith.muli %min3A_508, %mul3A_726 : i32
        %mul3A_728 = arith.constant 16 : i32
        %mul3A_729 = arith.muli %scan3A_725, %mul3A_728 : i32
        %add3A_730 = arith.addi %mul3A_727, %mul3A_729 : i32
        %get3A = arith.index_cast %add3A_730 : i32 to index
        %get3A_731 = tpu.vector_load %arg4[%get3A] {strides = array<i32>} : memref<21504xf32, #tpu.memory_space<vmem>>, vector<16xf32>,
        %get3A_732 = vector.shape_cast %get3A_731 : vector<16xf32> to vector<16xf32>
        %mul3A_733 = arith.constant 16 : i32
        %mul3A_734 = arith.muli %scan3A_725, %mul3A_733 : i32
        %swap3A = arith.constant 16 : i32
        %swap3A_735 = arith.index_cast %swap3A : i32 to index
        %swap3A_736 = arith.index_cast %mul3A_734 : i32 to index
        %swap3A_737 = tpu.vector_load %arg7[%swap3A_735, %swap3A_736] {strides = array<i32>} : memref<32x1024xf32, #tpu.memory_space<vmem>>, vector<1x16xf32>,
        %swap3A_738 = vector.shape_cast %swap3A_737 : vector<1x16xf32> to vector<16xf32>
        %swap3A_739 = vector.shape_cast %get3A_732 : vector<16xf32> to vector<1x16xf32>
        tpu.vector_store %arg7[%swap3A_735, %swap3A_736], %swap3A_739 {strides = array<i32>} : memref<32x1024xf32, #tpu.memory_space<vmem>>, vector<1x16xf32>,
      }
      %scan3A_514 = arith.constant 64 : i32
      %add3A_515 = arith.constant 17 : i32
      %add3A_516 = arith.addi %mul3A_276, %add3A_515 : i32
      %sub3A_517 = arith.constant 4085 : i32
      %sub3A_518 = arith.subi %add3A_516, %sub3A_517 : i32
      %jit3A_519 = arith.constant 0 : i32
      %jit3A_520 = arith.constant 20 : i32
      %max3A_521 = arith.maxsi %jit3A_519, %sub3A_518 : i32
      %min3A_522 = arith.minsi %jit3A_520, %max3A_521 : i32
      %scan3A_523 = arith.constant 0 : i32
      %scan3A_524 = arith.constant 0 : i32
      %scan3A_525 = arith.constant 64 : i32
      %scan3A_526 = arith.addi %scan3A_524, %scan3A_525 : i32
      %scan3A_527 = arith.constant 1 : i32
      scf.for %scan3A_725 = %scan3A_524 to %scan3A_526 step %scan3A_527  : i32 {
        %mul3A_726 = arith.constant 1024 : i32
        %mul3A_727 = arith.muli %min3A_522, %mul3A_726 : i32
        %mul3A_728 = arith.constant 16 : i32
        %mul3A_729 = arith.muli %scan3A_725, %mul3A_728 : i32
        %add3A_730 = arith.addi %mul3A_727, %mul3A_729 : i32
        %get3A = arith.index_cast %add3A_730 : i32 to index
        %get3A_731 = tpu.vector_load %arg4[%get3A] {strides = array<i32>} : memref<21504xf32, #tpu.memory_space<vmem>>, vector<16xf32>,
        %get3A_732 = vector.shape_cast %get3A_731 : vector<16xf32> to vector<16xf32>
        %mul3A_733 = arith.constant 16 : i32
        %mul3A_734 = arith.muli %scan3A_725, %mul3A_733 : i32
        %swap3A = arith.constant 17 : i32
        %swap3A_735 = arith.index_cast %swap3A : i32 to index
        %swap3A_736 = arith.index_cast %mul3A_734 : i32 to index
        %swap3A_737 = tpu.vector_load %arg7[%swap3A_735, %swap3A_736] {strides = array<i32>} : memref<32x1024xf32, #tpu.memory_space<vmem>>, vector<1x16xf32>,
        %swap3A_738 = vector.shape_cast %swap3A_737 : vector<1x16xf32> to vector<16xf32>
        %swap3A_739 = vector.shape_cast %get3A_732 : vector<16xf32> to vector<1x16xf32>
        tpu.vector_store %arg7[%swap3A_735, %swap3A_736], %swap3A_739 {strides = array<i32>} : memref<32x1024xf32, #tpu.memory_space<vmem>>, vector<1x16xf32>,
      }
      %scan3A_528 = arith.constant 64 : i32
      %add3A_529 = arith.constant 18 : i32
      %add3A_530 = arith.addi %mul3A_276, %add3A_529 : i32
      %sub3A_531 = arith.constant 4085 : i32
      %sub3A_532 = arith.subi %add3A_530, %sub3A_531 : i32
      %jit3A_533 = arith.constant 0 : i32
      %jit3A_534 = arith.constant 20 : i32
      %max3A_535 = arith.maxsi %jit3A_533, %sub3A_532 : i32
      %min3A_536 = arith.minsi %jit3A_534, %max3A_535 : i32
      %scan3A_537 = arith.constant 0 : i32
      %scan3A_538 = arith.constant 0 : i32
      %scan3A_539 = arith.constant 64 : i32
      %scan3A_540 = arith.addi %scan3A_538, %scan3A_539 : i32
      %scan3A_541 = arith.constant 1 : i32
      scf.for %scan3A_725 = %scan3A_538 to %scan3A_540 step %scan3A_541  : i32 {
        %mul3A_726 = arith.constant 1024 : i32
        %mul3A_727 = arith.muli %min3A_536, %mul3A_726 : i32
        %mul3A_728 = arith.constant 16 : i32
        %mul3A_729 = arith.muli %scan3A_725, %mul3A_728 : i32
        %add3A_730 = arith.addi %mul3A_727, %mul3A_729 : i32
        %get3A = arith.index_cast %add3A_730 : i32 to index
        %get3A_731 = tpu.vector_load %arg4[%get3A] {strides = array<i32>} : memref<21504xf32, #tpu.memory_space<vmem>>, vector<16xf32>,
        %get3A_732 = vector.shape_cast %get3A_731 : vector<16xf32> to vector<16xf32>
        %mul3A_733 = arith.constant 16 : i32
        %mul3A_734 = arith.muli %scan3A_725, %mul3A_733 : i32
        %swap3A = arith.constant 18 : i32
        %swap3A_735 = arith.index_cast %swap3A : i32 to index
        %swap3A_736 = arith.index_cast %mul3A_734 : i32 to index
        %swap3A_737 = tpu.vector_load %arg7[%swap3A_735, %swap3A_736] {strides = array<i32>} : memref<32x1024xf32, #tpu.memory_space<vmem>>, vector<1x16xf32>,
        %swap3A_738 = vector.shape_cast %swap3A_737 : vector<1x16xf32> to vector<16xf32>
        %swap3A_739 = vector.shape_cast %get3A_732 : vector<16xf32> to vector<1x16xf32>
        tpu.vector_store %arg7[%swap3A_735, %swap3A_736], %swap3A_739 {strides = array<i32>} : memref<32x1024xf32, #tpu.memory_space<vmem>>, vector<1x16xf32>,
      }
      %scan3A_542 = arith.constant 64 : i32
      %add3A_543 = arith.constant 19 : i32
      %add3A_544 = arith.addi %mul3A_276, %add3A_543 : i32
      %sub3A_545 = arith.constant 4085 : i32
      %sub3A_546 = arith.subi %add3A_544, %sub3A_545 : i32
      %jit3A_547 = arith.constant 0 : i32
      %jit3A_548 = arith.constant 20 : i32
      %max3A_549 = arith.maxsi %jit3A_547, %sub3A_546 : i32
      %min3A_550 = arith.minsi %jit3A_548, %max3A_549 : i32
      %scan3A_551 = arith.constant 0 : i32
      %scan3A_552 = arith.constant 0 : i32
      %scan3A_553 = arith.constant 64 : i32
      %scan3A_554 = arith.addi %scan3A_552, %scan3A_553 : i32
      %scan3A_555 = arith.constant 1 : i32
      scf.for %scan3A_725 = %scan3A_552 to %scan3A_554 step %scan3A_555  : i32 {
        %mul3A_726 = arith.constant 1024 : i32
        %mul3A_727 = arith.muli %min3A_550, %mul3A_726 : i32
        %mul3A_728 = arith.constant 16 : i32
        %mul3A_729 = arith.muli %scan3A_725, %mul3A_728 : i32
        %add3A_730 = arith.addi %mul3A_727, %mul3A_729 : i32
        %get3A = arith.index_cast %add3A_730 : i32 to index
        %get3A_731 = tpu.vector_load %arg4[%get3A] {strides = array<i32>} : memref<21504xf32, #tpu.memory_space<vmem>>, vector<16xf32>,
        %get3A_732 = vector.shape_cast %get3A_731 : vector<16xf32> to vector<16xf32>
        %mul3A_733 = arith.constant 16 : i32
        %mul3A_734 = arith.muli %scan3A_725, %mul3A_733 : i32
        %swap3A = arith.constant 19 : i32
        %swap3A_735 = arith.index_cast %swap3A : i32 to index
        %swap3A_736 = arith.index_cast %mul3A_734 : i32 to index
        %swap3A_737 = tpu.vector_load %arg7[%swap3A_735, %swap3A_736] {strides = array<i32>} : memref<32x1024xf32, #tpu.memory_space<vmem>>, vector<1x16xf32>,
        %swap3A_738 = vector.shape_cast %swap3A_737 : vector<1x16xf32> to vector<16xf32>
        %swap3A_739 = vector.shape_cast %get3A_732 : vector<16xf32> to vector<1x16xf32>
        tpu.vector_store %arg7[%swap3A_735, %swap3A_736], %swap3A_739 {strides = array<i32>} : memref<32x1024xf32, #tpu.memory_space<vmem>>, vector<1x16xf32>,
      }
      %scan3A_556 = arith.constant 64 : i32
      %add3A_557 = arith.constant 20 : i32
      %add3A_558 = arith.addi %mul3A_276, %add3A_557 : i32
      %sub3A_559 = arith.constant 4085 : i32
      %sub3A_560 = arith.subi %add3A_558, %sub3A_559 : i32
      %jit3A_561 = arith.constant 0 : i32
      %jit3A_562 = arith.constant 20 : i32
      %max3A_563 = arith.maxsi %jit3A_561, %sub3A_560 : i32
      %min3A_564 = arith.minsi %jit3A_562, %max3A_563 : i32
      %scan3A_565 = arith.constant 0 : i32
      %scan3A_566 = arith.constant 0 : i32
      %scan3A_567 = arith.constant 64 : i32
      %scan3A_568 = arith.addi %scan3A_566, %scan3A_567 : i32
      %scan3A_569 = arith.constant 1 : i32
      scf.for %scan3A_725 = %scan3A_566 to %scan3A_568 step %scan3A_569  : i32 {
        %mul3A_726 = arith.constant 1024 : i32
        %mul3A_727 = arith.muli %min3A_564, %mul3A_726 : i32
        %mul3A_728 = arith.constant 16 : i32
        %mul3A_729 = arith.muli %scan3A_725, %mul3A_728 : i32
        %add3A_730 = arith.addi %mul3A_727, %mul3A_729 : i32
        %get3A = arith.index_cast %add3A_730 : i32 to index
        %get3A_731 = tpu.vector_load %arg4[%get3A] {strides = array<i32>} : memref<21504xf32, #tpu.memory_space<vmem>>, vector<16xf32>,
        %get3A_732 = vector.shape_cast %get3A_731 : vector<16xf32> to vector<16xf32>
        %mul3A_733 = arith.constant 16 : i32
        %mul3A_734 = arith.muli %scan3A_725, %mul3A_733 : i32
        %swap3A = arith.constant 20 : i32
        %swap3A_735 = arith.index_cast %swap3A : i32 to index
        %swap3A_736 = arith.index_cast %mul3A_734 : i32 to index
        %swap3A_737 = tpu.vector_load %arg7[%swap3A_735, %swap3A_736] {strides = array<i32>} : memref<32x1024xf32, #tpu.memory_space<vmem>>, vector<1x16xf32>,
        %swap3A_738 = vector.shape_cast %swap3A_737 : vector<1x16xf32> to vector<16xf32>
        %swap3A_739 = vector.shape_cast %get3A_732 : vector<16xf32> to vector<1x16xf32>
        tpu.vector_store %arg7[%swap3A_735, %swap3A_736], %swap3A_739 {strides = array<i32>} : memref<32x1024xf32, #tpu.memory_space<vmem>>, vector<1x16xf32>,
      }
      %scan3A_570 = arith.constant 64 : i32
      %add3A_571 = arith.constant 21 : i32
      %add3A_572 = arith.addi %mul3A_276, %add3A_571 : i32
      %sub3A_573 = arith.constant 4085 : i32
      %sub3A_574 = arith.subi %add3A_572, %sub3A_573 : i32
      %jit3A_575 = arith.constant 0 : i32
      %jit3A_576 = arith.constant 20 : i32
      %max3A_577 = arith.maxsi %jit3A_575, %sub3A_574 : i32
      %min3A_578 = arith.minsi %jit3A_576, %max3A_577 : i32
      %scan3A_579 = arith.constant 0 : i32
      %scan3A_580 = arith.constant 0 : i32
      %scan3A_581 = arith.constant 64 : i32
      %scan3A_582 = arith.addi %scan3A_580, %scan3A_581 : i32
      %scan3A_583 = arith.constant 1 : i32
      scf.for %scan3A_725 = %scan3A_580 to %scan3A_582 step %scan3A_583  : i32 {
        %mul3A_726 = arith.constant 1024 : i32
        %mul3A_727 = arith.muli %min3A_578, %mul3A_726 : i32
        %mul3A_728 = arith.constant 16 : i32
        %mul3A_729 = arith.muli %scan3A_725, %mul3A_728 : i32
        %add3A_730 = arith.addi %mul3A_727, %mul3A_729 : i32
        %get3A = arith.index_cast %add3A_730 : i32 to index
        %get3A_731 = tpu.vector_load %arg4[%get3A] {strides = array<i32>} : memref<21504xf32, #tpu.memory_space<vmem>>, vector<16xf32>,
        %get3A_732 = vector.shape_cast %get3A_731 : vector<16xf32> to vector<16xf32>
        %mul3A_733 = arith.constant 16 : i32
        %mul3A_734 = arith.muli %scan3A_725, %mul3A_733 : i32
        %swap3A = arith.constant 21 : i32
        %swap3A_735 = arith.index_cast %swap3A : i32 to index
        %swap3A_736 = arith.index_cast %mul3A_734 : i32 to index
        %swap3A_737 = tpu.vector_load %arg7[%swap3A_735, %swap3A_736] {strides = array<i32>} : memref<32x1024xf32, #tpu.memory_space<vmem>>, vector<1x16xf32>,
        %swap3A_738 = vector.shape_cast %swap3A_737 : vector<1x16xf32> to vector<16xf32>
        %swap3A_739 = vector.shape_cast %get3A_732 : vector<16xf32> to vector<1x16xf32>
        tpu.vector_store %arg7[%swap3A_735, %swap3A_736], %swap3A_739 {strides = array<i32>} : memref<32x1024xf32, #tpu.memory_space<vmem>>, vector<1x16xf32>,
      }
      %scan3A_584 = arith.constant 64 : i32
      %add3A_585 = arith.constant 22 : i32
      %add3A_586 = arith.addi %mul3A_276, %add3A_585 : i32
      %sub3A_587 = arith.constant 4085 : i32
      %sub3A_588 = arith.subi %add3A_586, %sub3A_587 : i32
      %jit3A_589 = arith.constant 0 : i32
      %jit3A_590 = arith.constant 20 : i32
      %max3A_591 = arith.maxsi %jit3A_589, %sub3A_588 : i32
      %min3A_592 = arith.minsi %jit3A_590, %max3A_591 : i32
      %scan3A_593 = arith.constant 0 : i32
      %scan3A_594 = arith.constant 0 : i32
      %scan3A_595 = arith.constant 64 : i32
      %scan3A_596 = arith.addi %scan3A_594, %scan3A_595 : i32
      %scan3A_597 = arith.constant 1 : i32
      scf.for %scan3A_725 = %scan3A_594 to %scan3A_596 step %scan3A_597  : i32 {
        %mul3A_726 = arith.constant 1024 : i32
        %mul3A_727 = arith.muli %min3A_592, %mul3A_726 : i32
        %mul3A_728 = arith.constant 16 : i32
        %mul3A_729 = arith.muli %scan3A_725, %mul3A_728 : i32
        %add3A_730 = arith.addi %mul3A_727, %mul3A_729 : i32
        %get3A = arith.index_cast %add3A_730 : i32 to index
        %get3A_731 = tpu.vector_load %arg4[%get3A] {strides = array<i32>} : memref<21504xf32, #tpu.memory_space<vmem>>, vector<16xf32>,
        %get3A_732 = vector.shape_cast %get3A_731 : vector<16xf32> to vector<16xf32>
        %mul3A_733 = arith.constant 16 : i32
        %mul3A_734 = arith.muli %scan3A_725, %mul3A_733 : i32
        %swap3A = arith.constant 22 : i32
        %swap3A_735 = arith.index_cast %swap3A : i32 to index
        %swap3A_736 = arith.index_cast %mul3A_734 : i32 to index
        %swap3A_737 = tpu.vector_load %arg7[%swap3A_735, %swap3A_736] {strides = array<i32>} : memref<32x1024xf32, #tpu.memory_space<vmem>>, vector<1x16xf32>,
        %swap3A_738 = vector.shape_cast %swap3A_737 : vector<1x16xf32> to vector<16xf32>
        %swap3A_739 = vector.shape_cast %get3A_732 : vector<16xf32> to vector<1x16xf32>
        tpu.vector_store %arg7[%swap3A_735, %swap3A_736], %swap3A_739 {strides = array<i32>} : memref<32x1024xf32, #tpu.memory_space<vmem>>, vector<1x16xf32>,
      }
      %scan3A_598 = arith.constant 64 : i32
      %add3A_599 = arith.constant 23 : i32
      %add3A_600 = arith.addi %mul3A_276, %add3A_599 : i32
      %sub3A_601 = arith.constant 4085 : i32
      %sub3A_602 = arith.subi %add3A_600, %sub3A_601 : i32
      %jit3A_603 = arith.constant 0 : i32
      %jit3A_604 = arith.constant 20 : i32
      %max3A_605 = arith.maxsi %jit3A_603, %sub3A_602 : i32
      %min3A_606 = arith.minsi %jit3A_604, %max3A_605 : i32
      %scan3A_607 = arith.constant 0 : i32
      %scan3A_608 = arith.constant 0 : i32
      %scan3A_609 = arith.constant 64 : i32
      %scan3A_610 = arith.addi %scan3A_608, %scan3A_609 : i32
      %scan3A_611 = arith.constant 1 : i32
      scf.for %scan3A_725 = %scan3A_608 to %scan3A_610 step %scan3A_611  : i32 {
        %mul3A_726 = arith.constant 1024 : i32
        %mul3A_727 = arith.muli %min3A_606, %mul3A_726 : i32
        %mul3A_728 = arith.constant 16 : i32
        %mul3A_729 = arith.muli %scan3A_725, %mul3A_728 : i32
        %add3A_730 = arith.addi %mul3A_727, %mul3A_729 : i32
        %get3A = arith.index_cast %add3A_730 : i32 to index
        %get3A_731 = tpu.vector_load %arg4[%get3A] {strides = array<i32>} : memref<21504xf32, #tpu.memory_space<vmem>>, vector<16xf32>,
        %get3A_732 = vector.shape_cast %get3A_731 : vector<16xf32> to vector<16xf32>
        %mul3A_733 = arith.constant 16 : i32
        %mul3A_734 = arith.muli %scan3A_725, %mul3A_733 : i32
        %swap3A = arith.constant 23 : i32
        %swap3A_735 = arith.index_cast %swap3A : i32 to index
        %swap3A_736 = arith.index_cast %mul3A_734 : i32 to index
        %swap3A_737 = tpu.vector_load %arg7[%swap3A_735, %swap3A_736] {strides = array<i32>} : memref<32x1024xf32, #tpu.memory_space<vmem>>, vector<1x16xf32>,
        %swap3A_738 = vector.shape_cast %swap3A_737 : vector<1x16xf32> to vector<16xf32>
        %swap3A_739 = vector.shape_cast %get3A_732 : vector<16xf32> to vector<1x16xf32>
        tpu.vector_store %arg7[%swap3A_735, %swap3A_736], %swap3A_739 {strides = array<i32>} : memref<32x1024xf32, #tpu.memory_space<vmem>>, vector<1x16xf32>,
      }
      %scan3A_612 = arith.constant 64 : i32
      %add3A_613 = arith.constant 24 : i32
      %add3A_614 = arith.addi %mul3A_276, %add3A_613 : i32
      %sub3A_615 = arith.constant 4085 : i32
      %sub3A_616 = arith.subi %add3A_614, %sub3A_615 : i32
      %jit3A_617 = arith.constant 0 : i32
      %jit3A_618 = arith.constant 20 : i32
      %max3A_619 = arith.maxsi %jit3A_617, %sub3A_616 : i32
      %min3A_620 = arith.minsi %jit3A_618, %max3A_619 : i32
      %scan3A_621 = arith.constant 0 : i32
      %scan3A_622 = arith.constant 0 : i32
      %scan3A_623 = arith.constant 64 : i32
      %scan3A_624 = arith.addi %scan3A_622, %scan3A_623 : i32
      %scan3A_625 = arith.constant 1 : i32
      scf.for %scan3A_725 = %scan3A_622 to %scan3A_624 step %scan3A_625  : i32 {
        %mul3A_726 = arith.constant 1024 : i32
        %mul3A_727 = arith.muli %min3A_620, %mul3A_726 : i32
        %mul3A_728 = arith.constant 16 : i32
        %mul3A_729 = arith.muli %scan3A_725, %mul3A_728 : i32
        %add3A_730 = arith.addi %mul3A_727, %mul3A_729 : i32
        %get3A = arith.index_cast %add3A_730 : i32 to index
        %get3A_731 = tpu.vector_load %arg4[%get3A] {strides = array<i32>} : memref<21504xf32, #tpu.memory_space<vmem>>, vector<16xf32>,
        %get3A_732 = vector.shape_cast %get3A_731 : vector<16xf32> to vector<16xf32>
        %mul3A_733 = arith.constant 16 : i32
        %mul3A_734 = arith.muli %scan3A_725, %mul3A_733 : i32
        %swap3A = arith.constant 24 : i32
        %swap3A_735 = arith.index_cast %swap3A : i32 to index
        %swap3A_736 = arith.index_cast %mul3A_734 : i32 to index
        %swap3A_737 = tpu.vector_load %arg7[%swap3A_735, %swap3A_736] {strides = array<i32>} : memref<32x1024xf32, #tpu.memory_space<vmem>>, vector<1x16xf32>,
        %swap3A_738 = vector.shape_cast %swap3A_737 : vector<1x16xf32> to vector<16xf32>
        %swap3A_739 = vector.shape_cast %get3A_732 : vector<16xf32> to vector<1x16xf32>
        tpu.vector_store %arg7[%swap3A_735, %swap3A_736], %swap3A_739 {strides = array<i32>} : memref<32x1024xf32, #tpu.memory_space<vmem>>, vector<1x16xf32>,
      }
      %scan3A_626 = arith.constant 64 : i32
      %add3A_627 = arith.constant 25 : i32
      %add3A_628 = arith.addi %mul3A_276, %add3A_627 : i32
      %sub3A_629 = arith.constant 4085 : i32
      %sub3A_630 = arith.subi %add3A_628, %sub3A_629 : i32
      %jit3A_631 = arith.constant 0 : i32
      %jit3A_632 = arith.constant 20 : i32
      %max3A_633 = arith.maxsi %jit3A_631, %sub3A_630 : i32
      %min3A_634 = arith.minsi %jit3A_632, %max3A_633 : i32
      %scan3A_635 = arith.constant 0 : i32
      %scan3A_636 = arith.constant 0 : i32
      %scan3A_637 = arith.constant 64 : i32
      %scan3A_638 = arith.addi %scan3A_636, %scan3A_637 : i32
      %scan3A_639 = arith.constant 1 : i32
      scf.for %scan3A_725 = %scan3A_636 to %scan3A_638 step %scan3A_639  : i32 {
        %mul3A_726 = arith.constant 1024 : i32
        %mul3A_727 = arith.muli %min3A_634, %mul3A_726 : i32
        %mul3A_728 = arith.constant 16 : i32
        %mul3A_729 = arith.muli %scan3A_725, %mul3A_728 : i32
        %add3A_730 = arith.addi %mul3A_727, %mul3A_729 : i32
        %get3A = arith.index_cast %add3A_730 : i32 to index
        %get3A_731 = tpu.vector_load %arg4[%get3A] {strides = array<i32>} : memref<21504xf32, #tpu.memory_space<vmem>>, vector<16xf32>,
        %get3A_732 = vector.shape_cast %get3A_731 : vector<16xf32> to vector<16xf32>
        %mul3A_733 = arith.constant 16 : i32
        %mul3A_734 = arith.muli %scan3A_725, %mul3A_733 : i32
        %swap3A = arith.constant 25 : i32
        %swap3A_735 = arith.index_cast %swap3A : i32 to index
        %swap3A_736 = arith.index_cast %mul3A_734 : i32 to index
        %swap3A_737 = tpu.vector_load %arg7[%swap3A_735, %swap3A_736] {strides = array<i32>} : memref<32x1024xf32, #tpu.memory_space<vmem>>, vector<1x16xf32>,
        %swap3A_738 = vector.shape_cast %swap3A_737 : vector<1x16xf32> to vector<16xf32>
        %swap3A_739 = vector.shape_cast %get3A_732 : vector<16xf32> to vector<1x16xf32>
        tpu.vector_store %arg7[%swap3A_735, %swap3A_736], %swap3A_739 {strides = array<i32>} : memref<32x1024xf32, #tpu.memory_space<vmem>>, vector<1x16xf32>,
      }
      %scan3A_640 = arith.constant 64 : i32
      %add3A_641 = arith.constant 26 : i32
      %add3A_642 = arith.addi %mul3A_276, %add3A_641 : i32
      %sub3A_643 = arith.constant 4085 : i32
      %sub3A_644 = arith.subi %add3A_642, %sub3A_643 : i32
      %jit3A_645 = arith.constant 0 : i32
      %jit3A_646 = arith.constant 20 : i32
      %max3A_647 = arith.maxsi %jit3A_645, %sub3A_644 : i32
      %min3A_648 = arith.minsi %jit3A_646, %max3A_647 : i32
      %scan3A_649 = arith.constant 0 : i32
      %scan3A_650 = arith.constant 0 : i32
      %scan3A_651 = arith.constant 64 : i32
      %scan3A_652 = arith.addi %scan3A_650, %scan3A_651 : i32
      %scan3A_653 = arith.constant 1 : i32
      scf.for %scan3A_725 = %scan3A_650 to %scan3A_652 step %scan3A_653  : i32 {
        %mul3A_726 = arith.constant 1024 : i32
        %mul3A_727 = arith.muli %min3A_648, %mul3A_726 : i32
        %mul3A_728 = arith.constant 16 : i32
        %mul3A_729 = arith.muli %scan3A_725, %mul3A_728 : i32
        %add3A_730 = arith.addi %mul3A_727, %mul3A_729 : i32
        %get3A = arith.index_cast %add3A_730 : i32 to index
        %get3A_731 = tpu.vector_load %arg4[%get3A] {strides = array<i32>} : memref<21504xf32, #tpu.memory_space<vmem>>, vector<16xf32>,
        %get3A_732 = vector.shape_cast %get3A_731 : vector<16xf32> to vector<16xf32>
        %mul3A_733 = arith.constant 16 : i32
        %mul3A_734 = arith.muli %scan3A_725, %mul3A_733 : i32
        %swap3A = arith.constant 26 : i32
        %swap3A_735 = arith.index_cast %swap3A : i32 to index
        %swap3A_736 = arith.index_cast %mul3A_734 : i32 to index
        %swap3A_737 = tpu.vector_load %arg7[%swap3A_735, %swap3A_736] {strides = array<i32>} : memref<32x1024xf32, #tpu.memory_space<vmem>>, vector<1x16xf32>,
        %swap3A_738 = vector.shape_cast %swap3A_737 : vector<1x16xf32> to vector<16xf32>
        %swap3A_739 = vector.shape_cast %get3A_732 : vector<16xf32> to vector<1x16xf32>
        tpu.vector_store %arg7[%swap3A_735, %swap3A_736], %swap3A_739 {strides = array<i32>} : memref<32x1024xf32, #tpu.memory_space<vmem>>, vector<1x16xf32>,
      }
      %scan3A_654 = arith.constant 64 : i32
      %add3A_655 = arith.constant 27 : i32
      %add3A_656 = arith.addi %mul3A_276, %add3A_655 : i32
      %sub3A_657 = arith.constant 4085 : i32
      %sub3A_658 = arith.subi %add3A_656, %sub3A_657 : i32
      %jit3A_659 = arith.constant 0 : i32
      %jit3A_660 = arith.constant 20 : i32
      %max3A_661 = arith.maxsi %jit3A_659, %sub3A_658 : i32
      %min3A_662 = arith.minsi %jit3A_660, %max3A_661 : i32
      %scan3A_663 = arith.constant 0 : i32
      %scan3A_664 = arith.constant 0 : i32
      %scan3A_665 = arith.constant 64 : i32
      %scan3A_666 = arith.addi %scan3A_664, %scan3A_665 : i32
      %scan3A_667 = arith.constant 1 : i32
      scf.for %scan3A_725 = %scan3A_664 to %scan3A_666 step %scan3A_667  : i32 {
        %mul3A_726 = arith.constant 1024 : i32
        %mul3A_727 = arith.muli %min3A_662, %mul3A_726 : i32
        %mul3A_728 = arith.constant 16 : i32
        %mul3A_729 = arith.muli %scan3A_725, %mul3A_728 : i32
        %add3A_730 = arith.addi %mul3A_727, %mul3A_729 : i32
        %get3A = arith.index_cast %add3A_730 : i32 to index
        %get3A_731 = tpu.vector_load %arg4[%get3A] {strides = array<i32>} : memref<21504xf32, #tpu.memory_space<vmem>>, vector<16xf32>,
        %get3A_732 = vector.shape_cast %get3A_731 : vector<16xf32> to vector<16xf32>
        %mul3A_733 = arith.constant 16 : i32
        %mul3A_734 = arith.muli %scan3A_725, %mul3A_733 : i32
        %swap3A = arith.constant 27 : i32
        %swap3A_735 = arith.index_cast %swap3A : i32 to index
        %swap3A_736 = arith.index_cast %mul3A_734 : i32 to index
        %swap3A_737 = tpu.vector_load %arg7[%swap3A_735, %swap3A_736] {strides = array<i32>} : memref<32x1024xf32, #tpu.memory_space<vmem>>, vector<1x16xf32>,
        %swap3A_738 = vector.shape_cast %swap3A_737 : vector<1x16xf32> to vector<16xf32>
        %swap3A_739 = vector.shape_cast %get3A_732 : vector<16xf32> to vector<1x16xf32>
        tpu.vector_store %arg7[%swap3A_735, %swap3A_736], %swap3A_739 {strides = array<i32>} : memref<32x1024xf32, #tpu.memory_space<vmem>>, vector<1x16xf32>,
      }
      %scan3A_668 = arith.constant 64 : i32
      %add3A_669 = arith.constant 28 : i32
      %add3A_670 = arith.addi %mul3A_276, %add3A_669 : i32
      %sub3A_671 = arith.constant 4085 : i32
      %sub3A_672 = arith.subi %add3A_670, %sub3A_671 : i32
      %jit3A_673 = arith.constant 0 : i32
      %jit3A_674 = arith.constant 20 : i32
      %max3A_675 = arith.maxsi %jit3A_673, %sub3A_672 : i32
      %min3A_676 = arith.minsi %jit3A_674, %max3A_675 : i32
      %scan3A_677 = arith.constant 0 : i32
      %scan3A_678 = arith.constant 0 : i32
      %scan3A_679 = arith.constant 64 : i32
      %scan3A_680 = arith.addi %scan3A_678, %scan3A_679 : i32
      %scan3A_681 = arith.constant 1 : i32
      scf.for %scan3A_725 = %scan3A_678 to %scan3A_680 step %scan3A_681  : i32 {
        %mul3A_726 = arith.constant 1024 : i32
        %mul3A_727 = arith.muli %min3A_676, %mul3A_726 : i32
        %mul3A_728 = arith.constant 16 : i32
        %mul3A_729 = arith.muli %scan3A_725, %mul3A_728 : i32
        %add3A_730 = arith.addi %mul3A_727, %mul3A_729 : i32
        %get3A = arith.index_cast %add3A_730 : i32 to index
        %get3A_731 = tpu.vector_load %arg4[%get3A] {strides = array<i32>} : memref<21504xf32, #tpu.memory_space<vmem>>, vector<16xf32>,
        %get3A_732 = vector.shape_cast %get3A_731 : vector<16xf32> to vector<16xf32>
        %mul3A_733 = arith.constant 16 : i32
        %mul3A_734 = arith.muli %scan3A_725, %mul3A_733 : i32
        %swap3A = arith.constant 28 : i32
        %swap3A_735 = arith.index_cast %swap3A : i32 to index
        %swap3A_736 = arith.index_cast %mul3A_734 : i32 to index
        %swap3A_737 = tpu.vector_load %arg7[%swap3A_735, %swap3A_736] {strides = array<i32>} : memref<32x1024xf32, #tpu.memory_space<vmem>>, vector<1x16xf32>,
        %swap3A_738 = vector.shape_cast %swap3A_737 : vector<1x16xf32> to vector<16xf32>
        %swap3A_739 = vector.shape_cast %get3A_732 : vector<16xf32> to vector<1x16xf32>
        tpu.vector_store %arg7[%swap3A_735, %swap3A_736], %swap3A_739 {strides = array<i32>} : memref<32x1024xf32, #tpu.memory_space<vmem>>, vector<1x16xf32>,
      }
      %scan3A_682 = arith.constant 64 : i32
      %add3A_683 = arith.constant 29 : i32
      %add3A_684 = arith.addi %mul3A_276, %add3A_683 : i32
      %sub3A_685 = arith.constant 4085 : i32
      %sub3A_686 = arith.subi %add3A_684, %sub3A_685 : i32
      %jit3A_687 = arith.constant 0 : i32
      %jit3A_688 = arith.constant 20 : i32
      %max3A_689 = arith.maxsi %jit3A_687, %sub3A_686 : i32
      %min3A_690 = arith.minsi %jit3A_688, %max3A_689 : i32
      %scan3A_691 = arith.constant 0 : i32
      %scan3A_692 = arith.constant 0 : i32
      %scan3A_693 = arith.constant 64 : i32
      %scan3A_694 = arith.addi %scan3A_692, %scan3A_693 : i32
      %scan3A_695 = arith.constant 1 : i32
      scf.for %scan3A_725 = %scan3A_692 to %scan3A_694 step %scan3A_695  : i32 {
        %mul3A_726 = arith.constant 1024 : i32
        %mul3A_727 = arith.muli %min3A_690, %mul3A_726 : i32
        %mul3A_728 = arith.constant 16 : i32
        %mul3A_729 = arith.muli %scan3A_725, %mul3A_728 : i32
        %add3A_730 = arith.addi %mul3A_727, %mul3A_729 : i32
        %get3A = arith.index_cast %add3A_730 : i32 to index
        %get3A_731 = tpu.vector_load %arg4[%get3A] {strides = array<i32>} : memref<21504xf32, #tpu.memory_space<vmem>>, vector<16xf32>,
        %get3A_732 = vector.shape_cast %get3A_731 : vector<16xf32> to vector<16xf32>
        %mul3A_733 = arith.constant 16 : i32
        %mul3A_734 = arith.muli %scan3A_725, %mul3A_733 : i32
        %swap3A = arith.constant 29 : i32
        %swap3A_735 = arith.index_cast %swap3A : i32 to index
        %swap3A_736 = arith.index_cast %mul3A_734 : i32 to index
        %swap3A_737 = tpu.vector_load %arg7[%swap3A_735, %swap3A_736] {strides = array<i32>} : memref<32x1024xf32, #tpu.memory_space<vmem>>, vector<1x16xf32>,
        %swap3A_738 = vector.shape_cast %swap3A_737 : vector<1x16xf32> to vector<16xf32>
        %swap3A_739 = vector.shape_cast %get3A_732 : vector<16xf32> to vector<1x16xf32>
        tpu.vector_store %arg7[%swap3A_735, %swap3A_736], %swap3A_739 {strides = array<i32>} : memref<32x1024xf32, #tpu.memory_space<vmem>>, vector<1x16xf32>,
      }
      %scan3A_696 = arith.constant 64 : i32
      %add3A_697 = arith.constant 30 : i32
      %add3A_698 = arith.addi %mul3A_276, %add3A_697 : i32
      %sub3A_699 = arith.constant 4085 : i32
      %sub3A_700 = arith.subi %add3A_698, %sub3A_699 : i32
      %jit3A_701 = arith.constant 0 : i32
      %jit3A_702 = arith.constant 20 : i32
      %max3A_703 = arith.maxsi %jit3A_701, %sub3A_700 : i32
      %min3A_704 = arith.minsi %jit3A_702, %max3A_703 : i32
      %scan3A_705 = arith.constant 0 : i32
      %scan3A_706 = arith.constant 0 : i32
      %scan3A_707 = arith.constant 64 : i32
      %scan3A_708 = arith.addi %scan3A_706, %scan3A_707 : i32
      %scan3A_709 = arith.constant 1 : i32
      scf.for %scan3A_725 = %scan3A_706 to %scan3A_708 step %scan3A_709  : i32 {
        %mul3A_726 = arith.constant 1024 : i32
        %mul3A_727 = arith.muli %min3A_704, %mul3A_726 : i32
        %mul3A_728 = arith.constant 16 : i32
        %mul3A_729 = arith.muli %scan3A_725, %mul3A_728 : i32
        %add3A_730 = arith.addi %mul3A_727, %mul3A_729 : i32
        %get3A = arith.index_cast %add3A_730 : i32 to index
        %get3A_731 = tpu.vector_load %arg4[%get3A] {strides = array<i32>} : memref<21504xf32, #tpu.memory_space<vmem>>, vector<16xf32>,
        %get3A_732 = vector.shape_cast %get3A_731 : vector<16xf32> to vector<16xf32>
        %mul3A_733 = arith.constant 16 : i32
        %mul3A_734 = arith.muli %scan3A_725, %mul3A_733 : i32
        %swap3A = arith.constant 30 : i32
        %swap3A_735 = arith.index_cast %swap3A : i32 to index
        %swap3A_736 = arith.index_cast %mul3A_734 : i32 to index
        %swap3A_737 = tpu.vector_load %arg7[%swap3A_735, %swap3A_736] {strides = array<i32>} : memref<32x1024xf32, #tpu.memory_space<vmem>>, vector<1x16xf32>,
        %swap3A_738 = vector.shape_cast %swap3A_737 : vector<1x16xf32> to vector<16xf32>
        %swap3A_739 = vector.shape_cast %get3A_732 : vector<16xf32> to vector<1x16xf32>
        tpu.vector_store %arg7[%swap3A_735, %swap3A_736], %swap3A_739 {strides = array<i32>} : memref<32x1024xf32, #tpu.memory_space<vmem>>, vector<1x16xf32>,
      }
      %scan3A_710 = arith.constant 64 : i32
      %add3A_711 = arith.constant 31 : i32
      %add3A_712 = arith.addi %mul3A_276, %add3A_711 : i32
      %sub3A_713 = arith.constant 4085 : i32
      %sub3A_714 = arith.subi %add3A_712, %sub3A_713 : i32
      %jit3A_715 = arith.constant 0 : i32
      %jit3A_716 = arith.constant 20 : i32
      %max3A_717 = arith.maxsi %jit3A_715, %sub3A_714 : i32
      %min3A_718 = arith.minsi %jit3A_716, %max3A_717 : i32
      %scan3A_719 = arith.constant 0 : i32
      %scan3A_720 = arith.constant 0 : i32
      %scan3A_721 = arith.constant 64 : i32
      %scan3A_722 = arith.addi %scan3A_720, %scan3A_721 : i32
      %scan3A_723 = arith.constant 1 : i32
      scf.for %scan3A_725 = %scan3A_720 to %scan3A_722 step %scan3A_723  : i32 {
        %mul3A_726 = arith.constant 1024 : i32
        %mul3A_727 = arith.muli %min3A_718, %mul3A_726 : i32
        %mul3A_728 = arith.constant 16 : i32
        %mul3A_729 = arith.muli %scan3A_725, %mul3A_728 : i32
        %add3A_730 = arith.addi %mul3A_727, %mul3A_729 : i32
        %get3A = arith.index_cast %add3A_730 : i32 to index
        %get3A_731 = tpu.vector_load %arg4[%get3A] {strides = array<i32>} : memref<21504xf32, #tpu.memory_space<vmem>>, vector<16xf32>,
        %get3A_732 = vector.shape_cast %get3A_731 : vector<16xf32> to vector<16xf32>
        %mul3A_733 = arith.constant 16 : i32
        %mul3A_734 = arith.muli %scan3A_725, %mul3A_733 : i32
        %swap3A = arith.constant 31 : i32
        %swap3A_735 = arith.index_cast %swap3A : i32 to index
        %swap3A_736 = arith.index_cast %mul3A_734 : i32 to index
        %swap3A_737 = tpu.vector_load %arg7[%swap3A_735, %swap3A_736] {strides = array<i32>} : memref<32x1024xf32, #tpu.memory_space<vmem>>, vector<1x16xf32>,
        %swap3A_738 = vector.shape_cast %swap3A_737 : vector<1x16xf32> to vector<16xf32>
        %swap3A_739 = vector.shape_cast %get3A_732 : vector<16xf32> to vector<1x16xf32>
        tpu.vector_store %arg7[%swap3A_735, %swap3A_736], %swap3A_739 {strides = array<i32>} : memref<32x1024xf32, #tpu.memory_space<vmem>>, vector<1x16xf32>,
      }
      %scan3A_724 = arith.constant 64 : i32
    } else {
    }
    %mul3A_25 = arith.constant 8 : i32
    %mul3A_26 = arith.muli %add3A, %mul3A_25 : i32
    %add3A_27 = arith.constant 0 : i32
    %add3A_28 = arith.addi %mul3A_26, %add3A_27 : i32
    %mul3A_29 = arith.constant 32 : i32
    %mul3A_30 = arith.muli %add3A_28, %mul3A_29 : i32
    %multiple_of3A = tpu.assume_multiple %mul3A_30, 32 : i32
    %eq3A = arith.cmpi eq, %add3A_28, %select_n3A_23 : i32
    %and3A_31 = arith.andi %and3A, %eq3A : i1
    %lt3A_32 = arith.constant 255 : i32
    %lt3A_33 = arith.cmpi slt, %add3A_28, %lt3A_32 : i32
    %not3A = arith.constant true
    %not3A_34 = arith.xori %and3A_31, %not3A : i1
    %and3A_35 = arith.andi %lt3A_33, %not3A_34 : i1
    %convert_element_type3A_36 = arith.extui %and3A_35 : i1 to i32
    %cond3A_37 = arith.constant 0 : i32
    %cond3A_38 = arith.cmpi ne, %convert_element_type3A_36, %cond3A_37 : i32
    scf.if %cond3A_38 {
      %dma_start3A = arith.constant 0 : i32
      %dma_start3A_275 = tpu.memref_slice %arg3[%multiple_of3A, %dma_start3A] : memref<8191x1024xf32, #tpu.memory_space<hbm>> -> memref<32x1024xf32, #tpu.memory_space<hbm>>
      %dma_start3A_276 = arith.constant 0 : i32
      %dma_start3A_277 = tpu.memref_slice %arg3[%multiple_of3A, %dma_start3A_276] : memref<8191x1024xf32, #tpu.memory_space<hbm>> -> memref<32x1024xf32, #tpu.memory_space<hbm>>
      tpu.enqueue_dma source(%arg6 : memref<32x1024xf32, #tpu.memory_space<vmem>>) target(%dma_start3A_277 : memref<32x1024xf32, #tpu.memory_space<hbm>>) target_semaphore(%arg8 : memref<!tpu.dma_semaphore, #tpu.memory_space<semaphore_mem>>)
    } else {
    }
    %and3A_39 = arith.andi %lt3A_33, %and3A_31 : i1
    %convert_element_type3A_40 = arith.extui %and3A_39 : i1 to i32
    %cond3A_41 = arith.constant 0 : i32
    %cond3A_42 = arith.cmpi ne, %convert_element_type3A_40, %cond3A_41 : i32
    scf.if %cond3A_42 {
      %dma_start3A = arith.constant 0 : i32
      %dma_start3A_275 = tpu.memref_slice %arg3[%multiple_of3A, %dma_start3A] : memref<8191x1024xf32, #tpu.memory_space<hbm>> -> memref<32x1024xf32, #tpu.memory_space<hbm>>
      %dma_start3A_276 = arith.constant 0 : i32
      %dma_start3A_277 = tpu.memref_slice %arg3[%multiple_of3A, %dma_start3A_276] : memref<8191x1024xf32, #tpu.memory_space<hbm>> -> memref<32x1024xf32, #tpu.memory_space<hbm>>
      tpu.enqueue_dma source(%arg7 : memref<32x1024xf32, #tpu.memory_space<vmem>>) target(%dma_start3A_277 : memref<32x1024xf32, #tpu.memory_space<hbm>>) target_semaphore(%arg9 : memref<!tpu.dma_semaphore, #tpu.memory_space<semaphore_mem>>)
    } else {
    }
    %mul3A_43 = arith.constant 8 : i32
    %mul3A_44 = arith.muli %add3A, %mul3A_43 : i32
    %add3A_45 = arith.constant 1 : i32
    %add3A_46 = arith.addi %mul3A_44, %add3A_45 : i32
    %mul3A_47 = arith.constant 32 : i32
    %mul3A_48 = arith.muli %add3A_46, %mul3A_47 : i32
    %multiple_of3A_49 = tpu.assume_multiple %mul3A_48, 32 : i32
    %eq3A_50 = arith.cmpi eq, %add3A_46, %select_n3A_23 : i32
    %and3A_51 = arith.andi %and3A, %eq3A_50 : i1
    %lt3A_52 = arith.constant 255 : i32
    %lt3A_53 = arith.cmpi slt, %add3A_46, %lt3A_52 : i32
    %not3A_54 = arith.constant true
    %not3A_55 = arith.xori %and3A_51, %not3A_54 : i1
    %and3A_56 = arith.andi %lt3A_53, %not3A_55 : i1
    %convert_element_type3A_57 = arith.extui %and3A_56 : i1 to i32
    %cond3A_58 = arith.constant 0 : i32
    %cond3A_59 = arith.cmpi ne, %convert_element_type3A_57, %cond3A_58 : i32
    scf.if %cond3A_59 {
      %dma_start3A = arith.constant 0 : i32
      %dma_start3A_275 = tpu.memref_slice %arg3[%multiple_of3A_49, %dma_start3A] : memref<8191x1024xf32, #tpu.memory_space<hbm>> -> memref<32x1024xf32, #tpu.memory_space<hbm>>
      %dma_start3A_276 = arith.constant 0 : i32
      %dma_start3A_277 = tpu.memref_slice %arg3[%multiple_of3A_49, %dma_start3A_276] : memref<8191x1024xf32, #tpu.memory_space<hbm>> -> memref<32x1024xf32, #tpu.memory_space<hbm>>
      tpu.enqueue_dma source(%arg6 : memref<32x1024xf32, #tpu.memory_space<vmem>>) target(%dma_start3A_277 : memref<32x1024xf32, #tpu.memory_space<hbm>>) target_semaphore(%arg8 : memref<!tpu.dma_semaphore, #tpu.memory_space<semaphore_mem>>)
    } else {
    }
    %and3A_60 = arith.andi %lt3A_53, %and3A_51 : i1
    %convert_element_type3A_61 = arith.extui %and3A_60 : i1 to i32
    %cond3A_62 = arith.constant 0 : i32
    %cond3A_63 = arith.cmpi ne, %convert_element_type3A_61, %cond3A_62 : i32
    scf.if %cond3A_63 {
      %dma_start3A = arith.constant 0 : i32
      %dma_start3A_275 = tpu.memref_slice %arg3[%multiple_of3A_49, %dma_start3A] : memref<8191x1024xf32, #tpu.memory_space<hbm>> -> memref<32x1024xf32, #tpu.memory_space<hbm>>
      %dma_start3A_276 = arith.constant 0 : i32
      %dma_start3A_277 = tpu.memref_slice %arg3[%multiple_of3A_49, %dma_start3A_276] : memref<8191x1024xf32, #tpu.memory_space<hbm>> -> memref<32x1024xf32, #tpu.memory_space<hbm>>
      tpu.enqueue_dma source(%arg7 : memref<32x1024xf32, #tpu.memory_space<vmem>>) target(%dma_start3A_277 : memref<32x1024xf32, #tpu.memory_space<hbm>>) target_semaphore(%arg9 : memref<!tpu.dma_semaphore, #tpu.memory_space<semaphore_mem>>)
    } else {
    }
    %mul3A_64 = arith.constant 8 : i32
    %mul3A_65 = arith.muli %add3A, %mul3A_64 : i32
    %add3A_66 = arith.constant 2 : i32
    %add3A_67 = arith.addi %mul3A_65, %add3A_66 : i32
    %mul3A_68 = arith.constant 32 : i32
    %mul3A_69 = arith.muli %add3A_67, %mul3A_68 : i32
    %multiple_of3A_70 = tpu.assume_multiple %mul3A_69, 32 : i32
    %eq3A_71 = arith.cmpi eq, %add3A_67, %select_n3A_23 : i32
    %and3A_72 = arith.andi %and3A, %eq3A_71 : i1
    %lt3A_73 = arith.constant 255 : i32
    %lt3A_74 = arith.cmpi slt, %add3A_67, %lt3A_73 : i32
    %not3A_75 = arith.constant true
    %not3A_76 = arith.xori %and3A_72, %not3A_75 : i1
    %and3A_77 = arith.andi %lt3A_74, %not3A_76 : i1
    %convert_element_type3A_78 = arith.extui %and3A_77 : i1 to i32
    %cond3A_79 = arith.constant 0 : i32
    %cond3A_80 = arith.cmpi ne, %convert_element_type3A_78, %cond3A_79 : i32
    scf.if %cond3A_80 {
      %dma_start3A = arith.constant 0 : i32
      %dma_start3A_275 = tpu.memref_slice %arg3[%multiple_of3A_70, %dma_start3A] : memref<8191x1024xf32, #tpu.memory_space<hbm>> -> memref<32x1024xf32, #tpu.memory_space<hbm>>
      %dma_start3A_276 = arith.constant 0 : i32
      %dma_start3A_277 = tpu.memref_slice %arg3[%multiple_of3A_70, %dma_start3A_276] : memref<8191x1024xf32, #tpu.memory_space<hbm>> -> memref<32x1024xf32, #tpu.memory_space<hbm>>
      tpu.enqueue_dma source(%arg6 : memref<32x1024xf32, #tpu.memory_space<vmem>>) target(%dma_start3A_277 : memref<32x1024xf32, #tpu.memory_space<hbm>>) target_semaphore(%arg8 : memref<!tpu.dma_semaphore, #tpu.memory_space<semaphore_mem>>)
    } else {
    }
    %and3A_81 = arith.andi %lt3A_74, %and3A_72 : i1
    %convert_element_type3A_82 = arith.extui %and3A_81 : i1 to i32
    %cond3A_83 = arith.constant 0 : i32
    %cond3A_84 = arith.cmpi ne, %convert_element_type3A_82, %cond3A_83 : i32
    scf.if %cond3A_84 {
      %dma_start3A = arith.constant 0 : i32
      %dma_start3A_275 = tpu.memref_slice %arg3[%multiple_of3A_70, %dma_start3A] : memref<8191x1024xf32, #tpu.memory_space<hbm>> -> memref<32x1024xf32, #tpu.memory_space<hbm>>
      %dma_start3A_276 = arith.constant 0 : i32
      %dma_start3A_277 = tpu.memref_slice %arg3[%multiple_of3A_70, %dma_start3A_276] : memref<8191x1024xf32, #tpu.memory_space<hbm>> -> memref<32x1024xf32, #tpu.memory_space<hbm>>
      tpu.enqueue_dma source(%arg7 : memref<32x1024xf32, #tpu.memory_space<vmem>>) target(%dma_start3A_277 : memref<32x1024xf32, #tpu.memory_space<hbm>>) target_semaphore(%arg9 : memref<!tpu.dma_semaphore, #tpu.memory_space<semaphore_mem>>)
    } else {
    }
    %mul3A_85 = arith.constant 8 : i32
    %mul3A_86 = arith.muli %add3A, %mul3A_85 : i32
    %add3A_87 = arith.constant 3 : i32
    %add3A_88 = arith.addi %mul3A_86, %add3A_87 : i32
    %mul3A_89 = arith.constant 32 : i32
    %mul3A_90 = arith.muli %add3A_88, %mul3A_89 : i32
    %multiple_of3A_91 = tpu.assume_multiple %mul3A_90, 32 : i32
    %eq3A_92 = arith.cmpi eq, %add3A_88, %select_n3A_23 : i32
    %and3A_93 = arith.andi %and3A, %eq3A_92 : i1
    %lt3A_94 = arith.constant 255 : i32
    %lt3A_95 = arith.cmpi slt, %add3A_88, %lt3A_94 : i32
    %not3A_96 = arith.constant true
    %not3A_97 = arith.xori %and3A_93, %not3A_96 : i1
    %and3A_98 = arith.andi %lt3A_95, %not3A_97 : i1
    %convert_element_type3A_99 = arith.extui %and3A_98 : i1 to i32
    %cond3A_100 = arith.constant 0 : i32
    %cond3A_101 = arith.cmpi ne, %convert_element_type3A_99, %cond3A_100 : i32
    scf.if %cond3A_101 {
      %dma_start3A = arith.constant 0 : i32
      %dma_start3A_275 = tpu.memref_slice %arg3[%multiple_of3A_91, %dma_start3A] : memref<8191x1024xf32, #tpu.memory_space<hbm>> -> memref<32x1024xf32, #tpu.memory_space<hbm>>
      %dma_start3A_276 = arith.constant 0 : i32
      %dma_start3A_277 = tpu.memref_slice %arg3[%multiple_of3A_91, %dma_start3A_276] : memref<8191x1024xf32, #tpu.memory_space<hbm>> -> memref<32x1024xf32, #tpu.memory_space<hbm>>
      tpu.enqueue_dma source(%arg6 : memref<32x1024xf32, #tpu.memory_space<vmem>>) target(%dma_start3A_277 : memref<32x1024xf32, #tpu.memory_space<hbm>>) target_semaphore(%arg8 : memref<!tpu.dma_semaphore, #tpu.memory_space<semaphore_mem>>)
    } else {
    }
    %and3A_102 = arith.andi %lt3A_95, %and3A_93 : i1
    %convert_element_type3A_103 = arith.extui %and3A_102 : i1 to i32
    %cond3A_104 = arith.constant 0 : i32
    %cond3A_105 = arith.cmpi ne, %convert_element_type3A_103, %cond3A_104 : i32
    scf.if %cond3A_105 {
      %dma_start3A = arith.constant 0 : i32
      %dma_start3A_275 = tpu.memref_slice %arg3[%multiple_of3A_91, %dma_start3A] : memref<8191x1024xf32, #tpu.memory_space<hbm>> -> memref<32x1024xf32, #tpu.memory_space<hbm>>
      %dma_start3A_276 = arith.constant 0 : i32
      %dma_start3A_277 = tpu.memref_slice %arg3[%multiple_of3A_91, %dma_start3A_276] : memref<8191x1024xf32, #tpu.memory_space<hbm>> -> memref<32x1024xf32, #tpu.memory_space<hbm>>
      tpu.enqueue_dma source(%arg7 : memref<32x1024xf32, #tpu.memory_space<vmem>>) target(%dma_start3A_277 : memref<32x1024xf32, #tpu.memory_space<hbm>>) target_semaphore(%arg9 : memref<!tpu.dma_semaphore, #tpu.memory_space<semaphore_mem>>)
    } else {
    }
    %mul3A_106 = arith.constant 8 : i32
    %mul3A_107 = arith.muli %add3A, %mul3A_106 : i32
    %add3A_108 = arith.constant 4 : i32
    %add3A_109 = arith.addi %mul3A_107, %add3A_108 : i32
    %mul3A_110 = arith.constant 32 : i32
    %mul3A_111 = arith.muli %add3A_109, %mul3A_110 : i32
    %multiple_of3A_112 = tpu.assume_multiple %mul3A_111, 32 : i32
    %eq3A_113 = arith.cmpi eq, %add3A_109, %select_n3A_23 : i32
    %and3A_114 = arith.andi %and3A, %eq3A_113 : i1
    %lt3A_115 = arith.constant 255 : i32
    %lt3A_116 = arith.cmpi slt, %add3A_109, %lt3A_115 : i32
    %not3A_117 = arith.constant true
    %not3A_118 = arith.xori %and3A_114, %not3A_117 : i1
    %and3A_119 = arith.andi %lt3A_116, %not3A_118 : i1
    %convert_element_type3A_120 = arith.extui %and3A_119 : i1 to i32
    %cond3A_121 = arith.constant 0 : i32
    %cond3A_122 = arith.cmpi ne, %convert_element_type3A_120, %cond3A_121 : i32
    scf.if %cond3A_122 {
      %dma_start3A = arith.constant 0 : i32
      %dma_start3A_275 = tpu.memref_slice %arg3[%multiple_of3A_112, %dma_start3A] : memref<8191x1024xf32, #tpu.memory_space<hbm>> -> memref<32x1024xf32, #tpu.memory_space<hbm>>
      %dma_start3A_276 = arith.constant 0 : i32
      %dma_start3A_277 = tpu.memref_slice %arg3[%multiple_of3A_112, %dma_start3A_276] : memref<8191x1024xf32, #tpu.memory_space<hbm>> -> memref<32x1024xf32, #tpu.memory_space<hbm>>
      tpu.enqueue_dma source(%arg6 : memref<32x1024xf32, #tpu.memory_space<vmem>>) target(%dma_start3A_277 : memref<32x1024xf32, #tpu.memory_space<hbm>>) target_semaphore(%arg8 : memref<!tpu.dma_semaphore, #tpu.memory_space<semaphore_mem>>)
    } else {
    }
    %and3A_123 = arith.andi %lt3A_116, %and3A_114 : i1
    %convert_element_type3A_124 = arith.extui %and3A_123 : i1 to i32
    %cond3A_125 = arith.constant 0 : i32
    %cond3A_126 = arith.cmpi ne, %convert_element_type3A_124, %cond3A_125 : i32
    scf.if %cond3A_126 {
      %dma_start3A = arith.constant 0 : i32
      %dma_start3A_275 = tpu.memref_slice %arg3[%multiple_of3A_112, %dma_start3A] : memref<8191x1024xf32, #tpu.memory_space<hbm>> -> memref<32x1024xf32, #tpu.memory_space<hbm>>
      %dma_start3A_276 = arith.constant 0 : i32
      %dma_start3A_277 = tpu.memref_slice %arg3[%multiple_of3A_112, %dma_start3A_276] : memref<8191x1024xf32, #tpu.memory_space<hbm>> -> memref<32x1024xf32, #tpu.memory_space<hbm>>
      tpu.enqueue_dma source(%arg7 : memref<32x1024xf32, #tpu.memory_space<vmem>>) target(%dma_start3A_277 : memref<32x1024xf32, #tpu.memory_space<hbm>>) target_semaphore(%arg9 : memref<!tpu.dma_semaphore, #tpu.memory_space<semaphore_mem>>)
    } else {
    }
    %mul3A_127 = arith.constant 8 : i32
    %mul3A_128 = arith.muli %add3A, %mul3A_127 : i32
    %add3A_129 = arith.constant 5 : i32
    %add3A_130 = arith.addi %mul3A_128, %add3A_129 : i32
    %mul3A_131 = arith.constant 32 : i32
    %mul3A_132 = arith.muli %add3A_130, %mul3A_131 : i32
    %multiple_of3A_133 = tpu.assume_multiple %mul3A_132, 32 : i32
    %eq3A_134 = arith.cmpi eq, %add3A_130, %select_n3A_23 : i32
    %and3A_135 = arith.andi %and3A, %eq3A_134 : i1
    %lt3A_136 = arith.constant 255 : i32
    %lt3A_137 = arith.cmpi slt, %add3A_130, %lt3A_136 : i32
    %not3A_138 = arith.constant true
    %not3A_139 = arith.xori %and3A_135, %not3A_138 : i1
    %and3A_140 = arith.andi %lt3A_137, %not3A_139 : i1
    %convert_element_type3A_141 = arith.extui %and3A_140 : i1 to i32
    %cond3A_142 = arith.constant 0 : i32
    %cond3A_143 = arith.cmpi ne, %convert_element_type3A_141, %cond3A_142 : i32
    scf.if %cond3A_143 {
      %dma_start3A = arith.constant 0 : i32
      %dma_start3A_275 = tpu.memref_slice %arg3[%multiple_of3A_133, %dma_start3A] : memref<8191x1024xf32, #tpu.memory_space<hbm>> -> memref<32x1024xf32, #tpu.memory_space<hbm>>
      %dma_start3A_276 = arith.constant 0 : i32
      %dma_start3A_277 = tpu.memref_slice %arg3[%multiple_of3A_133, %dma_start3A_276] : memref<8191x1024xf32, #tpu.memory_space<hbm>> -> memref<32x1024xf32, #tpu.memory_space<hbm>>
      tpu.enqueue_dma source(%arg6 : memref<32x1024xf32, #tpu.memory_space<vmem>>) target(%dma_start3A_277 : memref<32x1024xf32, #tpu.memory_space<hbm>>) target_semaphore(%arg8 : memref<!tpu.dma_semaphore, #tpu.memory_space<semaphore_mem>>)
    } else {
    }
    %and3A_144 = arith.andi %lt3A_137, %and3A_135 : i1
    %convert_element_type3A_145 = arith.extui %and3A_144 : i1 to i32
    %cond3A_146 = arith.constant 0 : i32
    %cond3A_147 = arith.cmpi ne, %convert_element_type3A_145, %cond3A_146 : i32
    scf.if %cond3A_147 {
      %dma_start3A = arith.constant 0 : i32
      %dma_start3A_275 = tpu.memref_slice %arg3[%multiple_of3A_133, %dma_start3A] : memref<8191x1024xf32, #tpu.memory_space<hbm>> -> memref<32x1024xf32, #tpu.memory_space<hbm>>
      %dma_start3A_276 = arith.constant 0 : i32
      %dma_start3A_277 = tpu.memref_slice %arg3[%multiple_of3A_133, %dma_start3A_276] : memref<8191x1024xf32, #tpu.memory_space<hbm>> -> memref<32x1024xf32, #tpu.memory_space<hbm>>
      tpu.enqueue_dma source(%arg7 : memref<32x1024xf32, #tpu.memory_space<vmem>>) target(%dma_start3A_277 : memref<32x1024xf32, #tpu.memory_space<hbm>>) target_semaphore(%arg9 : memref<!tpu.dma_semaphore, #tpu.memory_space<semaphore_mem>>)
    } else {
    }
    %mul3A_148 = arith.constant 8 : i32
    %mul3A_149 = arith.muli %add3A, %mul3A_148 : i32
    %add3A_150 = arith.constant 6 : i32
    %add3A_151 = arith.addi %mul3A_149, %add3A_150 : i32
    %mul3A_152 = arith.constant 32 : i32
    %mul3A_153 = arith.muli %add3A_151, %mul3A_152 : i32
    %multiple_of3A_154 = tpu.assume_multiple %mul3A_153, 32 : i32
    %eq3A_155 = arith.cmpi eq, %add3A_151, %select_n3A_23 : i32
    %and3A_156 = arith.andi %and3A, %eq3A_155 : i1
    %lt3A_157 = arith.constant 255 : i32
    %lt3A_158 = arith.cmpi slt, %add3A_151, %lt3A_157 : i32
    %not3A_159 = arith.constant true
    %not3A_160 = arith.xori %and3A_156, %not3A_159 : i1
    %and3A_161 = arith.andi %lt3A_158, %not3A_160 : i1
    %convert_element_type3A_162 = arith.extui %and3A_161 : i1 to i32
    %cond3A_163 = arith.constant 0 : i32
    %cond3A_164 = arith.cmpi ne, %convert_element_type3A_162, %cond3A_163 : i32
    scf.if %cond3A_164 {
      %dma_start3A = arith.constant 0 : i32
      %dma_start3A_275 = tpu.memref_slice %arg3[%multiple_of3A_154, %dma_start3A] : memref<8191x1024xf32, #tpu.memory_space<hbm>> -> memref<32x1024xf32, #tpu.memory_space<hbm>>
      %dma_start3A_276 = arith.constant 0 : i32
      %dma_start3A_277 = tpu.memref_slice %arg3[%multiple_of3A_154, %dma_start3A_276] : memref<8191x1024xf32, #tpu.memory_space<hbm>> -> memref<32x1024xf32, #tpu.memory_space<hbm>>
      tpu.enqueue_dma source(%arg6 : memref<32x1024xf32, #tpu.memory_space<vmem>>) target(%dma_start3A_277 : memref<32x1024xf32, #tpu.memory_space<hbm>>) target_semaphore(%arg8 : memref<!tpu.dma_semaphore, #tpu.memory_space<semaphore_mem>>)
    } else {
    }
    %and3A_165 = arith.andi %lt3A_158, %and3A_156 : i1
    %convert_element_type3A_166 = arith.extui %and3A_165 : i1 to i32
    %cond3A_167 = arith.constant 0 : i32
    %cond3A_168 = arith.cmpi ne, %convert_element_type3A_166, %cond3A_167 : i32
    scf.if %cond3A_168 {
      %dma_start3A = arith.constant 0 : i32
      %dma_start3A_275 = tpu.memref_slice %arg3[%multiple_of3A_154, %dma_start3A] : memref<8191x1024xf32, #tpu.memory_space<hbm>> -> memref<32x1024xf32, #tpu.memory_space<hbm>>
      %dma_start3A_276 = arith.constant 0 : i32
      %dma_start3A_277 = tpu.memref_slice %arg3[%multiple_of3A_154, %dma_start3A_276] : memref<8191x1024xf32, #tpu.memory_space<hbm>> -> memref<32x1024xf32, #tpu.memory_space<hbm>>
      tpu.enqueue_dma source(%arg7 : memref<32x1024xf32, #tpu.memory_space<vmem>>) target(%dma_start3A_277 : memref<32x1024xf32, #tpu.memory_space<hbm>>) target_semaphore(%arg9 : memref<!tpu.dma_semaphore, #tpu.memory_space<semaphore_mem>>)
    } else {
    }
    %mul3A_169 = arith.constant 8 : i32
    %mul3A_170 = arith.muli %add3A, %mul3A_169 : i32
    %add3A_171 = arith.constant 7 : i32
    %add3A_172 = arith.addi %mul3A_170, %add3A_171 : i32
    %mul3A_173 = arith.constant 32 : i32
    %mul3A_174 = arith.muli %add3A_172, %mul3A_173 : i32
    %multiple_of3A_175 = tpu.assume_multiple %mul3A_174, 32 : i32
    %eq3A_176 = arith.cmpi eq, %add3A_172, %select_n3A_23 : i32
    %and3A_177 = arith.andi %and3A, %eq3A_176 : i1
    %lt3A_178 = arith.constant 255 : i32
    %lt3A_179 = arith.cmpi slt, %add3A_172, %lt3A_178 : i32
    %not3A_180 = arith.constant true
    %not3A_181 = arith.xori %and3A_177, %not3A_180 : i1
    %and3A_182 = arith.andi %lt3A_179, %not3A_181 : i1
    %convert_element_type3A_183 = arith.extui %and3A_182 : i1 to i32
    %cond3A_184 = arith.constant 0 : i32
    %cond3A_185 = arith.cmpi ne, %convert_element_type3A_183, %cond3A_184 : i32
    scf.if %cond3A_185 {
      %dma_start3A = arith.constant 0 : i32
      %dma_start3A_275 = tpu.memref_slice %arg3[%multiple_of3A_175, %dma_start3A] : memref<8191x1024xf32, #tpu.memory_space<hbm>> -> memref<32x1024xf32, #tpu.memory_space<hbm>>
      %dma_start3A_276 = arith.constant 0 : i32
      %dma_start3A_277 = tpu.memref_slice %arg3[%multiple_of3A_175, %dma_start3A_276] : memref<8191x1024xf32, #tpu.memory_space<hbm>> -> memref<32x1024xf32, #tpu.memory_space<hbm>>
      tpu.enqueue_dma source(%arg6 : memref<32x1024xf32, #tpu.memory_space<vmem>>) target(%dma_start3A_277 : memref<32x1024xf32, #tpu.memory_space<hbm>>) target_semaphore(%arg8 : memref<!tpu.dma_semaphore, #tpu.memory_space<semaphore_mem>>)
    } else {
    }
    %and3A_186 = arith.andi %lt3A_179, %and3A_177 : i1
    %convert_element_type3A_187 = arith.extui %and3A_186 : i1 to i32
    %cond3A_188 = arith.constant 0 : i32
    %cond3A_189 = arith.cmpi ne, %convert_element_type3A_187, %cond3A_188 : i32
    scf.if %cond3A_189 {
      %dma_start3A = arith.constant 0 : i32
      %dma_start3A_275 = tpu.memref_slice %arg3[%multiple_of3A_175, %dma_start3A] : memref<8191x1024xf32, #tpu.memory_space<hbm>> -> memref<32x1024xf32, #tpu.memory_space<hbm>>
      %dma_start3A_276 = arith.constant 0 : i32
      %dma_start3A_277 = tpu.memref_slice %arg3[%multiple_of3A_175, %dma_start3A_276] : memref<8191x1024xf32, #tpu.memory_space<hbm>> -> memref<32x1024xf32, #tpu.memory_space<hbm>>
      tpu.enqueue_dma source(%arg7 : memref<32x1024xf32, #tpu.memory_space<vmem>>) target(%dma_start3A_277 : memref<32x1024xf32, #tpu.memory_space<hbm>>) target_semaphore(%arg9 : memref<!tpu.dma_semaphore, #tpu.memory_space<semaphore_mem>>)
    } else {
    }
    %not3A_190 = arith.constant true
    %not3A_191 = arith.xori %and3A_31, %not3A_190 : i1
    %and3A_192 = arith.andi %lt3A_33, %not3A_191 : i1
    %convert_element_type3A_193 = arith.extui %and3A_192 : i1 to i32
    %cond3A_194 = arith.constant 0 : i32
    %cond3A_195 = arith.cmpi ne, %convert_element_type3A_193, %cond3A_194 : i32
    scf.if %cond3A_195 {
      %dma_wait3A = arith.constant 0 : i32
      %dma_wait3A_275 = tpu.memref_slice %arg3[%multiple_of3A, %dma_wait3A] : memref<8191x1024xf32, #tpu.memory_space<hbm>> -> memref<32x1024xf32, #tpu.memory_space<hbm>>
      %dma_wait3A_276 = arith.constant 0 : i32
      %dma_wait3A_277 = tpu.memref_slice %arg3[%multiple_of3A, %dma_wait3A_276] : memref<8191x1024xf32, #tpu.memory_space<hbm>> -> memref<32x1024xf32, #tpu.memory_space<hbm>>
      tpu.wait_dma2 semaphore(%arg8 : memref<!tpu.dma_semaphore, #tpu.memory_space<semaphore_mem>>) src(%arg6 : memref<32x1024xf32, #tpu.memory_space<vmem>>) dst(%dma_wait3A_277 : memref<32x1024xf32, #tpu.memory_space<hbm>>)
    } else {
    }
    %and3A_196 = arith.andi %lt3A_33, %and3A_31 : i1
    %convert_element_type3A_197 = arith.extui %and3A_196 : i1 to i32
    %cond3A_198 = arith.constant 0 : i32
    %cond3A_199 = arith.cmpi ne, %convert_element_type3A_197, %cond3A_198 : i32
    scf.if %cond3A_199 {
      %dma_wait3A = arith.constant 0 : i32
      %dma_wait3A_275 = tpu.memref_slice %arg3[%multiple_of3A, %dma_wait3A] : memref<8191x1024xf32, #tpu.memory_space<hbm>> -> memref<32x1024xf32, #tpu.memory_space<hbm>>
      %dma_wait3A_276 = arith.constant 0 : i32
      %dma_wait3A_277 = tpu.memref_slice %arg3[%multiple_of3A, %dma_wait3A_276] : memref<8191x1024xf32, #tpu.memory_space<hbm>> -> memref<32x1024xf32, #tpu.memory_space<hbm>>
      tpu.wait_dma2 semaphore(%arg9 : memref<!tpu.dma_semaphore, #tpu.memory_space<semaphore_mem>>) src(%arg7 : memref<32x1024xf32, #tpu.memory_space<vmem>>) dst(%dma_wait3A_277 : memref<32x1024xf32, #tpu.memory_space<hbm>>)
    } else {
    }
    %not3A_200 = arith.constant true
    %not3A_201 = arith.xori %and3A_51, %not3A_200 : i1
    %and3A_202 = arith.andi %lt3A_53, %not3A_201 : i1
    %convert_element_type3A_203 = arith.extui %and3A_202 : i1 to i32
    %cond3A_204 = arith.constant 0 : i32
    %cond3A_205 = arith.cmpi ne, %convert_element_type3A_203, %cond3A_204 : i32
    scf.if %cond3A_205 {
      %dma_wait3A = arith.constant 0 : i32
      %dma_wait3A_275 = tpu.memref_slice %arg3[%multiple_of3A_49, %dma_wait3A] : memref<8191x1024xf32, #tpu.memory_space<hbm>> -> memref<32x1024xf32, #tpu.memory_space<hbm>>
      %dma_wait3A_276 = arith.constant 0 : i32
      %dma_wait3A_277 = tpu.memref_slice %arg3[%multiple_of3A_49, %dma_wait3A_276] : memref<8191x1024xf32, #tpu.memory_space<hbm>> -> memref<32x1024xf32, #tpu.memory_space<hbm>>
      tpu.wait_dma2 semaphore(%arg8 : memref<!tpu.dma_semaphore, #tpu.memory_space<semaphore_mem>>) src(%arg6 : memref<32x1024xf32, #tpu.memory_space<vmem>>) dst(%dma_wait3A_277 : memref<32x1024xf32, #tpu.memory_space<hbm>>)
    } else {
    }
    %and3A_206 = arith.andi %lt3A_53, %and3A_51 : i1
    %convert_element_type3A_207 = arith.extui %and3A_206 : i1 to i32
    %cond3A_208 = arith.constant 0 : i32
    %cond3A_209 = arith.cmpi ne, %convert_element_type3A_207, %cond3A_208 : i32
    scf.if %cond3A_209 {
      %dma_wait3A = arith.constant 0 : i32
      %dma_wait3A_275 = tpu.memref_slice %arg3[%multiple_of3A_49, %dma_wait3A] : memref<8191x1024xf32, #tpu.memory_space<hbm>> -> memref<32x1024xf32, #tpu.memory_space<hbm>>
      %dma_wait3A_276 = arith.constant 0 : i32
      %dma_wait3A_277 = tpu.memref_slice %arg3[%multiple_of3A_49, %dma_wait3A_276] : memref<8191x1024xf32, #tpu.memory_space<hbm>> -> memref<32x1024xf32, #tpu.memory_space<hbm>>
      tpu.wait_dma2 semaphore(%arg9 : memref<!tpu.dma_semaphore, #tpu.memory_space<semaphore_mem>>) src(%arg7 : memref<32x1024xf32, #tpu.memory_space<vmem>>) dst(%dma_wait3A_277 : memref<32x1024xf32, #tpu.memory_space<hbm>>)
    } else {
    }
    %not3A_210 = arith.constant true
    %not3A_211 = arith.xori %and3A_72, %not3A_210 : i1
    %and3A_212 = arith.andi %lt3A_74, %not3A_211 : i1
    %convert_element_type3A_213 = arith.extui %and3A_212 : i1 to i32
    %cond3A_214 = arith.constant 0 : i32
    %cond3A_215 = arith.cmpi ne, %convert_element_type3A_213, %cond3A_214 : i32
    scf.if %cond3A_215 {
      %dma_wait3A = arith.constant 0 : i32
      %dma_wait3A_275 = tpu.memref_slice %arg3[%multiple_of3A_70, %dma_wait3A] : memref<8191x1024xf32, #tpu.memory_space<hbm>> -> memref<32x1024xf32, #tpu.memory_space<hbm>>
      %dma_wait3A_276 = arith.constant 0 : i32
      %dma_wait3A_277 = tpu.memref_slice %arg3[%multiple_of3A_70, %dma_wait3A_276] : memref<8191x1024xf32, #tpu.memory_space<hbm>> -> memref<32x1024xf32, #tpu.memory_space<hbm>>
      tpu.wait_dma2 semaphore(%arg8 : memref<!tpu.dma_semaphore, #tpu.memory_space<semaphore_mem>>) src(%arg6 : memref<32x1024xf32, #tpu.memory_space<vmem>>) dst(%dma_wait3A_277 : memref<32x1024xf32, #tpu.memory_space<hbm>>)
    } else {
    }
    %and3A_216 = arith.andi %lt3A_74, %and3A_72 : i1
    %convert_element_type3A_217 = arith.extui %and3A_216 : i1 to i32
    %cond3A_218 = arith.constant 0 : i32
    %cond3A_219 = arith.cmpi ne, %convert_element_type3A_217, %cond3A_218 : i32
    scf.if %cond3A_219 {
      %dma_wait3A = arith.constant 0 : i32
      %dma_wait3A_275 = tpu.memref_slice %arg3[%multiple_of3A_70, %dma_wait3A] : memref<8191x1024xf32, #tpu.memory_space<hbm>> -> memref<32x1024xf32, #tpu.memory_space<hbm>>
      %dma_wait3A_276 = arith.constant 0 : i32
      %dma_wait3A_277 = tpu.memref_slice %arg3[%multiple_of3A_70, %dma_wait3A_276] : memref<8191x1024xf32, #tpu.memory_space<hbm>> -> memref<32x1024xf32, #tpu.memory_space<hbm>>
      tpu.wait_dma2 semaphore(%arg9 : memref<!tpu.dma_semaphore, #tpu.memory_space<semaphore_mem>>) src(%arg7 : memref<32x1024xf32, #tpu.memory_space<vmem>>) dst(%dma_wait3A_277 : memref<32x1024xf32, #tpu.memory_space<hbm>>)
    } else {
    }
    %not3A_220 = arith.constant true
    %not3A_221 = arith.xori %and3A_93, %not3A_220 : i1
    %and3A_222 = arith.andi %lt3A_95, %not3A_221 : i1
    %convert_element_type3A_223 = arith.extui %and3A_222 : i1 to i32
    %cond3A_224 = arith.constant 0 : i32
    %cond3A_225 = arith.cmpi ne, %convert_element_type3A_223, %cond3A_224 : i32
    scf.if %cond3A_225 {
      %dma_wait3A = arith.constant 0 : i32
      %dma_wait3A_275 = tpu.memref_slice %arg3[%multiple_of3A_91, %dma_wait3A] : memref<8191x1024xf32, #tpu.memory_space<hbm>> -> memref<32x1024xf32, #tpu.memory_space<hbm>>
      %dma_wait3A_276 = arith.constant 0 : i32
      %dma_wait3A_277 = tpu.memref_slice %arg3[%multiple_of3A_91, %dma_wait3A_276] : memref<8191x1024xf32, #tpu.memory_space<hbm>> -> memref<32x1024xf32, #tpu.memory_space<hbm>>
      tpu.wait_dma2 semaphore(%arg8 : memref<!tpu.dma_semaphore, #tpu.memory_space<semaphore_mem>>) src(%arg6 : memref<32x1024xf32, #tpu.memory_space<vmem>>) dst(%dma_wait3A_277 : memref<32x1024xf32, #tpu.memory_space<hbm>>)
    } else {
    }
    %and3A_226 = arith.andi %lt3A_95, %and3A_93 : i1
    %convert_element_type3A_227 = arith.extui %and3A_226 : i1 to i32
    %cond3A_228 = arith.constant 0 : i32
    %cond3A_229 = arith.cmpi ne, %convert_element_type3A_227, %cond3A_228 : i32
    scf.if %cond3A_229 {
      %dma_wait3A = arith.constant 0 : i32
      %dma_wait3A_275 = tpu.memref_slice %arg3[%multiple_of3A_91, %dma_wait3A] : memref<8191x1024xf32, #tpu.memory_space<hbm>> -> memref<32x1024xf32, #tpu.memory_space<hbm>>
      %dma_wait3A_276 = arith.constant 0 : i32
      %dma_wait3A_277 = tpu.memref_slice %arg3[%multiple_of3A_91, %dma_wait3A_276] : memref<8191x1024xf32, #tpu.memory_space<hbm>> -> memref<32x1024xf32, #tpu.memory_space<hbm>>
      tpu.wait_dma2 semaphore(%arg9 : memref<!tpu.dma_semaphore, #tpu.memory_space<semaphore_mem>>) src(%arg7 : memref<32x1024xf32, #tpu.memory_space<vmem>>) dst(%dma_wait3A_277 : memref<32x1024xf32, #tpu.memory_space<hbm>>)
    } else {
    }
    %not3A_230 = arith.constant true
    %not3A_231 = arith.xori %and3A_114, %not3A_230 : i1
    %and3A_232 = arith.andi %lt3A_116, %not3A_231 : i1
    %convert_element_type3A_233 = arith.extui %and3A_232 : i1 to i32
    %cond3A_234 = arith.constant 0 : i32
    %cond3A_235 = arith.cmpi ne, %convert_element_type3A_233, %cond3A_234 : i32
    scf.if %cond3A_235 {
      %dma_wait3A = arith.constant 0 : i32
      %dma_wait3A_275 = tpu.memref_slice %arg3[%multiple_of3A_112, %dma_wait3A] : memref<8191x1024xf32, #tpu.memory_space<hbm>> -> memref<32x1024xf32, #tpu.memory_space<hbm>>
      %dma_wait3A_276 = arith.constant 0 : i32
      %dma_wait3A_277 = tpu.memref_slice %arg3[%multiple_of3A_112, %dma_wait3A_276] : memref<8191x1024xf32, #tpu.memory_space<hbm>> -> memref<32x1024xf32, #tpu.memory_space<hbm>>
      tpu.wait_dma2 semaphore(%arg8 : memref<!tpu.dma_semaphore, #tpu.memory_space<semaphore_mem>>) src(%arg6 : memref<32x1024xf32, #tpu.memory_space<vmem>>) dst(%dma_wait3A_277 : memref<32x1024xf32, #tpu.memory_space<hbm>>)
    } else {
    }
    %and3A_236 = arith.andi %lt3A_116, %and3A_114 : i1
    %convert_element_type3A_237 = arith.extui %and3A_236 : i1 to i32
    %cond3A_238 = arith.constant 0 : i32
    %cond3A_239 = arith.cmpi ne, %convert_element_type3A_237, %cond3A_238 : i32
    scf.if %cond3A_239 {
      %dma_wait3A = arith.constant 0 : i32
      %dma_wait3A_275 = tpu.memref_slice %arg3[%multiple_of3A_112, %dma_wait3A] : memref<8191x1024xf32, #tpu.memory_space<hbm>> -> memref<32x1024xf32, #tpu.memory_space<hbm>>
      %dma_wait3A_276 = arith.constant 0 : i32
      %dma_wait3A_277 = tpu.memref_slice %arg3[%multiple_of3A_112, %dma_wait3A_276] : memref<8191x1024xf32, #tpu.memory_space<hbm>> -> memref<32x1024xf32, #tpu.memory_space<hbm>>
      tpu.wait_dma2 semaphore(%arg9 : memref<!tpu.dma_semaphore, #tpu.memory_space<semaphore_mem>>) src(%arg7 : memref<32x1024xf32, #tpu.memory_space<vmem>>) dst(%dma_wait3A_277 : memref<32x1024xf32, #tpu.memory_space<hbm>>)
    } else {
    }
    %not3A_240 = arith.constant true
    %not3A_241 = arith.xori %and3A_135, %not3A_240 : i1
    %and3A_242 = arith.andi %lt3A_137, %not3A_241 : i1
    %convert_element_type3A_243 = arith.extui %and3A_242 : i1 to i32
    %cond3A_244 = arith.constant 0 : i32
    %cond3A_245 = arith.cmpi ne, %convert_element_type3A_243, %cond3A_244 : i32
    scf.if %cond3A_245 {
      %dma_wait3A = arith.constant 0 : i32
      %dma_wait3A_275 = tpu.memref_slice %arg3[%multiple_of3A_133, %dma_wait3A] : memref<8191x1024xf32, #tpu.memory_space<hbm>> -> memref<32x1024xf32, #tpu.memory_space<hbm>>
      %dma_wait3A_276 = arith.constant 0 : i32
      %dma_wait3A_277 = tpu.memref_slice %arg3[%multiple_of3A_133, %dma_wait3A_276] : memref<8191x1024xf32, #tpu.memory_space<hbm>> -> memref<32x1024xf32, #tpu.memory_space<hbm>>
      tpu.wait_dma2 semaphore(%arg8 : memref<!tpu.dma_semaphore, #tpu.memory_space<semaphore_mem>>) src(%arg6 : memref<32x1024xf32, #tpu.memory_space<vmem>>) dst(%dma_wait3A_277 : memref<32x1024xf32, #tpu.memory_space<hbm>>)
    } else {
    }
    %and3A_246 = arith.andi %lt3A_137, %and3A_135 : i1
    %convert_element_type3A_247 = arith.extui %and3A_246 : i1 to i32
    %cond3A_248 = arith.constant 0 : i32
    %cond3A_249 = arith.cmpi ne, %convert_element_type3A_247, %cond3A_248 : i32
    scf.if %cond3A_249 {
      %dma_wait3A = arith.constant 0 : i32
      %dma_wait3A_275 = tpu.memref_slice %arg3[%multiple_of3A_133, %dma_wait3A] : memref<8191x1024xf32, #tpu.memory_space<hbm>> -> memref<32x1024xf32, #tpu.memory_space<hbm>>
      %dma_wait3A_276 = arith.constant 0 : i32
      %dma_wait3A_277 = tpu.memref_slice %arg3[%multiple_of3A_133, %dma_wait3A_276] : memref<8191x1024xf32, #tpu.memory_space<hbm>> -> memref<32x1024xf32, #tpu.memory_space<hbm>>
      tpu.wait_dma2 semaphore(%arg9 : memref<!tpu.dma_semaphore, #tpu.memory_space<semaphore_mem>>) src(%arg7 : memref<32x1024xf32, #tpu.memory_space<vmem>>) dst(%dma_wait3A_277 : memref<32x1024xf32, #tpu.memory_space<hbm>>)
    } else {
    }
    %not3A_250 = arith.constant true
    %not3A_251 = arith.xori %and3A_156, %not3A_250 : i1
    %and3A_252 = arith.andi %lt3A_158, %not3A_251 : i1
    %convert_element_type3A_253 = arith.extui %and3A_252 : i1 to i32
    %cond3A_254 = arith.constant 0 : i32
    %cond3A_255 = arith.cmpi ne, %convert_element_type3A_253, %cond3A_254 : i32
    scf.if %cond3A_255 {
      %dma_wait3A = arith.constant 0 : i32
      %dma_wait3A_275 = tpu.memref_slice %arg3[%multiple_of3A_154, %dma_wait3A] : memref<8191x1024xf32, #tpu.memory_space<hbm>> -> memref<32x1024xf32, #tpu.memory_space<hbm>>
      %dma_wait3A_276 = arith.constant 0 : i32
      %dma_wait3A_277 = tpu.memref_slice %arg3[%multiple_of3A_154, %dma_wait3A_276] : memref<8191x1024xf32, #tpu.memory_space<hbm>> -> memref<32x1024xf32, #tpu.memory_space<hbm>>
      tpu.wait_dma2 semaphore(%arg8 : memref<!tpu.dma_semaphore, #tpu.memory_space<semaphore_mem>>) src(%arg6 : memref<32x1024xf32, #tpu.memory_space<vmem>>) dst(%dma_wait3A_277 : memref<32x1024xf32, #tpu.memory_space<hbm>>)
    } else {
    }
    %and3A_256 = arith.andi %lt3A_158, %and3A_156 : i1
    %convert_element_type3A_257 = arith.extui %and3A_256 : i1 to i32
    %cond3A_258 = arith.constant 0 : i32
    %cond3A_259 = arith.cmpi ne, %convert_element_type3A_257, %cond3A_258 : i32
    scf.if %cond3A_259 {
      %dma_wait3A = arith.constant 0 : i32
      %dma_wait3A_275 = tpu.memref_slice %arg3[%multiple_of3A_154, %dma_wait3A] : memref<8191x1024xf32, #tpu.memory_space<hbm>> -> memref<32x1024xf32, #tpu.memory_space<hbm>>
      %dma_wait3A_276 = arith.constant 0 : i32
      %dma_wait3A_277 = tpu.memref_slice %arg3[%multiple_of3A_154, %dma_wait3A_276] : memref<8191x1024xf32, #tpu.memory_space<hbm>> -> memref<32x1024xf32, #tpu.memory_space<hbm>>
      tpu.wait_dma2 semaphore(%arg9 : memref<!tpu.dma_semaphore, #tpu.memory_space<semaphore_mem>>) src(%arg7 : memref<32x1024xf32, #tpu.memory_space<vmem>>) dst(%dma_wait3A_277 : memref<32x1024xf32, #tpu.memory_space<hbm>>)
    } else {
    }
    %not3A_260 = arith.constant true
    %not3A_261 = arith.xori %and3A_177, %not3A_260 : i1
    %and3A_262 = arith.andi %lt3A_179, %not3A_261 : i1
    %convert_element_type3A_263 = arith.extui %and3A_262 : i1 to i32
    %cond3A_264 = arith.constant 0 : i32
    %cond3A_265 = arith.cmpi ne, %convert_element_type3A_263, %cond3A_264 : i32
    scf.if %cond3A_265 {
      %dma_wait3A = arith.constant 0 : i32
      %dma_wait3A_275 = tpu.memref_slice %arg3[%multiple_of3A_175, %dma_wait3A] : memref<8191x1024xf32, #tpu.memory_space<hbm>> -> memref<32x1024xf32, #tpu.memory_space<hbm>>
      %dma_wait3A_276 = arith.constant 0 : i32
      %dma_wait3A_277 = tpu.memref_slice %arg3[%multiple_of3A_175, %dma_wait3A_276] : memref<8191x1024xf32, #tpu.memory_space<hbm>> -> memref<32x1024xf32, #tpu.memory_space<hbm>>
      tpu.wait_dma2 semaphore(%arg8 : memref<!tpu.dma_semaphore, #tpu.memory_space<semaphore_mem>>) src(%arg6 : memref<32x1024xf32, #tpu.memory_space<vmem>>) dst(%dma_wait3A_277 : memref<32x1024xf32, #tpu.memory_space<hbm>>)
    } else {
    }
    %and3A_266 = arith.andi %lt3A_179, %and3A_177 : i1
    %convert_element_type3A_267 = arith.extui %and3A_266 : i1 to i32
    %cond3A_268 = arith.constant 0 : i32
    %cond3A_269 = arith.cmpi ne, %convert_element_type3A_267, %cond3A_268 : i32
    scf.if %cond3A_269 {
      %dma_wait3A = arith.constant 0 : i32
      %dma_wait3A_275 = tpu.memref_slice %arg3[%multiple_of3A_175, %dma_wait3A] : memref<8191x1024xf32, #tpu.memory_space<hbm>> -> memref<32x1024xf32, #tpu.memory_space<hbm>>
      %dma_wait3A_276 = arith.constant 0 : i32
      %dma_wait3A_277 = tpu.memref_slice %arg3[%multiple_of3A_175, %dma_wait3A_276] : memref<8191x1024xf32, #tpu.memory_space<hbm>> -> memref<32x1024xf32, #tpu.memory_space<hbm>>
      tpu.wait_dma2 semaphore(%arg9 : memref<!tpu.dma_semaphore, #tpu.memory_space<semaphore_mem>>) src(%arg7 : memref<32x1024xf32, #tpu.memory_space<vmem>>) dst(%dma_wait3A_277 : memref<32x1024xf32, #tpu.memory_space<hbm>>)
    } else {
    }
    %eq3A_270 = arith.constant 31 : i32
    %eq3A_271 = arith.cmpi eq, %add3A, %eq3A_270 : i32
    %convert_element_type3A_272 = arith.extui %eq3A_271 : i1 to i32
    %cond3A_273 = arith.constant 0 : i32
    %cond3A_274 = arith.cmpi ne, %convert_element_type3A_272, %cond3A_273 : i32
    scf.if %cond3A_274 {
      %add3A_275 = arith.constant 8160 : i32
      %add3A_276 = vector.broadcast %add3A_275 : i32 to vector<16xi32>
      %add3A_277 = arith.addi %add3A_276, %iota3A : vector<16xi32>
      %min3A_278 = arith.constant 8190 : i32
      %min3A_279 = vector.broadcast %min3A_278 : i32 to vector<16xi32>
      %min3A_280 = arith.minsi %add3A_277, %min3A_279 : vector<16xi32>
      %swap3A = arith.constant 0 : index
      %swap3A_281 = tpu.vector_load %arg5[%swap3A] {strides = array<i32>} : memref<32xi32, #tpu.memory_space<vmem>>, vector<16xi32>,
      %swap3A_282 = vector.shape_cast %swap3A_281 : vector<16xi32> to vector<16xi32>
      %swap3A_283 = vector.shape_cast %min3A_280 : vector<16xi32> to vector<16xi32>
      tpu.vector_store %arg5[%swap3A], %swap3A_283 {strides = array<i32>} : memref<32xi32, #tpu.memory_space<vmem>>, vector<16xi32>,
      %add3A_284 = arith.constant 8176 : i32
      %add3A_285 = vector.broadcast %add3A_284 : i32 to vector<16xi32>
      %add3A_286 = arith.addi %add3A_285, %iota3A : vector<16xi32>
      %min3A_287 = arith.constant 8190 : i32
      %min3A_288 = vector.broadcast %min3A_287 : i32 to vector<16xi32>
      %min3A_289 = arith.minsi %add3A_286, %min3A_288 : vector<16xi32>
      %swap3A_290 = arith.constant 16 : index
      %swap3A_291 = tpu.vector_load %arg5[%swap3A_290] {strides = array<i32>} : memref<32xi32, #tpu.memory_space<vmem>>, vector<16xi32>,
      %swap3A_292 = vector.shape_cast %swap3A_291 : vector<16xi32> to vector<16xi32>
      %swap3A_293 = vector.shape_cast %min3A_289 : vector<16xi32> to vector<16xi32>
      tpu.vector_store %arg5[%swap3A_290], %swap3A_293 {strides = array<i32>} : memref<32xi32, #tpu.memory_space<vmem>>, vector<16xi32>,
      %dma_start3A = arith.constant 0 : i32
      %dma_start3A_294 = arith.constant 0 : i32
      %dma_start3A_295 = tpu.memref_slice %arg3[%dma_start3A, %dma_start3A_294] : memref<8191x1024xf32, #tpu.memory_space<hbm>> -> memref<8191x1024xf32, #tpu.memory_space<hbm>>
      tpu.enqueue_indirect_dma source(%arg6 : memref<32x1024xf32, #tpu.memory_space<vmem>>) target(%dma_start3A_295 : memref<8191x1024xf32, #tpu.memory_space<hbm>>) offsets(%arg5 : memref<32xi32, #tpu.memory_space<vmem>>) semaphore(%arg9 : memref<!tpu.dma_semaphore, #tpu.memory_space<semaphore_mem>>)
      %dma_wait3A = arith.constant 0 : i32
      %dma_wait3A_296 = arith.constant 0 : i32
      %dma_wait3A_297 = tpu.memref_slice %arg3[%dma_wait3A, %dma_wait3A_296] : memref<8191x1024xf32, #tpu.memory_space<hbm>> -> memref<8191x1024xf32, #tpu.memory_space<hbm>>
      tpu.wait_indirect_dma semaphore(%arg9 : memref<!tpu.dma_semaphore, #tpu.memory_space<semaphore_mem>>) src(%arg6 : memref<32x1024xf32, #tpu.memory_space<vmem>>) dst(%dma_wait3A_297 : memref<8191x1024xf32, #tpu.memory_space<hbm>>)
    } else {
    }
    return
  }
}

module attributes {stable_mosaic.version = 14 : i64} {
  func.func @_copy_block(%arg0: i32, %arg1: memref<2048x1024xf32, #tpu.memory_space<vmem>>, %arg2: memref<2048x1024xf32, #tpu.memory_space<vmem>>) attributes {dimension_semantics = [#tpu.dimension_semantics<arbitrary>], iteration_bounds = array<i64: 8>, scalar_prefetch = 0 : i64, scratch_operands = 0 : i64, tpu.core_type = #tpu.core_type<tc>, window_params = [{transform_indices = @transform_0, window_bounds = array<i64: 2048, 1024>}, {transform_indices = @transform_1, window_bounds = array<i64: 2048, 1024>}]} {
    %get3A = arith.constant 0 : index
    %get3A_0 = arith.constant 0 : index
    %get3A_1 = vector.load %arg1[%get3A, %get3A_0] : memref<2048x1024xf32, #tpu.memory_space<vmem>>, vector<2048x1024xf32>
    %swap3A = arith.constant 0 : index
    %swap3A_2 = arith.constant 0 : index
    %swap3A_3 = vector.load %arg2[%swap3A, %swap3A_2] : memref<2048x1024xf32, #tpu.memory_space<vmem>>, vector<2048x1024xf32>
    tpu.vector_store %arg2[%swap3A, %swap3A_2], %get3A_1 {strides = array<i32>} : memref<2048x1024xf32, #tpu.memory_space<vmem>>, vector<2048x1024xf32>,
    return
  }
  func.func @transform_0(%arg0: i32) -> (i32, i32) {
    %c0_i32 = arith.constant 0 : i32
    %c0_i32_0 = arith.constant 0 : i32
    return %arg0, %c0_i32 : i32, i32
  }
  func.func @transform_1(%arg0: i32) -> (i32, i32) {
    %c0_i32 = arith.constant 0 : i32
    %c0_i32_0 = arith.constant 0 : i32
    return %arg0, %c0_i32 : i32, i32
  }
}

</mosaic_0001>

<sc_bundles>
// kernel: kernel.4.cloned.1.call-start
scs
__scs_entry_jumppad:
0x0: {  	(pc) =	sbr.rel $0x88, $3  }
0x1: {  	(tag) =	ssettag $0x0;
	lr =	simm.s32 $0x1  }
0x2: {  	[smem:$0x3F9F] =	sst lr;
	_ =	strace $0xD0000000  }
0x3: {  	_ = 	snop  }
0x4: {  	_ = 	snop  }
0x5: {  	_ = 	snop  }
0x6: {  	_ = 	snop  }
0x7: {  	_ = 	snop  }
__scs_overlays_trampoline_lowered:
0x8: {  	[smem:$0x3FAE] =	sst s0  }
0x9: {  	[smem:$0x3FAF] =	sst s1  }
0xa: {  	[smem:$0x3FB0] =	sst s2  }
0xb: {  	[smem:$0x3FB1] =	sst s3  }
0xc: {  	[smem:$0x3FB2] =	sst s4  }
0xd: {  	[smem:$0x3FB3] =	sst s5  }
0xe: {  	[smem:$0x3FB4] =	sst s6  }
0xf: {  	[smem:$0x3FB5] =	sst s7  }
0x10: {  	[smem:$0x3FB6] =	sst s8  }
0x11: {  	[smem:$0x3FB7] =	sst s9;
	s0 =	simm.s32 @!p0 $0x0  }
0x12: {  	s1 =	sld [smem:$0x3F9D];
	s0 =	simm.s32 @p0 $0x1  }
0x13: {  	[smem:$0x3FB8] =	sst s0;
	s0 =	simm.s32 @!p1 $0x0  }
0x14: {  	s2 =	sld [smem:$0x3F9C];
	s0 =	simm.s32 @p1 $0x1  }
0x15: {  	[smem:$0x3FB9] =	sst s0;
	s0 =	simm.s32 @!p2 $0x0  }
0x16: {  	s3 =	sld [smem:$0x3FDB];
	s0 =	simm.s32 @p2 $0x1  }
0x17: {  	s4 =	simm.s32 $0x1BF5;
	[smem:$0x3FBB] =	sst s0  }
0x18: {  	s0 =	sld [smem:$0x3F9E];
	_ =	swait.ge [sflag:s4], $0x0  }
0x19: {  	s7 =	sld [smem:$0x3F9F]  }
0x1a: {  	s8 =	sadd.s32 $0xFFFFE003, lr  }
0x1b: {  	s9 =	sadd.s32 $0xFFFFFEF7, lr;
	s5 =	simm.s32 $0xFFFFFFFF;
	p2 =	slt.u32 s8, $0xFFFFF086  }
0x1c: {  	p1 =	slt.u32 s9, $0xF7A;
	s5 =	simm.s32 @!p2 $0x0  }
0x1d: {  	s5 =	simm.s32 @p1 $0x1;
	p0 =	seq.s32 s7, s2  }
0x1e: {  	s7 =	smul.u32 @!p0 $0xF7A, s2;
	p2 =	seq.s32 @!p0 s5, $0x0  }
0x1f: {  	s9 =	smul.u32 $0xF7A, s1;
	s8 =	simm.s32 @!p0 $0x1BF5;
	p2 =	por !p2, p0  }
0x20: {  	[sflag:s8] =	ssyncset.s32 @!p0 $0xFFFFF086;
	s6 =	sadd.s32 @!p0 s3, s7;
	s7 =	simm.s32 @!p0 $0x108  }
0x21: {  	s3 =	sadd.s32 s3, s9;
	s6 =	sadd.s32 @!p0 $0x88, s6;
	s7 =	simm.s32 @p2 $0x1082  }
0x22: {  	[simem:s7], [sflag:s8] =	dma.local @!p0 [hbm:s6], $0xF7A  }
0x23: {  	s9 =	sor.u32 $0xD0000000, s2;
	s6 =	simm.s32 $0x108;
	_ =	swait.ge @!p0 [sflag:s8], $0x0  }
0x24: {  	s3 =	sadd.s32 $0x88, s3;
	s6 =	simm.s32 @!p1 $0x1082;
	[sflag:s4] =	ssyncset.s32 $0xFFFFF086  }
0x25: {  	[simem:s6], [sflag:s4] =	dma.local [hbm:s3], $0xF7A  }
0x26: {  	[smem:$0x3F9F] =	sst s1;
	(tag) =	ssettag s2;
	_ =	strace s9  }
0x27: {  	s1 =	sld [smem:$0x3FAF]  }
0x28: {  	s2 =	sld [smem:$0x3FB0]  }
0x29: {  	s4 =	sld [smem:$0x3FB2]  }
0x2a: {  	p0 =	seq.s32 s5, $0x0;
	s5 =	sld [smem:$0x3FB3]  }
0x2b: {  	s6 =	sld [smem:$0x3FB4]  }
0x2c: {  	s7 =	sld [smem:$0x3FB5]  }
0x2d: {  	s3 =	simm.s32 $0x108;
	s8 =	sld [smem:$0x3FB6]  }
0x2e: {  	s3 =	simm.s32 @!p0 $0x1082;
	s9 =	sld [smem:$0x3FB7]  }
0x2f: {  	lr =	sadd.s32 s0, s3;
	s0 =	sld [smem:$0x3FAE]  }
0x30: {  	s3 =	sld [smem:$0x3FB1]  }
0x31: {  	[smem:$0x3FBA] =	sst s10  }
0x32: {  	s10 =	sld [smem:$0x3FB8];
	_ =	sdelay $0x3  }
0x33: {  	p0 =	seq.s32 s10, $0x1;
	s10 =	sld [smem:$0x3FBA];
	_ =	sdelay $0x3  }
0x34: {  	[smem:$0x3FBA] =	sst s10  }
0x35: {  	s10 =	sld [smem:$0x3FB9];
	_ =	sdelay $0x3  }
0x36: {  	p1 =	seq.s32 s10, $0x1;
	s10 =	sld [smem:$0x3FBA];
	_ =	sdelay $0x3  }
0x37: {  	[smem:$0x3FBA] =	sst s10  }
0x38: {  	s10 =	sld [smem:$0x3FBB]  }
0x39: {  	_ = 	snop;
	(pc) =	sbr.ind lr, $3  }
0x3a: {  	_ = 	snop  }
0x3b: {  	_ = 	snop  }
0x3c: {  	p2 =	seq.s32 s10, $0x1;
	s10 =	sld [smem:$0x3FBA]  }
0x3d: {  	_ =	shalt  }
0x3e: {  	_ =	shalt  }
0x3f: {  	_ =	shalt  }
0x40: {  	_ =	shalt  }
0x41: {  	_ =	shalt  }
0x42: {  	_ =	shalt  }
0x43: {  	_ =	shalt  }
0x44: {  	_ =	shalt  }
0x45: {  	_ =	shalt  }
0x46: {  	_ =	shalt  }
0x47: {  	_ =	shalt  }
0x48: {  	_ =	shalt  }
0x49: {  	_ =	shalt  }
0x4a: {  	_ =	shalt  }
0x4b: {  	_ =	shalt  }
0x4c: {  	_ =	shalt  }
0x4d: {  	_ =	shalt  }
0x4e: {  	_ =	shalt  }
0x4f: {  	_ =	shalt  }
0x50: {  	_ =	shalt  }
0x51: {  	_ =	shalt  }
0x52: {  	_ =	shalt  }
0x53: {  	_ =	shalt  }
0x54: {  	_ =	shalt  }
0x55: {  	_ =	shalt  }
0x56: {  	_ =	shalt  }
0x57: {  	_ =	shalt  }
0x58: {  	_ =	shalt  }
0x59: {  	_ =	shalt  }
0x5a: {  	_ =	shalt  }
0x5b: {  	_ =	shalt  }
0x5c: {  	_ =	shalt  }
0x5d: {  	_ =	shalt  }
0x5e: {  	_ =	shalt  }
0x5f: {  	_ =	shalt  }
0x60: {  	_ =	shalt  }
0x61: {  	_ =	shalt  }
0x62: {  	_ =	shalt  }
0x63: {  	_ =	shalt  }
0x64: {  	_ =	shalt  }
0x65: {  	_ =	shalt  }
0x66: {  	_ =	shalt  }
0x67: {  	_ =	shalt  }
0x68: {  	_ =	shalt  }
0x69: {  	_ =	shalt  }
0x6a: {  	_ =	shalt  }
0x6b: {  	_ =	shalt  }
0x6c: {  	_ =	shalt  }
0x6d: {  	_ =	shalt  }
0x6e: {  	_ =	shalt  }
0x6f: {  	_ =	shalt  }
0x70: {  	_ =	shalt  }
0x71: {  	_ =	shalt  }
0x72: {  	_ =	shalt  }
0x73: {  	_ =	shalt  }
0x74: {  	_ =	shalt  }
0x75: {  	_ =	shalt  }
0x76: {  	_ =	shalt  }
0x77: {  	_ =	shalt  }
0x78: {  	_ =	shalt  }
0x79: {  	_ =	shalt  }
0x7a: {  	_ =	shalt  }
0x7b: {  	_ =	shalt  }
0x7c: {  	_ =	shalt  }
0x7d: {  	_ =	shalt  }
0x7e: {  	_ =	shalt  }
0x7f: {  	_ =	shalt  }
0x80: {  	_ =	shalt  }
0x81: {  	_ =	shalt  }
0x82: {  	_ =	shalt  }
0x83: {  	_ =	shalt  }
0x84: {  	_ =	shalt  }
0x85: {  	_ =	shalt  }
0x86: {  	_ =	shalt  }
0x87: {  	_ =	shalt  }
.Lfunc_end0:
.L_simem_size_0:
called_computation_lowered:
.L_overlay_start_0:
0x88: {  	s2 =	sld [smem:$0x3FD9]  }
0x89: {  	s3 =	sld [smem:$0x3FFE];
	_ =	sdelay $0x1  }
0x8a: {  	s1 =	srdreg.scid  }
0x8b: {  	s0 =	sand.u32 $0x1, s1  }
0x8c: {  	s14 =	sshll.u32 s0, $0xA;
	s2 =	sadd.s32 s3, s2  }
0x8d: {  	s2 =	sadd.s32 s2, s14  }
0x8e: {  	[smem:$0x3FC6] =	sst s2  }
0x8f: {  	_ = 	snop  }
0x90: {  	s2 =	sld [smem:$0x3FD0];
	_ =	sdelay $0x2  }
0x91: {  	s15 =	simm.s32 $0xA;
	s4 =	simm.s32 $0x10  }
0x92: {  	[smem:s4], [sflag:s15] =	dma.local [hbm:s2], $0x1  }
0x93: {  	_ =	swait.eq [sflag:s15], $0x1  }
0x94: {  	[sflag:s15] =	ssyncset.done $0x0  }
0x95: {  	[sflag:s15] =	ssyncadd.s32 $0xFFFFFFFF  }
0x96: {  	s16 =	sld [smem:$0x11];
	(tm) =	ssettm $0x1  }
0x97: {  	s17 =	sld [smem:$0x3FFB];
	_ =	sdelay $0x3  }
0x98: {  	_ =	strace s17  }
0x99: {  	s3 =	sld [smem:$0x3FFC];
	_ =	sdelay $0x3  }
0x9a: {  	_ =	strace s3  }
0x9b: {  	s3 =	sld [smem:$0x3FFD];
	_ =	sdelay $0x3  }
0x9c: {  	_ =	strace s3  }
0x9d: {  	_ =	strace $0x8FFFFFFF  }
0x9e: {  	s18 =	sld [smem:$0x3FDB];
	_ =	sdelay $0x1  }
0x9f: {  	s19 =	simm.s32 $_scs_section_size  }
0xa0: {  	s5 =	simm.s32 $_size__tile_overlayer_lowered;
	s6 =	simm.s32 $_tile_overlayer_lowered  }
0xa1: {  	s22 =	simm.s32 $0x1BFF;
	s21 =	sshll.u32 s6, $0x1;
	s3 =	sadd.s32 s19, s18  }
0xa2: {  	s7 =	simm.s32 $0x0;
	s20 =	sshll.u32 s5, $0x1;
	s5 =	sadd.s32 s21, s3  }
0xa3: {  	[timem:s7], [sflag:s22] =	dma.local [hbm:s5], s20  }
0xa4: {  	_ =	swait.ge [sflag:s22], s20  }
0xa5: {  	s4 =	ssub.s32 $0x0, s20;
	[sflag:s22] =	ssyncset.done $0x0  }
0xa6: {  	[sflag:s22] =	ssyncadd.s32 s4;
	_ =	sdelay $0x1  }
0xa7: {  	s23 =	simm.s32 $0x1B8B  }
0xa8: {  	_ =	swait.ge [sflag:s23], $0x1  }
0xa9: {  	[sflag:s23] =	ssyncset.done $0x0  }
0xaa: {  	s25 =	simm.s32 $0x1B8E;
	s24 =	sld [smem:$0x3FFE];
	[sflag:s23] =	ssyncadd.s32 $0xFFFFFFFF  }
0xab: {  	s26 =	simm.s32 $execute0_lowered;
	[smem:$0x3FD2] =	sst s25  }
0xac: {  	s5 =	sshll.u32 s26, $0x1;
	_ =	strace $0x80000046;
	[dreg:$0x1] =	wrdreg $0xFFFFFFFF  }
0xad: {  	s28 =	simm.s32 $_size_execute0_lowered;
	s3 =	sadd.s32 s3, s5;
	[dreg:$0x0] =	wrdreg $0x0  }
0xae: {  	s5 =	sshll.u32 s28, $0x1;
	[dreg:$0x2] =	wrdreg s3  }
0xaf: {  	[dreg:$0x3] =	wrdreg s5  }
0xb0: {  	[dreg:$0x4] =	wrdreg $0xC0  }
0xb1: {  	_ =	task [dreg:s7], $0x5FFFF  }
0xb2: {  	[dreg:$0x1] =	wrdreg $0xFFFFFFFF  }
0xb3: {  	[dreg:$0x0] =	wrdreg $0x60  }
0xb4: {  	[dreg:$0x2] =	wrdreg s24  }
0xb5: {  	[dreg:$0x3] =	wrdreg s16  }
0xb6: {  	[dreg:$0x4] =	wrdreg $0x9  }
0xb7: {  	_ =	task.clear_ibuf [dreg:s7], $0x5FFFF;
	_ =	strace $0x90000046  }
0xb8: {  	s29 =	simm.s32 $0x9;
	_ =	strace $0x80000048  }
0xb9: {  	_ =	swait.ge [sflag:s29], $0x1  }
0xba: {  	[sflag:s29] =	ssyncadd.s32 $0xFFFFFFFF  }
0xbb: {  	_ =	strace $0x90000048  }
0xbc: {  	_ =	sfence  }
0xbd: {  	s30 =	sld [smem:$0x0];
	_ =	sdelay $0x2  }
0xbe: {  	s31 =	sshll.u32 s1, $0xD;
	s1 =	sshrl.u32 s1, $0x2  }
0xbf: {  	s3 =	sand.u32 $0x4000, s31;
	s1 =	sadd.s32 s1, s30  }
0xc0: {  	s0 =	sor.u32 s3, s0;
	s1 =	sshll.u32 s1, $0x11  }
0xc1: {  	s0 =	sor.u32 s1, s0  }
0xc2: {  	s0 =	sadd.s32 $0x8F2B, s0  }
0xc3: {  	[sflag:s0] =	ssyncadd.remote.s32 $0x1  }
0xc4: {  	_ =	sfence.sel $0xFFFF  }
0xc5: {  	[dreg:$0x0] =	wrdreg $0xFFFFFFFF;
	(pc) =	sbr.abs _section_cstart, $3  }
0xc6: {  	[dreg:$0x1] =	wrdreg $0xFFFFFFFF  }
0xc7: {  	_ =	task.clear_ibuf [dreg:s7], $0x2FFFF;
	_ =	strace $0x9FFFFFFF  }
0xc8: {  	(tm) =	ssettm $0x7FFFFFFF  }
0xc9: {  	_ =	shalt  }
tec
execute0_lowered:
.L_overlay_start_1:
0x0: {  	(tag) =	ssettag $0x1  }
0x1: {  	s0 =	rddreg [dreg:$0x0];
	s1 =	srdreg.scid  }
0x2: {  	s3 =	stileid.u32;
	s12 =	rddreg [dreg:$0x1];
	s13 =	simm.s32 $0x0  }
0x3: {  	s14 =	simm.s32 $0x7F;
	s1 =	sand.u32 $0x1, s1;
	s2 =	sshll.u32 s3, $0x1  }
0x4: {  	p0 =	slt.u32 s3, $0x8;
	[smem:$0x7FF] =	sst s13;
	s0 =	sadd.s32 $0x400, s0  }
0x5: {  	s8 =	sor.u32 s1, s2;
	s14 =	simm.s32 @!p0 $0x80;
	_ =	strace $0x80000047  }
0x6: {  	[dreg:$0x4] =	wrdreg s0;
	s2 =	sshll.u32 s8, $0x8;
	s3 =	sshllo.u32 s8, $0x8  }
0x7: {  	s0 =	ssub.s32 $0x2, s1;
	p2 =	sne.s32 s8, $0x1F;
	s3 =	smov.u32 @p0 s2  }
0x8: {  	[dreg:$0x3] =	wrdreg s14;
	s2 =	sadd.s32 $0xFFFFF108, s2;
	s3 =	smax.u32 s3, $0xFF5  }
0x9: {  	p0 =	sgt.u32 s2, $0x111;
	s4 =	smin.u32 s3, $0x1009;
	s3 =	sshll.u32 s14, $0x5  }
0xa: {  	s4 =	sshll.u32 s4, $0xA;
	s5 =	smax.u32 s3, $0xFF5;
	s7 =	smax.u32 s3, $0xFF3  }
0xb: {  	s9 =	smax.u32 s3, $0xFF4;
	s10 =	smax.u32 s3, $0xFF2;
	s15 =	smax.u32 s3, $0xFF1  }
0xc: {  	s18 =	smax.u32 s3, $0xFEF;
	s19 =	smax.u32 s3, $0xFF0;
	s20 =	smax.u32 s3, $0xFEE  }
0xd: {  	s22 =	smax.u32 s3, $0xFED;
	s24 =	smax.u32 s3, $0xFEB;
	s25 =	smax.u32 s3, $0xFEC  }
0xe: {  	s26 =	smax.u32 s3, $0xFEA;
	s6 =	sadd.s32 $0xFFC02C00, s4;
	s5 =	sshll.u32 s5, $0xA  }
0xf: {  	s11 =	sshll.u32 s10, $0xA;
	s4 =	sshll.u32 s9, $0xA;
	s17 =	sshll.u32 s15, $0xA  }
0x10: {  	s21 =	sshll.u32 s20, $0xA;
	s23 =	sshll.u32 s22, $0xA;
	s9 =	smax.u32 s3, $0xFE8  }
0x11: {  	s10 =	smax.u32 s3, $0xFE7;
	s1 =	sadd.s32 $0xFFC02C00, s5;
	s4 =	sadd.s32 $0xFFC03000, s4  }
0x12: {  	s5 =	smin.u32 s26, $0xFFE;
	[dreg:$0x5] =	wrdreg s1;
	s1 =	sshll.u32 s7, $0xA  }
0x13: {  	[dreg:$0x8] =	wrdreg s4;
	s16 =	sadd.s32 $0xFFC03400, s1;
	s1 =	sadd.s32 $0xFFC03800, s11  }
0x14: {  	s4 =	sshll.u32 s19, $0xA;
	s5 =	sshll.u32 s5, $0xA;
	[dreg:$0x7] =	wrdreg s1  }
0x15: {  	s7 =	smax.u32 s3, $0xFE9;
	s15 =	sadd.s32 $0xFFC04000, s4;
	[dreg:$0x6] =	wrdreg s16  }
0x16: {  	s4 =	sshll.u32 s25, $0xA;
	s1 =	sadd.s32 $0xFFC03C00, s17;
	[dreg:$0xc] =	wrdreg s15  }
0x17: {  	s17 =	sadd.s32 $0xFFC04800, s21;
	s4 =	sadd.s32 $0xFFC05000, s4;
	[dreg:$0x9] =	wrdreg s1  }
0x18: {  	s1 =	sshll.u32 s18, $0xA;
	[dreg:$0xe] =	wrdreg s4;
	s4 =	smin.u32 s9, $0xFFC  }
0x19: {  	s18 =	smax.u32 s3, $0xFE6;
	s9 =	smax.u32 s3, $0xFE2;
	s1 =	sadd.s32 $0xFFC04400, s1  }
0x1a: {  	s4 =	sshll.u32 s4, $0xA;
	s22 =	smin.u32 s18, $0xFFA;
	[dreg:$0xa] =	wrdreg s1  }
0x1b: {  	s1 =	sadd.s32 $0xFFC04C00, s23;
	s20 =	sadd.s32 $0xFFC06000, s4;
	s4 =	simm.s32 @!p0 $0x0  }
0x1c: {  	s23 =	smax.u32 s3, $0xFE5;
	[dreg:$0xd] =	wrdreg s1;
	s1 =	smin.u32 s24, $0xFFF  }
0x1d: {  	s4 =	simm.s32 @p0 $0x1;
	p0 =	slt.u32 s2, $0x112;
	s24 =	smax.u32 s3, $0xFE4  }
0x1e: {  	s1 =	sshll.u32 s1, $0xA;
	[smem:$0x7FB] =	sst s4;
	s2 =	simm.s32 @!p0 $0x0  }
0x1f: {  	s26 =	smin.u32 s24, $0xFF8;
	s1 =	sadd.s32 $0xFFC05400, s1;
	s2 =	simm.s32 @p0 $0x1  }
0x20: {  	s4 =	sshll.u32 s26, $0xA;
	[dreg:$0xf] =	wrdreg s1;
	s1 =	sadd.s32 $0xFFC05800, s5  }
0x21: {  	s5 =	smin.u32 s10, $0xFFB;
	[smem:$0x7FC] =	sst s2;
	s2 =	smin.u32 s23, $0xFF9  }
0x22: {  	s24 =	sadd.s32 $0xFFC07000, s4;
	s10 =	smax.u32 s3, $0xFE1;
	s4 =	smin.u32 s3, $0xFF3  }
0x23: {  	[dreg:$0x10] =	wrdreg s1;
	s1 =	smin.u32 s7, $0xFFD;
	s11 =	sshll.u32 s5, $0xA  }
0x24: {  	s25 =	sshll.u32 s2, $0xA;
	s5 =	smax.u32 s3, $0xFE3;
	s2 =	smin.u32 s9, $0xFF6  }
0x25: {  	s18 =	smin.u32 s10, $0xFF5;
	s10 =	smin.u32 s3, $0xFF1;
	s21 =	sadd.s32 $0xFFC06400, s11  }
0x26: {  	s1 =	sshll.u32 s1, $0xA;
	s23 =	sadd.s32 $0xFFC06C00, s25;
	s7 =	smin.u32 s5, $0xFF7  }
0x27: {  	s11 =	sshll.u32 s2, $0xA;
	s2 =	sshll.u32 s18, $0xA;
	s5 =	sshll.u32 s4, $0xA  }
0x28: {  	s18 =	smin.u32 s3, $0xFEF;
	s4 =	smin.u32 s3, $0xFEE;
	s19 =	sadd.s32 $0xFFC05C00, s1  }
0x29: {  	[dreg:$0xb] =	wrdreg s17;
	s26 =	sadd.s32 $0xFFC07800, s11;
	s28 =	sadd.s32 $0xFFC07C00, s2  }
0x2a: {  	s1 =	sshll.u32 s22, $0xA;
	s29 =	sadd.s32 $0xFFC08400, s5;
	s11 =	sshll.u32 s10, $0xA  }
0x2b: {  	s2 =	sshll.u32 s18, $0xA;
	s10 =	smin.u32 s3, $0xFF0;
	s18 =	smin.u32 s3, $0xFEB  }
0x2c: {  	vm0 =	vcmask $0x300;
	v0 =	vimm.s32 $0xFF47;
	s22 =	sadd.s32 $0xFFC06800, s1;
	s1 =	sshll.u32 s7, $0xA;
	s7 =	smin.u32 s3, $0xFF2  }
0x2d: {  	vm1 =	vcmask $0x704;
	v1 =	vimm.s32 $0x1FFE;
	s5 =	sshrl.u32 s0, $0x1;
	s31 =	sadd.s32 $0xFFC08C00, s11;
	s25 =	sadd.s32 $0xFFC07400, s1  }
0x2e: {  	vm2 =	vcmask $0xB08;
	v0 =	vsel vm0, $0xFF00, v0;
	v1 =	vsel vm0, $0x1FF0, v1;
	s9 =	sshll.u32 s7, $0xA;
	s1 =	sadd.s32 $0xFFC09400, s2;
	s2 =	sshll.u32 s4, $0xA  }
0x2f: {  	v3 =	vlaneseq.u32;
	vm0 =	vcmask $0xF0C;
	v0 =	vsel vm1, $0xFF01, v0;
	s7 =	smin.u32 s3, $0xFED;
	s4 =	sshll.u32 s10, $0xA;
	s30 =	sadd.s32 $0xFFC08800, s9  }
0x30: {  	v1 =	vsel vm1, $0x1FF1, v1;
	vm1 =	vcmask $0x1310;
	v0 =	vsel vm2, $0xFF02, v0;
	s9 =	ssub.s32 s0, s5;
	s0 =	sadd.s32 $0xFFC09800, s2;
	s2 =	sshll.u32 s7, $0xA  }
0x31: {  	v2 =	vshrl.u32 v3, $0x3;
	v1 =	vsel vm2, $0x1FF2, v1;
	v0 =	vsel vm0, $0xFF03, v0;
	s10 =	smin.u32 s3, $0xFF4;
	s7 =	smin.u32 s3, $0xFEC;
	s5 =	sadd.s32 $0xFFC09C00, s2  }
0x32: {  	vm2 =	vcmask $0x1714;
	v1 =	vsel vm0, $0x1FF3, v1;
	v0 =	vsel vm1, $0xFF04, v0;
	s11 =	sshll.u32 s7, $0xA;
	s7 =	sshll.u32 s18, $0xA;
	s18 =	sshll.u32 s8, $0x3  }
0x33: {  	vm0 =	vcmask $0x1B18;
	v1 =	vsel vm1, $0x1FF4, v1;
	v0 =	vsel vm2, $0xFF05, v0;
	s9 =	smax.u32 s9, $0x1;
	s2 =	sadd.s32 $0xFFC0A000, s11;
	s11 =	smin.u32 s3, $0xFEA  }
0x34: {  	vm1 =	vcmask $0x1F1C;
	v1 =	vsel vm2, $0x1FF5, v1;
	v0 =	vsel vm0, $0xFF06, v0;
	s3 =	sshll.u32 s10, $0xA;
	[dreg:$0x13] =	wrdreg s9;
	p0 =	seq.s32 s18, s14  }
0x35: {  	vm2 =	vcmask $0x2320;
	v1 =	vsel vm0, $0x1FF6, v1;
	v0 =	vsel vm1, $0xFF07, v0;
	[dreg:$0x11] =	wrdreg s18;
	s10 =	sshll.u32 s11, $0xA;
	s9 =	simm.s32 @!p0 $0x0  }
0x36: {  	vm0 =	vcmask $0x2724;
	v1 =	vsel vm1, $0x1FF7, v1;
	v0 =	vsel vm2, $0xFF40, v0;
	s11 =	sshll.u32 s8, $0xF;
	s8 =	sadd.s32 $0xFFC0A800, s10;
	s9 =	simm.s32 @p0 $0x1  }
0x37: {  	vm1 =	vcmask $0x2B28;
	v1 =	vsel vm2, $0x1FF8, v1;
	v0 =	vsel vm0, $0xFF41, v0;
	s11 =	sadd.s32 s12, s11;
	s10 =	sshll.u32 s14, $0xC;
	[smem:$0x7FD] =	sst s9  }
0x38: {  	vm2 =	vcmask $0x2F2C;
	v1 =	vsel vm0, $0x1FF9, v1;
	v0 =	vsel vm1, $0xFF42, v0;
	s10 =	sadd.s32 s12, s10;
	[dreg:$0x12] =	wrdreg s11  }
0x39: {  	vm0 =	vcmask $0x3330;
	v1 =	vsel vm1, $0x1FFA, v1;
	v0 =	vsel vm2, $0xFF43, v0;
	s14 =	sadd.s32 $0x2000, s11;
	[dreg:$0x14] =	wrdreg s10  }
0x3a: {  	vm1 =	vcmask $0x3734;
	v1 =	vsel vm2, $0x1FFB, v1;
	v0 =	vsel vm0, $0xFF44, v0;
	s18 =	sadd.s32 $0x3000, s11;
	[dreg:$0x16] =	wrdreg s14  }
.Ltmp0:
0x3b: {  	vm2 =	vcmask $0x3B38;
	v4 =	vsel vm0, $0x1FFC, v1;
	v0 =	vsel vm1, $0xFF45, v0;
	s10 =	sadd.s32 $0x1000, s11;
	[dreg:$0x17] =	wrdreg s18;
	(pc) =	sbr.rel .LBB2_1-.Ltmp0, $4  }
0x3c: {  	v1 =	vor.u32 $0x8, v3;
	v5 =	vsel vm2, $0xFF46, v0;
	v0 =	vand.u32 $0x7, v3;
	s14 =	sadd.s32 $0x200, s12;
	[dreg:$0x15] =	wrdreg s10  }
0x3d: {  	v2 =	vmul.u32 $0x8, v2;
	v6 =	vperm.xlane v5, v0;
	v7 =	vperm.xlane v5, v1;
	s18 =	sadd.s32 $0x300, s12;
	[dreg:$0x19] =	wrdreg s14  }
0x3e: {  	vm0 =	vmmov $0xffff;
	v4 =	vsel vm1, $0x1FFD, v4;
	s4 =	sadd.s32 $0xFFC09000, s4;
	s10 =	sadd.s32 $0x100, s12;
	[dreg:$0x1a] =	wrdreg s18  }
0x3f: {  	v3 =	vor.u32 $0x1FE0, v3;
	v5 =	vadd.s32 v2, v6;
	v6 =	vadd.s32 v2, v7;
	s7 =	sadd.s32 $0xFFC0A400, s7;
	s18 =	simm.s32 $0x0;
	[dreg:$0x18] =	wrdreg s10  }
.LBB2_193:
0x40: {  	s18 =	sadd.s32 $0x1, s18;
	s9 =	rddreg [dreg:$0x13]  }
0x41: {  	p0 =	sne.s32 s18, s9  }
.Ltmp1:
0x42: {  	_ = 	snop;
	(pc) =	sbr.rel @!p0 .LBB2_194-.Ltmp1, $1  }
0x43: {  	_ =	sdelay $0x3  }
.LBB2_1:
0x44: {  	[dreg:$0x1b] =	wrdreg s18  }
0x45: {  	s9 =	rddreg [dreg:$0x4];
	s11 =	simm.s32 $0x3  }
0x46: {  	[tilespmem:s13], [sflag:$0x3] =	stream.linear.gather [hbm4b:s9+s13], $0x5400, $0x38;
	[tilespmem:$0x15480] =	vst v63  }
0x47: {  	s16 =	sand.u32 $0x380, s13;
	_ =	swait.ge [sflag:s11], $0x5400  }
0x48: {  	s10 =	sand.u32 $0x70, s13;
	s9 =	sadd.s32 s16, s6;
	[sflag:s11] =	ssyncset.done $0x0  }
0x49: {  	s9 =	sadd.s32 s10, s9;
	[sflag:s11] =	ssyncadd.s32 $0xFFFFAC00  }
0x4a: {  	v7 =	vld [tilespmem:s9+$0x0];
	_ =	sdelay $0x2  }
0x4b: {  	s18 =	sand.u32 $0x1C00, s13  }
0x4c: {  	s9 =	sor.u32 s10, s18  }
0x4d: {  	s12 =	simm.s32 $0x10;
	s11 =	simm.s32 $0x0;
	s10 =	simm.s32 $0x0;
	[tilespmem:s9+$0x5480] =	vst v7  }
.LBB2_2:
0x4e: {  	p4 =	sne.s32 s12, $0x3F0;
	[tilespmem:s9+$0x5500] =	vst v7  }
0x4f: {  	[tilespmem:s9+$0x5580] =	vst v7  }
0x50: {  	[tilespmem:s9+$0x5600] =	vst v7  }
0x51: {  	[tilespmem:s9+$0x5680] =	vst v7  }
0x52: {  	s13 =	sor.u32 s10, s11;
	s11 =	smov.u32 s12;
	[tilespmem:s9+$0x5700] =	vst v7  }
0x53: {  	s13 =	sor.u32 $0x380, s13;
	[tilespmem:s9+$0x5780] =	vst v7  }
0x54: {  	[tilespmem:s13+$0x5480] =	vst v7  }
0x55: {  	[tilespmem:s9+$0x7480] =	vst v7  }
0x56: {  	[tilespmem:s9+$0x7500] =	vst v7  }
0x57: {  	[tilespmem:s9+$0x7580] =	vst v7  }
0x58: {  	[tilespmem:s9+$0x7600] =	vst v7  }
0x59: {  	[tilespmem:s9+$0x7680] =	vst v7  }
0x5a: {  	[tilespmem:s9+$0x7700] =	vst v7  }
0x5b: {  	[tilespmem:s9+$0x7780] =	vst v7  }
0x5c: {  	[tilespmem:s9+$0x7800] =	vst v7  }
0x5d: {  	[tilespmem:s9+$0x9480] =	vst v7  }
0x5e: {  	[tilespmem:s9+$0x9500] =	vst v7  }
0x5f: {  	[tilespmem:s9+$0x9580] =	vst v7  }
0x60: {  	[tilespmem:s9+$0x9600] =	vst v7  }
0x61: {  	[tilespmem:s9+$0x9680] =	vst v7  }
0x62: {  	[tilespmem:s9+$0x9700] =	vst v7  }
0x63: {  	[tilespmem:s9+$0x9780] =	vst v7  }
0x64: {  	[tilespmem:s9+$0x9800] =	vst v7  }
0x65: {  	[tilespmem:s9+$0xB480] =	vst v7  }
0x66: {  	[tilespmem:s9+$0xB500] =	vst v7  }
0x67: {  	[tilespmem:s9+$0xB580] =	vst v7  }
0x68: {  	[tilespmem:s9+$0xB600] =	vst v7  }
0x69: {  	[tilespmem:s9+$0xB680] =	vst v7  }
0x6a: {  	s13 =	sand.u32 $0x380, s12;
	[tilespmem:s9+$0xB700] =	vst v7  }
0x6b: {  	s14 =	sand.u32 $0x70, s12;
	s13 =	sadd.s32 s13, s6;
	[tilespmem:s9+$0xB780] =	vst v7  }
0x6c: {  	s13 =	sadd.s32 s14, s13;
	[tilespmem:s9+$0xB800] =	vst v7  }
0x6d: {  	v7 =	vld [tilespmem:s13+$0x0]  }
.Ltmp2:
0x6e: {  	(pc) =	sbr.rel @p4 .LBB2_2-.Ltmp2, $4  }
0x6f: {  	s10 =	sadd.s32 $0x80, s10  }
0x70: {  	s9 =	sand.u32 $0x1C00, s10  }
0x71: {  	s9 =	sor.u32 s14, s9  }
0x72: {  	s12 =	sadd.s32 $0x10, s12;
	[tilespmem:s9+$0x5480] =	vst v7  }
0x73: {  	[tilespmem:s9+$0x5500] =	vst v7  }
0x74: {  	[tilespmem:s9+$0x5580] =	vst v7  }
0x75: {  	[tilespmem:s9+$0x5600] =	vst v7  }
0x76: {  	[tilespmem:s9+$0x5680] =	vst v7  }
0x77: {  	[tilespmem:s9+$0x5700] =	vst v7;
	s10 =	sor.u32 s10, s11  }
0x78: {  	[tilespmem:s9+$0x5780] =	vst v7;
	s10 =	sor.u32 $0x380, s10  }
0x79: {  	[tilespmem:s10+$0x5480] =	vst v7  }
0x7a: {  	[tilespmem:s9+$0x7480] =	vst v7  }
0x7b: {  	[tilespmem:s9+$0x7500] =	vst v7  }
0x7c: {  	[tilespmem:s9+$0x7580] =	vst v7  }
0x7d: {  	[tilespmem:s9+$0x7600] =	vst v7  }
0x7e: {  	[tilespmem:s9+$0x7680] =	vst v7  }
0x7f: {  	[tilespmem:s9+$0x7700] =	vst v7  }
0x80: {  	[tilespmem:s9+$0x7780] =	vst v7  }
0x81: {  	[tilespmem:s9+$0x7800] =	vst v7  }
0x82: {  	[tilespmem:s9+$0x9480] =	vst v7  }
0x83: {  	[tilespmem:s9+$0x9500] =	vst v7  }
0x84: {  	[tilespmem:s9+$0x9580] =	vst v7  }
0x85: {  	[tilespmem:s9+$0x9600] =	vst v7  }
0x86: {  	[tilespmem:s9+$0x9680] =	vst v7  }
0x87: {  	[tilespmem:s9+$0x9700] =	vst v7  }
0x88: {  	[tilespmem:s9+$0x9780] =	vst v7  }
0x89: {  	s18 =	sld [smem:$0x7FB];
	[tilespmem:s9+$0x9800] =	vst v7  }
0x8a: {  	[tilespmem:s9+$0xB480] =	vst v7  }
0x8b: {  	[tilespmem:s9+$0xB500] =	vst v7  }
0x8c: {  	[tilespmem:s9+$0xB580] =	vst v7;
	p0 =	seq.s32 s18, $0x1  }
.Ltmp3:
0x8d: {  	[tilespmem:s9+$0xB600] =	vst v7;
	(pc) =	sbr.rel @p0 .LBB2_189-.Ltmp3, $4  }
0x8e: {  	[tilespmem:s9+$0xB680] =	vst v7  }
0x8f: {  	[tilespmem:s9+$0xB700] =	vst v7  }
0x90: {  	[tilespmem:s9+$0xB780] =	vst v7  }
0x91: {  	[tilespmem:s9+$0xB800] =	vst v7;
	s9 =	simm.s32 $0x0;
	s18 =	rddreg [dreg:$0x5]  }
0x92: {  	s10 =	sand.u32 $0x380, s9  }
0x93: {  	s13 =	sand.u32 $0x70, s9;
	[smem:$0x7F8] =	sst s10;
	s10 =	sadd.s32 s10, s18  }
0x94: {  	s10 =	sadd.s32 s13, s10  }
0x95: {  	v7 =	vld [tilespmem:s10+$0x0]  }
0x96: {  	s11 =	simm.s32 $0x10  }
0x97: {  	s15 =	sand.u32 $0x1C00, s9;
	s14 =	sand.u32 $0x380, s11  }
0x98: {  	s16 =	smov.u32 s18;
	s12 =	sand.u32 $0x70, s11;
	[smem:$0x7F9] =	sst s14  }
0x99: {  	s14 =	sadd.s32 s14, s18;
	s18 =	smov.u32 s13;
	s13 =	sor.u32 s13, s15  }
0x9a: {  	s15 =	sadd.s32 s12, s14;
	[tilespmem:s13+$0xD480] =	vst v7  }
0x9b: {  	s11 =	simm.s32 $0x20;
	[smem:$0x7FA] =	sst s13;
	s10 =	simm.s32 $0x0;
	v7 =	vld [tilespmem:s15+$0x0]  }
.LBB2_5:
0x9c: {  	s13 =	sand.u32 $0x380, s11;
	p0 =	sne.s32 s11, $0x3F0  }
.Ltmp4:
0x9d: {  	s10 =	sadd.s32 $0x80, s10;
	s14 =	smov.u32 s11;
	(pc) =	sbr.rel @p0 .LBB2_5-.Ltmp4, $4  }
0x9e: {  	s11 =	sadd.s32 $0x10, s11;
	s15 =	sand.u32 $0x1C00, s10  }
0x9f: {  	s13 =	sadd.s32 s13, s16;
	s15 =	sor.u32 s12, s15;
	s12 =	sand.u32 $0x70, s14  }
0xa0: {  	s13 =	sadd.s32 s12, s13;
	[tilespmem:s15+$0xD480] =	vst v7  }
0xa1: {  	v7 =	vld [tilespmem:s13+$0x0]  }
0xa2: {  	s11 =	sld [smem:$0x7F8]  }
0xa3: {  	s10 =	sadd.s32 $0x80, s10  }
0xa4: {  	s15 =	rddreg [dreg:$0x8];
	s10 =	sand.u32 $0x1C00, s10  }
0xa5: {  	s10 =	sor.u32 s12, s10;
	s11 =	sadd.s32 s11, s15  }
0xa6: {  	[tilespmem:s10+$0xD480] =	vst v7;
	s12 =	sadd.s32 s18, s11  }
0xa7: {  	v7 =	vld [tilespmem:s12+$0x0]  }
0xa8: {  	s14 =	sld [smem:$0x7F9]  }
0xa9: {  	s18 =	sld [smem:$0x7FA]  }
0xaa: {  	s13 =	simm.s32 $0x10  }
0xab: {  	s10 =	sand.u32 $0x70, s13;
	s11 =	sadd.s32 s14, s15  }
0xac: {  	s16 =	sadd.s32 s10, s11;
	[tilespmem:s18+$0xD500] =	vst v7  }
0xad: {  	s11 =	simm.s32 $0x20;
	v7 =	vld [tilespmem:s16+$0x0]  }
.LBB2_7:
0xae: {  	s12 =	sand.u32 $0x380, s11;
	p0 =	sne.s32 s11, $0x3F0  }
.Ltmp5:
0xaf: {  	s9 =	sadd.s32 $0x80, s9;
	s13 =	smov.u32 s11;
	(pc) =	sbr.rel @p0 .LBB2_7-.Ltmp5, $4  }
0xb0: {  	s11 =	sadd.s32 $0x10, s11;
	s14 =	sand.u32 $0x1C00, s9  }
0xb1: {  	s12 =	sadd.s32 s12, s15;
	s14 =	sor.u32 s10, s14;
	s10 =	sand.u32 $0x70, s13  }
0xb2: {  	s12 =	sadd.s32 s10, s12;
	[tilespmem:s14+$0xD500] =	vst v7  }
0xb3: {  	v7 =	vld [tilespmem:s12+$0x0]  }
0xb4: {  	p5 =	por $0x1, $0x1  }
.Ltmp6:
0xb5: {  	s9 =	sadd.s32 $0x80, s9;
	s13 =	simm.s32 $0x0;
	(pc) =	sbr.rel @!p5 .LBB2_9-.Ltmp6, $4  }
0xb6: {  	s16 =	rddreg [dreg:$0x6];
	s9 =	sand.u32 $0x1C00, s9;
	s18 =	sand.u32 $0x380, s13  }
0xb7: {  	s11 =	sand.u32 $0x70, s13;
	s9 =	sor.u32 s10, s9;
	s14 =	sadd.s32 s18, s16  }
0xb8: {  	s15 =	sadd.s32 s11, s14;
	[tilespmem:s9+$0xD500] =	vst v7  }
0xb9: {  	p4 =	por $0x0, $0x0;
	s14 =	simm.s32 $0x10;
	v7 =	vld [tilespmem:s15+$0x0]  }
0xba: {  	p3 =	por $0x1, $0x1  }
.Ltmp7:
0xbb: {  	_ = 	snop;
	(pc) =	sbr.rel @!p3 .LBB2_11-.Ltmp7, $4  }
0xbc: {  	s9 =	sand.u32 $0x380, s14;
	s12 =	sand.u32 $0x1C00, s13  }
0xbd: {  	s10 =	sand.u32 $0x70, s14;
	s9 =	sadd.s32 s9, s16;
	s12 =	sor.u32 s11, s12  }
0xbe: {  	s15 =	sadd.s32 s10, s9;
	[tilespmem:s12+$0xD580] =	vst v7  }
0xbf: {  	p0 =	por $0x1, $0x1;
	s9 =	simm.s32 $0x20;
	s12 =	simm.s32 $0x0;
	v7 =	vld [tilespmem:s15+$0x0]  }
.LBB2_12:
0xc0: {  	s13 =	sand.u32 $0x380, s9;
	p3 =	sne.s32 s9, $0x3F0  }
.Ltmp8:
0xc1: {  	s12 =	sadd.s32 $0x80, s12;
	s14 =	smov.u32 s9;
	(pc) =	sbr.rel @p3 .LBB2_12-.Ltmp8, $4  }
0xc2: {  	s9 =	sadd.s32 $0x10, s9;
	s15 =	sand.u32 $0x1C00, s12  }
0xc3: {  	s13 =	sadd.s32 s13, s16;
	s15 =	sor.u32 s10, s15;
	s10 =	sand.u32 $0x70, s14  }
0xc4: {  	s13 =	sadd.s32 s10, s13;
	[tilespmem:s15+$0xD580] =	vst v7  }
0xc5: {  	v7 =	vld [tilespmem:s13+$0x0]  }
0xc6: {  	s13 =	simm.s32 $0x0;
	s14 =	simm.s32 $0x10  }
.LBB2_14:
0xc7: {  	s9 =	sadd.s32 @p0 $0x80, s12;
	s12 =	simm.s32 $0x0  }
.Ltmp9:
0xc8: {  	s12 =	smov.u32 @p0 s9;
	(pc) =	sbr.rel @!p5 .LBB2_15-.Ltmp9, $4  }
0xc9: {  	s15 =	rddreg [dreg:$0x7];
	s9 =	sand.u32 $0x1C00, s12  }
0xca: {  	s16 =	sadd.s32 s18, s15;
	s9 =	sor.u32 s10, s9  }
0xcb: {  	s18 =	sadd.s32 s11, s16;
	[tilespmem:s9+$0xD580] =	vst v7  }
0xcc: {  	v7 =	vld [tilespmem:s18+$0x0]  }
0xcd: {  	p0 =	por $0x1, $0x1  }
.Ltmp10:
0xce: {  	_ = 	snop;
	(pc) =	sbr.rel @!p0 .LBB2_17-.Ltmp10, $4  }
0xcf: {  	s9 =	sand.u32 $0x380, s14;
	s12 =	sand.u32 $0x1C00, s13  }
0xd0: {  	s10 =	sand.u32 $0x70, s14;
	s9 =	sadd.s32 s9, s15;
	s11 =	sor.u32 s11, s12  }
0xd1: {  	s18 =	sadd.s32 s10, s9;
	[tilespmem:s11+$0xD600] =	vst v7  }
0xd2: {  	p4 =	por $0x1, $0x1;
	s12 =	simm.s32 $0x0;
	s9 =	simm.s32 $0x20;
	v7 =	vld [tilespmem:s18+$0x0]  }
.LBB2_18:
0xd3: {  	s11 =	sand.u32 $0x380, s9;
	p0 =	sne.s32 s9, $0x3F0  }
.Ltmp11:
0xd4: {  	s12 =	sadd.s32 $0x80, s12;
	s13 =	smov.u32 s9;
	(pc) =	sbr.rel @p0 .LBB2_18-.Ltmp11, $4  }
0xd5: {  	s9 =	sadd.s32 $0x10, s9;
	s14 =	sand.u32 $0x1C00, s12  }
0xd6: {  	s11 =	sadd.s32 s11, s15;
	s14 =	sor.u32 s10, s14;
	s10 =	sand.u32 $0x70, s13  }
0xd7: {  	s11 =	sadd.s32 s10, s11;
	[tilespmem:s14+$0xD600] =	vst v7  }
0xd8: {  	v7 =	vld [tilespmem:s11+$0x0]  }
0xd9: {  	s11 =	smov.u32 s10;
	s13 =	simm.s32 $0x0  }
.LBB2_20:
0xda: {  	s9 =	sadd.s32 @p4 $0x80, s12;
	p5 =	por $0x1, $0x1  }
.Ltmp12:
0xdb: {  	s14 =	simm.s32 $0x0;
	s13 =	smov.u32 @p4 s9;
	(pc) =	sbr.rel @!p5 .LBB2_21-.Ltmp12, $4  }
0xdc: {  	s15 =	sand.u32 $0x380, s14;
	s9 =	sand.u32 $0x1C00, s13;
	s13 =	rddreg [dreg:$0x9]  }
0xdd: {  	s10 =	sor.u32 s11, s9;
	s9 =	sand.u32 $0x70, s14;
	s16 =	sadd.s32 s15, s13  }
0xde: {  	[tilespmem:s10+$0xD600] =	vst v7;
	s18 =	sadd.s32 s9, s16  }
0xdf: {  	p4 =	por $0x0, $0x0;
	[dreg:$0x1c] =	wrdreg s15;
	s11 =	simm.s32 $0x10;
	v7 =	vld [tilespmem:s18+$0x0]  }
0xe0: {  	p3 =	por $0x1, $0x1  }
.Ltmp13:
0xe1: {  	_ = 	snop;
	(pc) =	sbr.rel @!p3 .LBB2_23-.Ltmp13, $4  }
0xe2: {  	s10 =	sand.u32 $0x380, s11;
	s12 =	sand.u32 $0x1C00, s14  }
0xe3: {  	s11 =	sand.u32 $0x70, s11;
	s10 =	sadd.s32 s10, s13;
	s12 =	sor.u32 s9, s12  }
0xe4: {  	s18 =	smov.u32 s9;
	p0 =	por $0x1, $0x1;
	s10 =	sadd.s32 s11, s10;
	[tilespmem:s12+$0xD680] =	vst v7  }
0xe5: {  	s9 =	smov.u32 s13;
	s12 =	simm.s32 $0x20;
	v7 =	vld [tilespmem:s10+$0x0];
	s10 =	simm.s32 $0x0  }
.LBB2_24:
0xe6: {  	s13 =	sand.u32 $0x380, s12;
	p3 =	sne.s32 s12, $0x3F0  }
.Ltmp14:
0xe7: {  	s10 =	sadd.s32 $0x80, s10;
	s14 =	smov.u32 s12;
	(pc) =	sbr.rel @p3 .LBB2_24-.Ltmp14, $4  }
0xe8: {  	s12 =	sadd.s32 $0x10, s12;
	s15 =	sand.u32 $0x1C00, s10  }
0xe9: {  	s13 =	sadd.s32 s13, s9;
	s15 =	sor.u32 s11, s15;
	s11 =	sand.u32 $0x70, s14  }
0xea: {  	s13 =	sadd.s32 s11, s13;
	[tilespmem:s15+$0xD680] =	vst v7  }
0xeb: {  	v7 =	vld [tilespmem:s13+$0x0]  }
0xec: {  	s14 =	simm.s32 $0x0;
	s9 =	smov.u32 s18  }
.LBB2_26:
0xed: {  	s10 =	sadd.s32 @p0 $0x80, s10;
	s12 =	simm.s32 $0x0  }
.Ltmp15:
0xee: {  	s15 =	rddreg [dreg:$0xc];
	s12 =	smov.u32 @p0 s10;
	(pc) =	sbr.rel @!p5 .LBB2_27-.Ltmp15, $4  }
0xef: {  	s16 =	rddreg [dreg:$0x1c];
	s10 =	sand.u32 $0x1C00, s12  }
0xf0: {  	s10 =	sor.u32 s11, s10;
	s11 =	sadd.s32 s16, s15  }
0xf1: {  	[tilespmem:s10+$0xD680] =	vst v7;
	s18 =	sadd.s32 s9, s11  }
0xf2: {  	v7 =	vld [tilespmem:s18+$0x0]  }
0xf3: {  	p0 =	por $0x1, $0x1  }
.Ltmp16:
0xf4: {  	s10 =	simm.s32 $0x10;
	(pc) =	sbr.rel @!p0 .LBB2_29-.Ltmp16, $4  }
0xf5: {  	s12 =	sand.u32 $0x1C00, s14;
	s11 =	sand.u32 $0x380, s10  }
0xf6: {  	s10 =	sand.u32 $0x70, s10;
	s9 =	sor.u32 s9, s12;
	s11 =	sadd.s32 s11, s15  }
0xf7: {  	s11 =	sadd.s32 s10, s11;
	[tilespmem:s9+$0xD700] =	vst v7  }
0xf8: {  	p4 =	por $0x1, $0x1;
	s9 =	simm.s32 $0x20;
	v7 =	vld [tilespmem:s11+$0x0];
	s11 =	simm.s32 $0x0  }
.LBB2_30:
0xf9: {  	s12 =	sand.u32 $0x380, s9;
	p0 =	sne.s32 s9, $0x3F0  }
.Ltmp17:
0xfa: {  	s11 =	sadd.s32 $0x80, s11;
	s13 =	smov.u32 s9;
	(pc) =	sbr.rel @p0 .LBB2_30-.Ltmp17, $4  }
0xfb: {  	s9 =	sadd.s32 $0x10, s9;
	s14 =	sand.u32 $0x1C00, s11  }
0xfc: {  	s12 =	sadd.s32 s12, s15;
	s14 =	sor.u32 s10, s14;
	s10 =	sand.u32 $0x70, s13  }
0xfd: {  	s12 =	sadd.s32 s10, s12;
	[tilespmem:s14+$0xD700] =	vst v7  }
0xfe: {  	v7 =	vld [tilespmem:s12+$0x0]  }
0xff: {  	s9 =	smov.u32 s10;
	s14 =	simm.s32 $0x0  }
.LBB2_32:
0x100: {  	s10 =	sadd.s32 @p4 $0x80, s11;
	p5 =	por $0x1, $0x1  }
.Ltmp18:
0x101: {  	s15 =	simm.s32 $0x0;
	s14 =	smov.u32 @p4 s10;
	(pc) =	sbr.rel @!p5 .LBB2_33-.Ltmp18, $4  }
0x102: {  	s13 =	rddreg [dreg:$0xa];
	s10 =	sand.u32 $0x1C00, s14;
	s14 =	sand.u32 $0x380, s15  }
0x103: {  	s18 =	sand.u32 $0x70, s15;
	s9 =	sor.u32 s9, s10;
	s16 =	sadd.s32 s14, s13  }
0x104: {  	[tilespmem:s9+$0xD700] =	vst v7;
	s10 =	sadd.s32 s18, s16  }
0x105: {  	p4 =	por $0x0, $0x0;
	s9 =	simm.s32 $0x10;
	v7 =	vld [tilespmem:s10+$0x0]  }
0x106: {  	p3 =	por $0x1, $0x1  }
.Ltmp19:
0x107: {  	s11 =	simm.s32 $0x0;
	(pc) =	sbr.rel @!p3 .LBB2_35-.Ltmp19, $4  }
0x108: {  	[dreg:$0x1d] =	wrdreg s14;
	s10 =	sand.u32 $0x380, s9;
	s11 =	sand.u32 $0x1C00, s11  }
0x109: {  	s12 =	sand.u32 $0x70, s9;
	s10 =	sadd.s32 s10, s13;
	s11 =	sor.u32 s18, s11  }
0x10a: {  	[dreg:$0x1e] =	wrdreg s18;
	p0 =	por $0x1, $0x1;
	s10 =	sadd.s32 s12, s10;
	[tilespmem:s11+$0xD780] =	vst v7  }
0x10b: {  	s17 =	smov.u32 s13;
	s11 =	simm.s32 $0x20;
	v7 =	vld [tilespmem:s10+$0x0];
	s10 =	simm.s32 $0x0  }
.LBB2_36:
0x10c: {  	s13 =	sand.u32 $0x380, s11;
	p3 =	sne.s32 s11, $0x3F0  }
.Ltmp20:
0x10d: {  	s10 =	sadd.s32 $0x80, s10;
	s14 =	smov.u32 s11;
	(pc) =	sbr.rel @p3 .LBB2_36-.Ltmp20, $4  }
0x10e: {  	s11 =	sadd.s32 $0x10, s11;
	s15 =	sand.u32 $0x1C00, s10  }
0x10f: {  	s13 =	sadd.s32 s13, s17;
	s15 =	sor.u32 s12, s15;
	s12 =	sand.u32 $0x70, s14  }
0x110: {  	s13 =	sadd.s32 s12, s13;
	[tilespmem:s15+$0xD780] =	vst v7  }
0x111: {  	v7 =	vld [tilespmem:s13+$0x0]  }
0x112: {  	s17 =	rddreg [dreg:$0xb]  }
0x113: {  	s14 =	rddreg [dreg:$0x1d]  }
0x114: {  	s18 =	rddreg [dreg:$0x1e]  }
.LBB2_38:
0x115: {  	s10 =	sadd.s32 @p0 $0x80, s10;
	s11 =	simm.s32 $0x0  }
.Ltmp21:
0x116: {  	s11 =	smov.u32 @p0 s10;
	(pc) =	sbr.rel @!p5 .LBB2_39-.Ltmp21, $4  }
0x117: {  	s10 =	sand.u32 $0x1C00, s11  }
0x118: {  	s16 =	sadd.s32 s14, s17;
	s10 =	sor.u32 s12, s10  }
0x119: {  	s18 =	sadd.s32 s18, s16;
	[tilespmem:s10+$0xD780] =	vst v7  }
0x11a: {  	v7 =	vld [tilespmem:s18+$0x0]  }
0x11b: {  	p0 =	por $0x1, $0x1  }
.Ltmp22:
0x11c: {  	s11 =	simm.s32 $0x0;
	(pc) =	sbr.rel @!p0 .LBB2_41-.Ltmp22, $4  }
0x11d: {  	s10 =	sand.u32 $0x380, s9;
	s11 =	sor.u32 s11, s11  }
0x11e: {  	s12 =	sand.u32 $0x70, s9;
	s10 =	sadd.s32 s10, s17;
	s11 =	sor.u32 $0x380, s11  }
0x11f: {  	s10 =	sadd.s32 s12, s10;
	[tilespmem:s11+$0xD480] =	vst v7  }
0x120: {  	p4 =	por $0x1, $0x1;
	s11 =	simm.s32 $0x20;
	v7 =	vld [tilespmem:s10+$0x0];
	s10 =	simm.s32 $0x0  }
.LBB2_42:
0x121: {  	s12 =	sand.u32 $0x380, s11;
	p0 =	sne.s32 s11, $0x3F0  }
.Ltmp23:
0x122: {  	s10 =	sadd.s32 $0x80, s10;
	s13 =	smov.u32 s11;
	(pc) =	sbr.rel @p0 .LBB2_42-.Ltmp23, $4  }
0x123: {  	s11 =	sadd.s32 $0x10, s11;
	s9 =	sor.u32 s10, s9  }
0x124: {  	s14 =	sand.u32 $0x70, s13;
	s12 =	sadd.s32 s12, s17;
	s9 =	sor.u32 $0x380, s9  }
0x125: {  	s12 =	sadd.s32 s14, s12;
	[tilespmem:s9+$0xD480] =	vst v7;
	s9 =	smov.u32 s13  }
0x126: {  	v7 =	vld [tilespmem:s12+$0x0]  }
0x127: {  	s11 =	simm.s32 $0x0  }
.LBB2_44:
0x128: {  	s10 =	sadd.s32 @p4 $0x80, s10;
	p5 =	por $0x1, $0x1  }
.Ltmp24:
0x129: {  	s11 =	smov.u32 @p4 s10;
	s10 =	simm.s32 $0x0;
	(pc) =	sbr.rel @!p5 .LBB2_45-.Ltmp24, $4  }
0x12a: {  	s13 =	rddreg [dreg:$0xd];
	s9 =	sor.u32 s11, s9;
	s15 =	sand.u32 $0x380, s10  }
0x12b: {  	s14 =	sand.u32 $0x70, s10;
	s9 =	sor.u32 $0x380, s9;
	s11 =	sadd.s32 s15, s13  }
0x12c: {  	[tilespmem:s9+$0xD480] =	vst v7;
	s16 =	sadd.s32 s14, s11  }
0x12d: {  	s18 =	simm.s32 $0x10;
	p4 =	por $0x0, $0x0;
	[dreg:$0x1f] =	wrdreg s15;
	v7 =	vld [tilespmem:s16+$0x0]  }
0x12e: {  	p3 =	por $0x1, $0x1  }
.Ltmp25:
0x12f: {  	_ = 	snop;
	(pc) =	sbr.rel @!p3 .LBB2_47-.Ltmp25, $4  }
0x130: {  	s9 =	sand.u32 $0x380, s18;
	s11 =	sand.u32 $0x1C00, s10  }
0x131: {  	s12 =	sand.u32 $0x70, s18;
	s9 =	sadd.s32 s9, s13;
	s11 =	sor.u32 s14, s11  }
0x132: {  	s18 =	smov.u32 s14;
	p0 =	por $0x1, $0x1;
	s9 =	sadd.s32 s12, s9;
	[tilespmem:s11+$0xF480] =	vst v7  }
0x133: {  	s10 =	smov.u32 s13;
	s11 =	simm.s32 $0x20;
	v7 =	vld [tilespmem:s9+$0x0];
	s9 =	simm.s32 $0x0  }
.LBB2_48:
0x134: {  	s13 =	sand.u32 $0x380, s11;
	p3 =	sne.s32 s11, $0x3F0  }
.Ltmp26:
0x135: {  	s9 =	sadd.s32 $0x80, s9;
	s14 =	smov.u32 s11;
	(pc) =	sbr.rel @p3 .LBB2_48-.Ltmp26, $4  }
0x136: {  	s11 =	sadd.s32 $0x10, s11;
	s15 =	sand.u32 $0x1C00, s9  }
0x137: {  	s13 =	sadd.s32 s13, s10;
	s15 =	sor.u32 s12, s15;
	s12 =	sand.u32 $0x70, s14  }
0x138: {  	s13 =	sadd.s32 s12, s13;
	[tilespmem:s15+$0xF480] =	vst v7  }
0x139: {  	v7 =	vld [tilespmem:s13+$0x0]  }
0x13a: {  	s10 =	simm.s32 $0x0;
	s14 =	smov.u32 s18  }
.LBB2_50:
0x13b: {  	s9 =	sadd.s32 @p0 $0x80, s9;
	s11 =	simm.s32 $0x0  }
.Ltmp27:
0x13c: {  	s18 =	rddreg [dreg:$0xe];
	s11 =	smov.u32 @p0 s9;
	(pc) =	sbr.rel @!p5 .LBB2_51-.Ltmp27, $4  }
0x13d: {  	s15 =	rddreg [dreg:$0x1f];
	s9 =	sand.u32 $0x1C00, s11  }
0x13e: {  	s11 =	sadd.s32 s15, s18;
	s9 =	sor.u32 s12, s9  }
0x13f: {  	s16 =	sadd.s32 s14, s11;
	[tilespmem:s9+$0xF480] =	vst v7  }
0x140: {  	v7 =	vld [tilespmem:s16+$0x0]  }
0x141: {  	p0 =	por $0x1, $0x1  }
.Ltmp28:
0x142: {  	s9 =	simm.s32 $0x10;
	(pc) =	sbr.rel @!p0 .LBB2_53-.Ltmp28, $4  }
0x143: {  	s12 =	sand.u32 $0x1C00, s10;
	s11 =	sand.u32 $0x380, s9  }
0x144: {  	s9 =	sand.u32 $0x70, s9;
	s10 =	sor.u32 s14, s12;
	s11 =	sadd.s32 s11, s18  }
0x145: {  	s11 =	sadd.s32 s9, s11;
	[tilespmem:s10+$0xF500] =	vst v7  }
0x146: {  	p4 =	por $0x1, $0x1;
	s10 =	simm.s32 $0x20;
	v7 =	vld [tilespmem:s11+$0x0];
	s11 =	simm.s32 $0x0  }
.LBB2_54:
0x147: {  	s12 =	sand.u32 $0x380, s10;
	p0 =	sne.s32 s10, $0x3F0  }
.Ltmp29:
0x148: {  	s11 =	sadd.s32 $0x80, s11;
	s13 =	smov.u32 s10;
	(pc) =	sbr.rel @p0 .LBB2_54-.Ltmp29, $4  }
0x149: {  	s10 =	sadd.s32 $0x10, s10;
	s14 =	sand.u32 $0x1C00, s11  }
0x14a: {  	s12 =	sadd.s32 s12, s18;
	s14 =	sor.u32 s9, s14;
	s9 =	sand.u32 $0x70, s13  }
0x14b: {  	s12 =	sadd.s32 s9, s12;
	[tilespmem:s14+$0xF500] =	vst v7  }
0x14c: {  	v7 =	vld [tilespmem:s12+$0x0]  }
0x14d: {  	s14 =	smov.u32 s9;
	s10 =	simm.s32 $0x0  }
.LBB2_56:
0x14e: {  	s9 =	sadd.s32 @p4 $0x80, s11;
	p5 =	por $0x1, $0x1  }
.Ltmp30:
0x14f: {  	s13 =	simm.s32 $0x0;
	s10 =	smov.u32 @p4 s9;
	(pc) =	sbr.rel @!p5 .LBB2_57-.Ltmp30, $4  }
0x150: {  	s18 =	rddreg [dreg:$0xf];
	s15 =	sand.u32 $0x380, s13;
	s9 =	sand.u32 $0x1C00, s10  }
0x151: {  	s11 =	sand.u32 $0x70, s13;
	s10 =	sadd.s32 s15, s18;
	s9 =	sor.u32 s14, s9  }
0x152: {  	s16 =	sadd.s32 s11, s10;
	[tilespmem:s9+$0xF500] =	vst v7  }
0x153: {  	p4 =	por $0x0, $0x0;
	[smem:$0x7F7] =	sst s15;
	s14 =	simm.s32 $0x10;
	v7 =	vld [tilespmem:s16+$0x0]  }
0x154: {  	p3 =	por $0x1, $0x1  }
.Ltmp31:
0x155: {  	_ = 	snop;
	(pc) =	sbr.rel @!p3 .LBB2_59-.Ltmp31, $4  }
0x156: {  	s9 =	sand.u32 $0x380, s14;
	s12 =	sand.u32 $0x1C00, s13  }
0x157: {  	s10 =	sand.u32 $0x70, s14;
	s9 =	sadd.s32 s9, s18;
	s12 =	sor.u32 s11, s12  }
0x158: {  	s16 =	sadd.s32 s10, s9;
	[tilespmem:s12+$0xF580] =	vst v7  }
0x159: {  	p0 =	por $0x1, $0x1;
	s9 =	simm.s32 $0x20;
	s12 =	simm.s32 $0x0;
	v7 =	vld [tilespmem:s16+$0x0]  }
.LBB2_60:
0x15a: {  	s13 =	sand.u32 $0x380, s9;
	p3 =	sne.s32 s9, $0x3F0  }
.Ltmp32:
0x15b: {  	s12 =	sadd.s32 $0x80, s12;
	s14 =	smov.u32 s9;
	(pc) =	sbr.rel @p3 .LBB2_60-.Ltmp32, $4  }
0x15c: {  	s9 =	sadd.s32 $0x10, s9;
	s15 =	sand.u32 $0x1C00, s12  }
0x15d: {  	s13 =	sadd.s32 s13, s18;
	s15 =	sor.u32 s10, s15;
	s10 =	sand.u32 $0x70, s14  }
0x15e: {  	s13 =	sadd.s32 s10, s13;
	[tilespmem:s15+$0xF580] =	vst v7  }
0x15f: {  	v7 =	vld [tilespmem:s13+$0x0]  }
0x160: {  	s13 =	simm.s32 $0x0;
	s14 =	simm.s32 $0x10  }
.LBB2_62:
0x161: {  	s9 =	sadd.s32 @p0 $0x80, s12;
	s12 =	simm.s32 $0x0;
	s15 =	sld [smem:$0x7F7]  }
.Ltmp33:
0x162: {  	s12 =	smov.u32 @p0 s9;
	(pc) =	sbr.rel @!p5 .LBB2_63-.Ltmp33, $4  }
0x163: {  	s18 =	rddreg [dreg:$0x10];
	s9 =	sand.u32 $0x1C00, s12  }
0x164: {  	s9 =	sor.u32 s10, s9;
	s10 =	sadd.s32 s15, s18  }
0x165: {  	[tilespmem:s9+$0xF580] =	vst v7;
	s16 =	sadd.s32 s11, s10  }
0x166: {  	v7 =	vld [tilespmem:s16+$0x0]  }
0x167: {  	p0 =	por $0x1, $0x1  }
.Ltmp34:
0x168: {  	_ = 	snop;
	(pc) =	sbr.rel @!p0 .LBB2_65-.Ltmp34, $4  }
0x169: {  	s9 =	sand.u32 $0x380, s14;
	s12 =	sand.u32 $0x1C00, s13  }
0x16a: {  	s10 =	sand.u32 $0x70, s14;
	s9 =	sadd.s32 s9, s18;
	s11 =	sor.u32 s11, s12  }
0x16b: {  	s16 =	sadd.s32 s10, s9;
	[tilespmem:s11+$0xF600] =	vst v7  }
0x16c: {  	p4 =	por $0x1, $0x1;
	s12 =	simm.s32 $0x0;
	s9 =	simm.s32 $0x20;
	v7 =	vld [tilespmem:s16+$0x0]  }
.LBB2_66:
0x16d: {  	s11 =	sand.u32 $0x380, s9;
	p0 =	sne.s32 s9, $0x3F0  }
.Ltmp35:
0x16e: {  	s12 =	sadd.s32 $0x80, s12;
	s13 =	smov.u32 s9;
	(pc) =	sbr.rel @p0 .LBB2_66-.Ltmp35, $4  }
0x16f: {  	s9 =	sadd.s32 $0x10, s9;
	s14 =	sand.u32 $0x1C00, s12  }
0x170: {  	s11 =	sadd.s32 s11, s18;
	s14 =	sor.u32 s10, s14;
	s10 =	sand.u32 $0x70, s13  }
0x171: {  	s11 =	sadd.s32 s10, s11;
	[tilespmem:s14+$0xF600] =	vst v7  }
0x172: {  	v7 =	vld [tilespmem:s11+$0x0]  }
0x173: {  	s11 =	smov.u32 s10;
	s13 =	simm.s32 $0x0  }
.LBB2_68:
0x174: {  	s9 =	sadd.s32 @p4 $0x80, s12;
	p5 =	por $0x1, $0x1  }
.Ltmp36:
0x175: {  	s14 =	simm.s32 $0x0;
	s13 =	smov.u32 @p4 s9;
	(pc) =	sbr.rel @!p5 .LBB2_69-.Ltmp36, $4  }
0x176: {  	s9 =	sand.u32 $0x1C00, s13;
	s13 =	sand.u32 $0x380, s14  }
0x177: {  	s10 =	sand.u32 $0x70, s14;
	s9 =	sor.u32 s11, s9;
	s15 =	sadd.s32 s13, s19  }
0x178: {  	[tilespmem:s9+$0xF600] =	vst v7;
	s16 =	sadd.s32 s10, s15  }
0x179: {  	p4 =	por $0x0, $0x0;
	s18 =	smov.u32 s13;
	s13 =	simm.s32 $0x10;
	v7 =	vld [tilespmem:s16+$0x0]  }
0x17a: {  	p3 =	por $0x1, $0x1  }
.Ltmp37:
0x17b: {  	_ = 	snop;
	(pc) =	sbr.rel @!p3 .LBB2_71-.Ltmp37, $4  }
0x17c: {  	s9 =	sand.u32 $0x380, s13;
	s12 =	sand.u32 $0x1C00, s14  }
0x17d: {  	s11 =	sand.u32 $0x70, s13;
	s9 =	sadd.s32 s9, s19;
	s12 =	sor.u32 s10, s12  }
0x17e: {  	s9 =	sadd.s32 s11, s9;
	[tilespmem:s12+$0xF680] =	vst v7  }
0x17f: {  	p0 =	por $0x1, $0x1;
	s12 =	simm.s32 $0x20;
	v7 =	vld [tilespmem:s9+$0x0];
	s9 =	simm.s32 $0x0  }
.LBB2_72:
0x180: {  	s13 =	sand.u32 $0x380, s12;
	p3 =	sne.s32 s12, $0x3F0  }
.Ltmp38:
0x181: {  	s9 =	sadd.s32 $0x80, s9;
	s14 =	smov.u32 s12;
	(pc) =	sbr.rel @p3 .LBB2_72-.Ltmp38, $4  }
0x182: {  	s12 =	sadd.s32 $0x10, s12;
	s15 =	sand.u32 $0x1C00, s9  }
0x183: {  	s13 =	sadd.s32 s13, s19;
	s15 =	sor.u32 s11, s15;
	s11 =	sand.u32 $0x70, s14  }
0x184: {  	s13 =	sadd.s32 s11, s13;
	[tilespmem:s15+$0xF680] =	vst v7  }
0x185: {  	v7 =	vld [tilespmem:s13+$0x0]  }
0x186: {  	s14 =	simm.s32 $0x0;
	s13 =	simm.s32 $0x10  }
.LBB2_74:
0x187: {  	s9 =	sadd.s32 @p0 $0x80, s9;
	s12 =	simm.s32 $0x0  }
.Ltmp39:
0x188: {  	s12 =	smov.u32 @p0 s9;
	(pc) =	sbr.rel @!p5 .LBB2_75-.Ltmp39, $4  }
0x189: {  	s9 =	sand.u32 $0x1C00, s12  }
0x18a: {  	s16 =	sadd.s32 s18, s20;
	s9 =	sor.u32 s11, s9  }
0x18b: {  	s18 =	sadd.s32 s10, s16;
	[tilespmem:s9+$0xF680] =	vst v7  }
0x18c: {  	v7 =	vld [tilespmem:s18+$0x0]  }
0x18d: {  	p0 =	por $0x1, $0x1  }
.Ltmp40:
0x18e: {  	_ = 	snop;
	(pc) =	sbr.rel @!p0 .LBB2_77-.Ltmp40, $4  }
0x18f: {  	s11 =	sand.u32 $0x380, s13;
	s12 =	sand.u32 $0x1C00, s14  }
0x190: {  	s9 =	sand.u32 $0x70, s13;
	s11 =	sadd.s32 s11, s20;
	s10 =	sor.u32 s10, s12  }
0x191: {  	s11 =	sadd.s32 s9, s11;
	[tilespmem:s10+$0xF700] =	vst v7  }
0x192: {  	p4 =	por $0x1, $0x1;
	s10 =	simm.s32 $0x20;
	v7 =	vld [tilespmem:s11+$0x0];
	s11 =	simm.s32 $0x0  }
.LBB2_78:
0x193: {  	s12 =	sand.u32 $0x380, s10;
	p0 =	sne.s32 s10, $0x3F0  }
.Ltmp41:
0x194: {  	s11 =	sadd.s32 $0x80, s11;
	s13 =	smov.u32 s10;
	(pc) =	sbr.rel @p0 .LBB2_78-.Ltmp41, $4  }
0x195: {  	s10 =	sadd.s32 $0x10, s10;
	s14 =	sand.u32 $0x1C00, s11  }
0x196: {  	s12 =	sadd.s32 s12, s20;
	s14 =	sor.u32 s9, s14;
	s9 =	sand.u32 $0x70, s13  }
0x197: {  	s12 =	sadd.s32 s9, s12;
	[tilespmem:s14+$0xF700] =	vst v7  }
0x198: {  	v7 =	vld [tilespmem:s12+$0x0]  }
0x199: {  	s10 =	smov.u32 s9;
	s14 =	simm.s32 $0x0  }
.LBB2_80:
0x19a: {  	s9 =	sadd.s32 @p4 $0x80, s11;
	p5 =	por $0x1, $0x1  }
.Ltmp42:
0x19b: {  	s13 =	simm.s32 $0x0;
	s14 =	smov.u32 @p4 s9;
	(pc) =	sbr.rel @!p5 .LBB2_81-.Ltmp42, $4  }
0x19c: {  	s18 =	sand.u32 $0x380, s13;
	s9 =	sand.u32 $0x1C00, s14  }
0x19d: {  	s11 =	sand.u32 $0x70, s13;
	s15 =	sadd.s32 s18, s21;
	s9 =	sor.u32 s10, s9  }
0x19e: {  	s16 =	sadd.s32 s11, s15;
	[tilespmem:s9+$0xF700] =	vst v7  }
0x19f: {  	p4 =	por $0x0, $0x0;
	s14 =	simm.s32 $0x10;
	v7 =	vld [tilespmem:s16+$0x0]  }
0x1a0: {  	p3 =	por $0x1, $0x1  }
.Ltmp43:
0x1a1: {  	_ = 	snop;
	(pc) =	sbr.rel @!p3 .LBB2_83-.Ltmp43, $4  }
0x1a2: {  	s9 =	sand.u32 $0x380, s14;
	s12 =	sand.u32 $0x1C00, s13  }
0x1a3: {  	s10 =	sand.u32 $0x70, s14;
	s9 =	sadd.s32 s9, s21;
	s12 =	sor.u32 s11, s12  }
0x1a4: {  	s16 =	sadd.s32 s10, s9;
	[tilespmem:s12+$0xF780] =	vst v7  }
0x1a5: {  	p0 =	por $0x1, $0x1;
	s9 =	simm.s32 $0x20;
	s12 =	simm.s32 $0x0;
	v7 =	vld [tilespmem:s16+$0x0]  }
.LBB2_84:
0x1a6: {  	s13 =	sand.u32 $0x380, s9;
	p3 =	sne.s32 s9, $0x3F0  }
.Ltmp44:
0x1a7: {  	s12 =	sadd.s32 $0x80, s12;
	s14 =	smov.u32 s9;
	(pc) =	sbr.rel @p3 .LBB2_84-.Ltmp44, $4  }
0x1a8: {  	s9 =	sadd.s32 $0x10, s9;
	s15 =	sand.u32 $0x1C00, s12  }
0x1a9: {  	s13 =	sadd.s32 s13, s21;
	s15 =	sor.u32 s10, s15;
	s10 =	sand.u32 $0x70, s14  }
0x1aa: {  	s13 =	sadd.s32 s10, s13;
	[tilespmem:s15+$0xF780] =	vst v7  }
0x1ab: {  	v7 =	vld [tilespmem:s13+$0x0]  }
0x1ac: {  	s13 =	simm.s32 $0x0;
	s14 =	simm.s32 $0x10  }
.LBB2_86:
0x1ad: {  	s9 =	sadd.s32 @p0 $0x80, s12;
	s12 =	simm.s32 $0x0  }
.Ltmp45:
0x1ae: {  	s12 =	smov.u32 @p0 s9;
	(pc) =	sbr.rel @!p5 .LBB2_87-.Ltmp45, $4  }
0x1af: {  	s9 =	sand.u32 $0x1C00, s12  }
0x1b0: {  	s16 =	sadd.s32 s18, s22;
	s9 =	sor.u32 s10, s9  }
0x1b1: {  	s18 =	sadd.s32 s11, s16;
	[tilespmem:s9+$0xF780] =	vst v7  }
0x1b2: {  	v7 =	vld [tilespmem:s18+$0x0]  }
0x1b3: {  	p0 =	por $0x1, $0x1  }
.Ltmp46:
0x1b4: {  	_ = 	snop;
	(pc) =	sbr.rel @!p0 .LBB2_89-.Ltmp46, $4  }
0x1b5: {  	s9 =	sand.u32 $0x380, s14;
	s12 =	sand.u32 $0x1C00, s13  }
0x1b6: {  	s10 =	sand.u32 $0x70, s14;
	s9 =	sadd.s32 s9, s22;
	s11 =	sor.u32 s11, s12  }
0x1b7: {  	s18 =	sadd.s32 s10, s9;
	[tilespmem:s11+$0xF800] =	vst v7  }
0x1b8: {  	p4 =	por $0x1, $0x1;
	s12 =	simm.s32 $0x0;
	s9 =	simm.s32 $0x20;
	v7 =	vld [tilespmem:s18+$0x0]  }
.LBB2_90:
0x1b9: {  	s11 =	sand.u32 $0x380, s9;
	p0 =	sne.s32 s9, $0x3F0  }
.Ltmp47:
0x1ba: {  	s12 =	sadd.s32 $0x80, s12;
	s13 =	smov.u32 s9;
	(pc) =	sbr.rel @p0 .LBB2_90-.Ltmp47, $4  }
0x1bb: {  	s9 =	sadd.s32 $0x10, s9;
	s14 =	sand.u32 $0x1C00, s12  }
0x1bc: {  	s11 =	sadd.s32 s11, s22;
	s14 =	sor.u32 s10, s14;
	s10 =	sand.u32 $0x70, s13  }
0x1bd: {  	s11 =	sadd.s32 s10, s11;
	[tilespmem:s14+$0xF800] =	vst v7  }
0x1be: {  	v7 =	vld [tilespmem:s11+$0x0]  }
0x1bf: {  	s11 =	smov.u32 s10;
	s13 =	simm.s32 $0x0  }
.LBB2_92:
0x1c0: {  	s9 =	sadd.s32 @p4 $0x80, s12;
	p5 =	por $0x1, $0x1  }
.Ltmp48:
0x1c1: {  	s14 =	simm.s32 $0x0;
	s13 =	smov.u32 @p4 s9;
	(pc) =	sbr.rel @!p5 .LBB2_93-.Ltmp48, $4  }
0x1c2: {  	s18 =	sand.u32 $0x380, s14;
	s9 =	sand.u32 $0x1C00, s13  }
0x1c3: {  	s10 =	sand.u32 $0x70, s14;
	s15 =	sadd.s32 s18, s23;
	s9 =	sor.u32 s11, s9  }
0x1c4: {  	s16 =	sadd.s32 s10, s15;
	[tilespmem:s9+$0xF800] =	vst v7  }
0x1c5: {  	p4 =	por $0x0, $0x0;
	s13 =	simm.s32 $0x10;
	v7 =	vld [tilespmem:s16+$0x0]  }
0x1c6: {  	p3 =	por $0x1, $0x1  }
.Ltmp49:
0x1c7: {  	_ = 	snop;
	(pc) =	sbr.rel @!p3 .LBB2_95-.Ltmp49, $4  }
0x1c8: {  	s9 =	sand.u32 $0x380, s13;
	s12 =	sand.u32 $0x1C00, s14  }
0x1c9: {  	s11 =	sand.u32 $0x70, s13;
	s9 =	sadd.s32 s9, s23;
	s12 =	sor.u32 s10, s12  }
0x1ca: {  	s9 =	sadd.s32 s11, s9;
	[tilespmem:s12+$0x11480] =	vst v7  }
0x1cb: {  	p0 =	por $0x1, $0x1;
	s12 =	simm.s32 $0x20;
	v7 =	vld [tilespmem:s9+$0x0];
	s9 =	simm.s32 $0x0  }
.LBB2_96:
0x1cc: {  	s13 =	sand.u32 $0x380, s12;
	p3 =	sne.s32 s12, $0x3F0  }
.Ltmp50:
0x1cd: {  	s9 =	sadd.s32 $0x80, s9;
	s14 =	smov.u32 s12;
	(pc) =	sbr.rel @p3 .LBB2_96-.Ltmp50, $4  }
0x1ce: {  	s12 =	sadd.s32 $0x10, s12;
	s15 =	sand.u32 $0x1C00, s9  }
0x1cf: {  	s13 =	sadd.s32 s13, s23;
	s15 =	sor.u32 s11, s15;
	s11 =	sand.u32 $0x70, s14  }
0x1d0: {  	s13 =	sadd.s32 s11, s13;
	[tilespmem:s15+$0x11480] =	vst v7  }
0x1d1: {  	v7 =	vld [tilespmem:s13+$0x0]  }
0x1d2: {  	s14 =	simm.s32 $0x0;
	s13 =	simm.s32 $0x10  }
.LBB2_98:
0x1d3: {  	s9 =	sadd.s32 @p0 $0x80, s9;
	s12 =	simm.s32 $0x0  }
.Ltmp51:
0x1d4: {  	s12 =	smov.u32 @p0 s9;
	(pc) =	sbr.rel @!p5 .LBB2_99-.Ltmp51, $4  }
0x1d5: {  	s9 =	sand.u32 $0x1C00, s12  }
0x1d6: {  	s16 =	sadd.s32 s18, s24;
	s9 =	sor.u32 s11, s9  }
0x1d7: {  	s18 =	sadd.s32 s10, s16;
	[tilespmem:s9+$0x11480] =	vst v7  }
0x1d8: {  	v7 =	vld [tilespmem:s18+$0x0]  }
0x1d9: {  	p0 =	por $0x1, $0x1  }
.Ltmp52:
0x1da: {  	_ = 	snop;
	(pc) =	sbr.rel @!p0 .LBB2_101-.Ltmp52, $4  }
0x1db: {  	s11 =	sand.u32 $0x380, s13;
	s12 =	sand.u32 $0x1C00, s14  }
0x1dc: {  	s9 =	sand.u32 $0x70, s13;
	s11 =	sadd.s32 s11, s24;
	s10 =	sor.u32 s10, s12  }
0x1dd: {  	s11 =	sadd.s32 s9, s11;
	[tilespmem:s10+$0x11500] =	vst v7  }
0x1de: {  	p4 =	por $0x1, $0x1;
	s10 =	simm.s32 $0x20;
	v7 =	vld [tilespmem:s11+$0x0];
	s11 =	simm.s32 $0x0  }
.LBB2_102:
0x1df: {  	s12 =	sand.u32 $0x380, s10;
	p0 =	sne.s32 s10, $0x3F0  }
.Ltmp53:
0x1e0: {  	s11 =	sadd.s32 $0x80, s11;
	s13 =	smov.u32 s10;
	(pc) =	sbr.rel @p0 .LBB2_102-.Ltmp53, $4  }
0x1e1: {  	s10 =	sadd.s32 $0x10, s10;
	s14 =	sand.u32 $0x1C00, s11  }
0x1e2: {  	s12 =	sadd.s32 s12, s24;
	s14 =	sor.u32 s9, s14;
	s9 =	sand.u32 $0x70, s13  }
0x1e3: {  	s12 =	sadd.s32 s9, s12;
	[tilespmem:s14+$0x11500] =	vst v7  }
0x1e4: {  	v7 =	vld [tilespmem:s12+$0x0]  }
0x1e5: {  	s10 =	smov.u32 s9;
	s14 =	simm.s32 $0x0  }
.LBB2_104:
0x1e6: {  	s9 =	sadd.s32 @p4 $0x80, s11;
	p5 =	por $0x1, $0x1  }
.Ltmp54:
0x1e7: {  	s13 =	simm.s32 $0x0;
	s14 =	smov.u32 @p4 s9;
	(pc) =	sbr.rel @!p5 .LBB2_105-.Ltmp54, $4  }
0x1e8: {  	s18 =	sand.u32 $0x380, s13;
	s9 =	sand.u32 $0x1C00, s14  }
0x1e9: {  	s11 =	sand.u32 $0x70, s13;
	s15 =	sadd.s32 s18, s25;
	s9 =	sor.u32 s10, s9  }
0x1ea: {  	s16 =	sadd.s32 s11, s15;
	[tilespmem:s9+$0x11500] =	vst v7  }
0x1eb: {  	s13 =	simm.s32 $0x10;
	p4 =	por $0x0, $0x0;
	v7 =	vld [tilespmem:s16+$0x0]  }
0x1ec: {  	p3 =	por $0x1, $0x1  }
.Ltmp55:
0x1ed: {  	s10 =	simm.s32 $0x0;
	(pc) =	sbr.rel @!p3 .LBB2_107-.Ltmp55, $4  }
0x1ee: {  	s9 =	sand.u32 $0x380, s13;
	s12 =	sand.u32 $0x1C00, s10  }
0x1ef: {  	s10 =	sand.u32 $0x70, s13;
	s9 =	sadd.s32 s9, s25;
	s12 =	sor.u32 s11, s12  }
0x1f0: {  	s13 =	sadd.s32 s10, s9;
	[tilespmem:s12+$0x11580] =	vst v7  }
0x1f1: {  	p0 =	por $0x1, $0x1;
	s9 =	simm.s32 $0x20;
	s12 =	simm.s32 $0x0;
	v7 =	vld [tilespmem:s13+$0x0]  }
.LBB2_108:
0x1f2: {  	s13 =	sand.u32 $0x380, s9;
	p3 =	sne.s32 s9, $0x3F0  }
.Ltmp56:
0x1f3: {  	s12 =	sadd.s32 $0x80, s12;
	s14 =	smov.u32 s9;
	(pc) =	sbr.rel @p3 .LBB2_108-.Ltmp56, $4  }
0x1f4: {  	s9 =	sadd.s32 $0x10, s9;
	s15 =	sand.u32 $0x1C00, s12  }
0x1f5: {  	s13 =	sadd.s32 s13, s25;
	s15 =	sor.u32 s10, s15;
	s10 =	sand.u32 $0x70, s14  }
0x1f6: {  	s13 =	sadd.s32 s10, s13;
	[tilespmem:s15+$0x11580] =	vst v7  }
0x1f7: {  	v7 =	vld [tilespmem:s13+$0x0]  }
0x1f8: {  	s13 =	simm.s32 $0x10  }
.LBB2_110:
0x1f9: {  	s9 =	sadd.s32 @p0 $0x80, s12;
	s12 =	simm.s32 $0x0  }
.Ltmp57:
0x1fa: {  	s12 =	smov.u32 @p0 s9;
	(pc) =	sbr.rel @!p5 .LBB2_111-.Ltmp57, $4  }
0x1fb: {  	s9 =	sand.u32 $0x1C00, s12  }
0x1fc: {  	s16 =	sadd.s32 s18, s26;
	s9 =	sor.u32 s10, s9  }
0x1fd: {  	s18 =	sadd.s32 s11, s16;
	[tilespmem:s9+$0x11580] =	vst v7  }
0x1fe: {  	v7 =	vld [tilespmem:s18+$0x0]  }
0x1ff: {  	p0 =	por $0x1, $0x1  }
.Ltmp58:
0x200: {  	s10 =	simm.s32 $0x0;
	(pc) =	sbr.rel @!p0 .LBB2_113-.Ltmp58, $4  }
0x201: {  	s9 =	sand.u32 $0x380, s13;
	s12 =	sand.u32 $0x1C00, s10  }
0x202: {  	s10 =	sand.u32 $0x70, s13;
	s9 =	sadd.s32 s9, s26;
	s11 =	sor.u32 s11, s12  }
0x203: {  	s18 =	sadd.s32 s10, s9;
	[tilespmem:s11+$0x11600] =	vst v7  }
0x204: {  	p4 =	por $0x1, $0x1;
	s9 =	simm.s32 $0x20;
	s12 =	simm.s32 $0x0;
	v7 =	vld [tilespmem:s18+$0x0]  }
.LBB2_114:
0x205: {  	s11 =	sand.u32 $0x380, s9;
	p0 =	sne.s32 s9, $0x3F0  }
.Ltmp59:
0x206: {  	s12 =	sadd.s32 $0x80, s12;
	s13 =	smov.u32 s9;
	(pc) =	sbr.rel @p0 .LBB2_114-.Ltmp59, $4  }
0x207: {  	s9 =	sadd.s32 $0x10, s9;
	s14 =	sand.u32 $0x1C00, s12  }
0x208: {  	s11 =	sadd.s32 s11, s26;
	s14 =	sor.u32 s10, s14;
	s10 =	sand.u32 $0x70, s13  }
0x209: {  	s11 =	sadd.s32 s10, s11;
	[tilespmem:s14+$0x11600] =	vst v7  }
0x20a: {  	v7 =	vld [tilespmem:s11+$0x0]  }
0x20b: {  	s11 =	smov.u32 s10  }
.LBB2_116:
0x20c: {  	s9 =	sadd.s32 @p4 $0x80, s12;
	s10 =	simm.s32 $0x0;
	p5 =	por $0x1, $0x1  }
.Ltmp60:
0x20d: {  	s13 =	simm.s32 $0x0;
	s10 =	smov.u32 @p4 s9;
	(pc) =	sbr.rel @!p5 .LBB2_117-.Ltmp60, $4  }
0x20e: {  	s15 =	sand.u32 $0x380, s13;
	s9 =	sand.u32 $0x1C00, s10  }
0x20f: {  	s10 =	sand.u32 $0x70, s13;
	s16 =	sadd.s32 s15, s28;
	s9 =	sor.u32 s11, s9  }
0x210: {  	s18 =	sadd.s32 s10, s16;
	[tilespmem:s9+$0x11600] =	vst v7  }
0x211: {  	s14 =	simm.s32 $0x10;
	p4 =	por $0x0, $0x0;
	v7 =	vld [tilespmem:s18+$0x0]  }
0x212: {  	p3 =	por $0x1, $0x1  }
.Ltmp61:
0x213: {  	_ = 	snop;
	(pc) =	sbr.rel @!p3 .LBB2_119-.Ltmp61, $4  }
0x214: {  	s9 =	sand.u32 $0x380, s14;
	s12 =	sand.u32 $0x1C00, s13  }
0x215: {  	s11 =	sand.u32 $0x70, s14;
	s9 =	sadd.s32 s9, s28;
	s12 =	sor.u32 s10, s12  }
0x216: {  	s18 =	sadd.s32 s11, s9;
	[tilespmem:s12+$0x11680] =	vst v7  }
0x217: {  	p0 =	por $0x1, $0x1;
	s9 =	simm.s32 $0x20;
	s12 =	simm.s32 $0x0;
	v7 =	vld [tilespmem:s18+$0x0]  }
.LBB2_120:
0x218: {  	s13 =	sand.u32 $0x380, s9;
	p3 =	sne.s32 s9, $0x3F0  }
.Ltmp62:
0x219: {  	s12 =	sadd.s32 $0x80, s12;
	s14 =	smov.u32 s9;
	(pc) =	sbr.rel @p3 .LBB2_120-.Ltmp62, $4  }
0x21a: {  	s9 =	sadd.s32 $0x10, s9;
	s15 =	sand.u32 $0x1C00, s12  }
0x21b: {  	s13 =	sadd.s32 s13, s28;
	s15 =	sor.u32 s11, s15;
	s11 =	sand.u32 $0x70, s14  }
0x21c: {  	s13 =	sadd.s32 s11, s13;
	[tilespmem:s15+$0x11680] =	vst v7  }
0x21d: {  	v7 =	vld [tilespmem:s13+$0x0]  }
0x21e: {  	s13 =	simm.s32 $0x0;
	s14 =	simm.s32 $0x10  }
.LBB2_122:
0x21f: {  	s9 =	sadd.s32 @p0 $0x80, s12;
	s12 =	simm.s32 $0x0  }
.Ltmp63:
0x220: {  	s12 =	smov.u32 @p0 s9;
	(pc) =	sbr.rel @!p5 .LBB2_123-.Ltmp63, $4  }
0x221: {  	s15 =	sadd.s32 $0x0, s3;
	s9 =	sand.u32 $0x1C00, s12  }
0x222: {  	s16 =	sand.u32 $0x5380, s15;
	s9 =	sor.u32 s11, s9  }
0x223: {  	s18 =	sor.u32 s10, s16;
	[tilespmem:s9+$0x11680] =	vst v7  }
0x224: {  	v7 =	vld [tilespmem:s18+$0x0]  }
0x225: {  	p0 =	por $0x1, $0x1  }
.Ltmp64:
0x226: {  	_ = 	snop;
	(pc) =	sbr.rel @!p0 .LBB2_125-.Ltmp64, $4  }
0x227: {  	s9 =	sadd.s32 $0x10, s3;
	s11 =	sand.u32 $0x1C00, s13  }
0x228: {  	s12 =	sand.u32 $0x5380, s9;
	s9 =	sand.u32 $0x70, s14;
	s10 =	sor.u32 s10, s11  }
0x229: {  	s18 =	sor.u32 s9, s12;
	[tilespmem:s10+$0x11700] =	vst v7  }
0x22a: {  	p4 =	por $0x1, $0x1;
	s11 =	simm.s32 $0x0;
	s10 =	simm.s32 $0x20;
	v7 =	vld [tilespmem:s18+$0x0]  }
.LBB2_126:
0x22b: {  	s12 =	sadd.s32 s10, s3;
	p0 =	sne.s32 s10, $0x3F0  }
.Ltmp65:
0x22c: {  	s11 =	sadd.s32 $0x80, s11;
	s13 =	smov.u32 s10;
	(pc) =	sbr.rel @p0 .LBB2_126-.Ltmp65, $4  }
0x22d: {  	s10 =	sadd.s32 $0x10, s10;
	s14 =	sand.u32 $0x1C00, s11  }
0x22e: {  	s12 =	sand.u32 $0x5380, s12;
	s14 =	sor.u32 s9, s14;
	s9 =	sand.u32 $0x70, s13  }
0x22f: {  	s12 =	sor.u32 s9, s12;
	[tilespmem:s14+$0x11700] =	vst v7  }
0x230: {  	v7 =	vld [tilespmem:s12+$0x0]  }
0x231: {  	s10 =	smov.u32 s9;
	s13 =	simm.s32 $0x0  }
.LBB2_128:
0x232: {  	s9 =	sadd.s32 @p4 $0x80, s11;
	p5 =	por $0x1, $0x1  }
.Ltmp66:
0x233: {  	s14 =	simm.s32 $0x0;
	s13 =	smov.u32 @p4 s9;
	(pc) =	sbr.rel @!p5 .LBB2_129-.Ltmp66, $4  }
0x234: {  	s12 =	sand.u32 $0x380, s14;
	s9 =	sand.u32 $0x1C00, s13  }
0x235: {  	s11 =	sand.u32 $0x70, s14;
	s16 =	sadd.s32 s12, s29;
	s9 =	sor.u32 s10, s9  }
0x236: {  	s18 =	sadd.s32 s11, s16;
	[tilespmem:s9+$0x11700] =	vst v7  }
0x237: {  	p4 =	por $0x0, $0x0;
	[smem:$0x7F6] =	sst s12;
	s13 =	simm.s32 $0x10;
	v7 =	vld [tilespmem:s18+$0x0]  }
0x238: {  	p3 =	por $0x1, $0x1  }
.Ltmp67:
0x239: {  	_ = 	snop;
	(pc) =	sbr.rel @!p3 .LBB2_131-.Ltmp67, $4  }
0x23a: {  	s9 =	sand.u32 $0x380, s13;
	s12 =	sand.u32 $0x1C00, s14  }
0x23b: {  	s10 =	sand.u32 $0x70, s13;
	s9 =	sadd.s32 s9, s29;
	s12 =	sor.u32 s11, s12  }
0x23c: {  	s13 =	sadd.s32 s10, s9;
	[tilespmem:s12+$0x11780] =	vst v7  }
0x23d: {  	p0 =	por $0x1, $0x1;
	s9 =	simm.s32 $0x20;
	s12 =	simm.s32 $0x0;
	v7 =	vld [tilespmem:s13+$0x0]  }
.LBB2_132:
0x23e: {  	s13 =	sand.u32 $0x380, s9;
	p3 =	sne.s32 s9, $0x3F0  }
.Ltmp68:
0x23f: {  	s12 =	sadd.s32 $0x80, s12;
	s14 =	smov.u32 s9;
	(pc) =	sbr.rel @p3 .LBB2_132-.Ltmp68, $4  }
0x240: {  	s9 =	sadd.s32 $0x10, s9;
	s15 =	sand.u32 $0x1C00, s12  }
0x241: {  	s13 =	sadd.s32 s13, s29;
	s15 =	sor.u32 s10, s15;
	s10 =	sand.u32 $0x70, s14  }
0x242: {  	s13 =	sadd.s32 s10, s13;
	[tilespmem:s15+$0x11780] =	vst v7  }
0x243: {  	v7 =	vld [tilespmem:s13+$0x0]  }
0x244: {  	s14 =	simm.s32 $0x0;
	s13 =	simm.s32 $0x10  }
.LBB2_134:
0x245: {  	s9 =	sadd.s32 @p0 $0x80, s12;
	s12 =	simm.s32 $0x0;
	s16 =	sld [smem:$0x7F6]  }
.Ltmp69:
0x246: {  	s12 =	smov.u32 @p0 s9;
	(pc) =	sbr.rel @!p5 .LBB2_135-.Ltmp69, $4  }
0x247: {  	s9 =	sand.u32 $0x1C00, s12  }
0x248: {  	s9 =	sor.u32 s10, s9;
	s10 =	sadd.s32 s16, s30  }
0x249: {  	[tilespmem:s9+$0x11780] =	vst v7;
	s18 =	sadd.s32 s11, s10  }
0x24a: {  	v7 =	vld [tilespmem:s18+$0x0]  }
0x24b: {  	p0 =	por $0x1, $0x1  }
.Ltmp70:
0x24c: {  	_ = 	snop;
	(pc) =	sbr.rel @!p0 .LBB2_137-.Ltmp70, $4  }
0x24d: {  	s9 =	sand.u32 $0x380, s13;
	s12 =	sand.u32 $0x1C00, s14  }
0x24e: {  	s10 =	sand.u32 $0x70, s13;
	s9 =	sadd.s32 s9, s30;
	s11 =	sor.u32 s11, s12  }
0x24f: {  	s18 =	sadd.s32 s10, s9;
	[tilespmem:s11+$0x11800] =	vst v7  }
0x250: {  	p4 =	por $0x1, $0x1;
	s12 =	simm.s32 $0x0;
	s9 =	simm.s32 $0x20;
	v7 =	vld [tilespmem:s18+$0x0]  }
.LBB2_138:
0x251: {  	s11 =	sand.u32 $0x380, s9;
	p0 =	sne.s32 s9, $0x3F0  }
.Ltmp71:
0x252: {  	s12 =	sadd.s32 $0x80, s12;
	s13 =	smov.u32 s9;
	(pc) =	sbr.rel @p0 .LBB2_138-.Ltmp71, $4  }
0x253: {  	s9 =	sadd.s32 $0x10, s9;
	s14 =	sand.u32 $0x1C00, s12  }
0x254: {  	s11 =	sadd.s32 s11, s30;
	s14 =	sor.u32 s10, s14;
	s10 =	sand.u32 $0x70, s13  }
0x255: {  	s11 =	sadd.s32 s10, s11;
	[tilespmem:s14+$0x11800] =	vst v7  }
0x256: {  	v7 =	vld [tilespmem:s11+$0x0]  }
0x257: {  	s11 =	smov.u32 s10;
	s14 =	simm.s32 $0x0  }
.LBB2_140:
0x258: {  	s9 =	sadd.s32 @p4 $0x80, s12;
	p5 =	por $0x1, $0x1  }
.Ltmp72:
0x259: {  	s13 =	simm.s32 $0x0;
	s14 =	smov.u32 @p4 s9;
	(pc) =	sbr.rel @!p5 .LBB2_141-.Ltmp72, $4  }
0x25a: {  	s15 =	sand.u32 $0x380, s13;
	s9 =	sand.u32 $0x1C00, s14  }
0x25b: {  	s10 =	sand.u32 $0x70, s13;
	s16 =	sadd.s32 s15, s31;
	s9 =	sor.u32 s11, s9  }
0x25c: {  	s18 =	sadd.s32 s10, s16;
	[tilespmem:s9+$0x11800] =	vst v7  }
0x25d: {  	p4 =	por $0x0, $0x0;
	[smem:$0x7F5] =	sst s15;
	s14 =	simm.s32 $0x10;
	v7 =	vld [tilespmem:s18+$0x0]  }
0x25e: {  	p3 =	por $0x1, $0x1  }
.Ltmp73:
0x25f: {  	_ = 	snop;
	(pc) =	sbr.rel @!p3 .LBB2_143-.Ltmp73, $4  }
0x260: {  	s9 =	sand.u32 $0x380, s14;
	s12 =	sand.u32 $0x1C00, s13  }
0x261: {  	s11 =	sand.u32 $0x70, s14;
	s9 =	sadd.s32 s9, s31;
	s12 =	sor.u32 s10, s12  }
0x262: {  	s9 =	sadd.s32 s11, s9;
	[tilespmem:s12+$0x13480] =	vst v7  }
0x263: {  	p0 =	por $0x1, $0x1;
	s12 =	simm.s32 $0x20;
	v7 =	vld [tilespmem:s9+$0x0];
	s9 =	simm.s32 $0x0  }
.LBB2_144:
0x264: {  	s13 =	sand.u32 $0x380, s12;
	p3 =	sne.s32 s12, $0x3F0  }
.Ltmp74:
0x265: {  	s9 =	sadd.s32 $0x80, s9;
	s14 =	smov.u32 s12;
	(pc) =	sbr.rel @p3 .LBB2_144-.Ltmp74, $4  }
0x266: {  	s12 =	sadd.s32 $0x10, s12;
	s15 =	sand.u32 $0x1C00, s9  }
0x267: {  	s13 =	sadd.s32 s13, s31;
	s15 =	sor.u32 s11, s15;
	s11 =	sand.u32 $0x70, s14  }
0x268: {  	s13 =	sadd.s32 s11, s13;
	[tilespmem:s15+$0x13480] =	vst v7  }
0x269: {  	v7 =	vld [tilespmem:s13+$0x0]  }
0x26a: {  	s13 =	simm.s32 $0x0;
	s14 =	simm.s32 $0x10  }
.LBB2_146:
0x26b: {  	s9 =	sadd.s32 @p0 $0x80, s9;
	s12 =	simm.s32 $0x0;
	s16 =	sld [smem:$0x7F5]  }
.Ltmp75:
0x26c: {  	s12 =	smov.u32 @p0 s9;
	(pc) =	sbr.rel @!p5 .LBB2_147-.Ltmp75, $4  }
0x26d: {  	s9 =	sand.u32 $0x1C00, s12  }
0x26e: {  	s9 =	sor.u32 s11, s9;
	s11 =	sadd.s32 s16, s4  }
0x26f: {  	[tilespmem:s9+$0x13480] =	vst v7;
	s18 =	sadd.s32 s10, s11  }
0x270: {  	v7 =	vld [tilespmem:s18+$0x0]  }
0x271: {  	p0 =	por $0x1, $0x1  }
.Ltmp76:
0x272: {  	_ = 	snop;
	(pc) =	sbr.rel @!p0 .LBB2_149-.Ltmp76, $4  }
0x273: {  	s11 =	sand.u32 $0x380, s14;
	s12 =	sand.u32 $0x1C00, s13  }
0x274: {  	s9 =	sand.u32 $0x70, s14;
	s11 =	sadd.s32 s11, s4;
	s10 =	sor.u32 s10, s12  }
0x275: {  	s11 =	sadd.s32 s9, s11;
	[tilespmem:s10+$0x13500] =	vst v7  }
0x276: {  	p4 =	por $0x1, $0x1;
	s10 =	simm.s32 $0x20;
	v7 =	vld [tilespmem:s11+$0x0];
	s11 =	simm.s32 $0x0  }
.LBB2_150:
0x277: {  	s12 =	sand.u32 $0x380, s10;
	p0 =	sne.s32 s10, $0x3F0  }
.Ltmp77:
0x278: {  	s11 =	sadd.s32 $0x80, s11;
	s13 =	smov.u32 s10;
	(pc) =	sbr.rel @p0 .LBB2_150-.Ltmp77, $4  }
0x279: {  	s10 =	sadd.s32 $0x10, s10;
	s14 =	sand.u32 $0x1C00, s11  }
0x27a: {  	s12 =	sadd.s32 s12, s4;
	s14 =	sor.u32 s9, s14;
	s9 =	sand.u32 $0x70, s13  }
0x27b: {  	s12 =	sadd.s32 s9, s12;
	[tilespmem:s14+$0x13500] =	vst v7  }
0x27c: {  	v7 =	vld [tilespmem:s12+$0x0]  }
0x27d: {  	s10 =	smov.u32 s9;
	s13 =	simm.s32 $0x0  }
.LBB2_152:
0x27e: {  	s9 =	sadd.s32 @p4 $0x80, s11;
	p5 =	por $0x1, $0x1  }
.Ltmp78:
0x27f: {  	s14 =	simm.s32 $0x0;
	s13 =	smov.u32 @p4 s9;
	(pc) =	sbr.rel @!p5 .LBB2_153-.Ltmp78, $4  }
0x280: {  	s12 =	sand.u32 $0x380, s14;
	s9 =	sand.u32 $0x1C00, s13  }
0x281: {  	s11 =	sand.u32 $0x70, s14;
	s16 =	sadd.s32 s12, s1;
	s9 =	sor.u32 s10, s9  }
0x282: {  	s18 =	sadd.s32 s11, s16;
	[tilespmem:s9+$0x13500] =	vst v7  }
0x283: {  	p4 =	por $0x0, $0x0;
	[smem:$0x7F4] =	sst s12;
	s13 =	simm.s32 $0x10;
	v7 =	vld [tilespmem:s18+$0x0]  }
0x284: {  	p3 =	por $0x1, $0x1  }
.Ltmp79:
0x285: {  	_ = 	snop;
	(pc) =	sbr.rel @!p3 .LBB2_155-.Ltmp79, $4  }
0x286: {  	s9 =	sand.u32 $0x380, s13;
	s12 =	sand.u32 $0x1C00, s14  }
0x287: {  	s10 =	sand.u32 $0x70, s13;
	s9 =	sadd.s32 s9, s1;
	s12 =	sor.u32 s11, s12  }
0x288: {  	s13 =	sadd.s32 s10, s9;
	[tilespmem:s12+$0x13580] =	vst v7  }
0x289: {  	p0 =	por $0x1, $0x1;
	s9 =	simm.s32 $0x20;
	s12 =	simm.s32 $0x0;
	v7 =	vld [tilespmem:s13+$0x0]  }
.LBB2_156:
0x28a: {  	s13 =	sand.u32 $0x380, s9;
	p3 =	sne.s32 s9, $0x3F0  }
.Ltmp80:
0x28b: {  	s12 =	sadd.s32 $0x80, s12;
	s14 =	smov.u32 s9;
	(pc) =	sbr.rel @p3 .LBB2_156-.Ltmp80, $4  }
0x28c: {  	s9 =	sadd.s32 $0x10, s9;
	s15 =	sand.u32 $0x1C00, s12  }
0x28d: {  	s13 =	sadd.s32 s13, s1;
	s15 =	sor.u32 s10, s15;
	s10 =	sand.u32 $0x70, s14  }
0x28e: {  	s13 =	sadd.s32 s10, s13;
	[tilespmem:s15+$0x13580] =	vst v7  }
0x28f: {  	v7 =	vld [tilespmem:s13+$0x0]  }
0x290: {  	s14 =	simm.s32 $0x0;
	s13 =	simm.s32 $0x10  }
.LBB2_158:
0x291: {  	s9 =	sadd.s32 @p0 $0x80, s12;
	s12 =	simm.s32 $0x0;
	s16 =	sld [smem:$0x7F4]  }
.Ltmp81:
0x292: {  	s12 =	smov.u32 @p0 s9;
	(pc) =	sbr.rel @!p5 .LBB2_159-.Ltmp81, $4  }
0x293: {  	s9 =	sand.u32 $0x1C00, s12  }
0x294: {  	s9 =	sor.u32 s10, s9;
	s10 =	sadd.s32 s16, s0  }
0x295: {  	[tilespmem:s9+$0x13580] =	vst v7;
	s18 =	sadd.s32 s11, s10  }
0x296: {  	v7 =	vld [tilespmem:s18+$0x0]  }
0x297: {  	p0 =	por $0x1, $0x1  }
.Ltmp82:
0x298: {  	_ = 	snop;
	(pc) =	sbr.rel @!p0 .LBB2_161-.Ltmp82, $4  }
0x299: {  	s9 =	sand.u32 $0x380, s13;
	s12 =	sand.u32 $0x1C00, s14  }
0x29a: {  	s10 =	sand.u32 $0x70, s13;
	s9 =	sadd.s32 s9, s0;
	s11 =	sor.u32 s11, s12  }
0x29b: {  	s18 =	sadd.s32 s10, s9;
	[tilespmem:s11+$0x13600] =	vst v7  }
0x29c: {  	p4 =	por $0x1, $0x1;
	s12 =	simm.s32 $0x0;
	s9 =	simm.s32 $0x20;
	v7 =	vld [tilespmem:s18+$0x0]  }
.LBB2_162:
0x29d: {  	s11 =	sand.u32 $0x380, s9;
	p0 =	sne.s32 s9, $0x3F0  }
.Ltmp83:
0x29e: {  	s12 =	sadd.s32 $0x80, s12;
	s13 =	smov.u32 s9;
	(pc) =	sbr.rel @p0 .LBB2_162-.Ltmp83, $4  }
0x29f: {  	s9 =	sadd.s32 $0x10, s9;
	s14 =	sand.u32 $0x1C00, s12  }
0x2a0: {  	s11 =	sadd.s32 s11, s0;
	s14 =	sor.u32 s10, s14;
	s10 =	sand.u32 $0x70, s13  }
0x2a1: {  	s11 =	sadd.s32 s10, s11;
	[tilespmem:s14+$0x13600] =	vst v7  }
0x2a2: {  	v7 =	vld [tilespmem:s11+$0x0]  }
0x2a3: {  	s11 =	smov.u32 s10;
	s14 =	simm.s32 $0x0  }
.LBB2_164:
0x2a4: {  	s9 =	sadd.s32 @p4 $0x80, s12;
	p5 =	por $0x1, $0x1  }
.Ltmp84:
0x2a5: {  	s13 =	simm.s32 $0x0;
	s14 =	smov.u32 @p4 s9;
	(pc) =	sbr.rel @!p5 .LBB2_165-.Ltmp84, $4  }
0x2a6: {  	s15 =	sand.u32 $0x380, s13;
	s9 =	sand.u32 $0x1C00, s14  }
0x2a7: {  	s10 =	sand.u32 $0x70, s13;
	s16 =	sadd.s32 s15, s5;
	s9 =	sor.u32 s11, s9  }
0x2a8: {  	s18 =	sadd.s32 s10, s16;
	[tilespmem:s9+$0x13600] =	vst v7  }
0x2a9: {  	p4 =	por $0x0, $0x0;
	[smem:$0x7F3] =	sst s15;
	s14 =	simm.s32 $0x10;
	v7 =	vld [tilespmem:s18+$0x0]  }
0x2aa: {  	p3 =	por $0x1, $0x1  }
.Ltmp85:
0x2ab: {  	_ = 	snop;
	(pc) =	sbr.rel @!p3 .LBB2_167-.Ltmp85, $4  }
0x2ac: {  	s9 =	sand.u32 $0x380, s14;
	s12 =	sand.u32 $0x1C00, s13  }
0x2ad: {  	s11 =	sand.u32 $0x70, s14;
	s9 =	sadd.s32 s9, s5;
	s12 =	sor.u32 s10, s12  }
0x2ae: {  	s9 =	sadd.s32 s11, s9;
	[tilespmem:s12+$0x13680] =	vst v7  }
0x2af: {  	p0 =	por $0x1, $0x1;
	s12 =	simm.s32 $0x20;
	v7 =	vld [tilespmem:s9+$0x0];
	s9 =	simm.s32 $0x0  }
.LBB2_168:
0x2b0: {  	s13 =	sand.u32 $0x380, s12;
	p3 =	sne.s32 s12, $0x3F0  }
.Ltmp86:
0x2b1: {  	s9 =	sadd.s32 $0x80, s9;
	s14 =	smov.u32 s12;
	(pc) =	sbr.rel @p3 .LBB2_168-.Ltmp86, $4  }
0x2b2: {  	s12 =	sadd.s32 $0x10, s12;
	s15 =	sand.u32 $0x1C00, s9  }
0x2b3: {  	s13 =	sadd.s32 s13, s5;
	s15 =	sor.u32 s11, s15;
	s11 =	sand.u32 $0x70, s14  }
0x2b4: {  	s13 =	sadd.s32 s11, s13;
	[tilespmem:s15+$0x13680] =	vst v7  }
0x2b5: {  	v7 =	vld [tilespmem:s13+$0x0]  }
0x2b6: {  	s13 =	simm.s32 $0x0;
	s14 =	simm.s32 $0x10  }
.LBB2_170:
0x2b7: {  	s9 =	sadd.s32 @p0 $0x80, s9;
	s12 =	simm.s32 $0x0;
	s16 =	sld [smem:$0x7F3]  }
.Ltmp87:
0x2b8: {  	s12 =	smov.u32 @p0 s9;
	(pc) =	sbr.rel @!p5 .LBB2_171-.Ltmp87, $4  }
0x2b9: {  	s9 =	sand.u32 $0x1C00, s12  }
0x2ba: {  	s9 =	sor.u32 s11, s9;
	s11 =	sadd.s32 s16, s2  }
0x2bb: {  	[tilespmem:s9+$0x13680] =	vst v7;
	s18 =	sadd.s32 s10, s11  }
0x2bc: {  	v7 =	vld [tilespmem:s18+$0x0]  }
0x2bd: {  	p0 =	por $0x1, $0x1  }
.Ltmp88:
0x2be: {  	_ = 	snop;
	(pc) =	sbr.rel @!p0 .LBB2_173-.Ltmp88, $4  }
0x2bf: {  	s11 =	sand.u32 $0x380, s14;
	s12 =	sand.u32 $0x1C00, s13  }
0x2c0: {  	s9 =	sand.u32 $0x70, s14;
	s11 =	sadd.s32 s11, s2;
	s10 =	sor.u32 s10, s12  }
0x2c1: {  	s11 =	sadd.s32 s9, s11;
	[tilespmem:s10+$0x13700] =	vst v7  }
0x2c2: {  	p4 =	por $0x1, $0x1;
	s10 =	simm.s32 $0x20;
	v7 =	vld [tilespmem:s11+$0x0];
	s11 =	simm.s32 $0x0  }
.LBB2_174:
0x2c3: {  	s12 =	sand.u32 $0x380, s10;
	p0 =	sne.s32 s10, $0x3F0  }
.Ltmp89:
0x2c4: {  	s11 =	sadd.s32 $0x80, s11;
	s13 =	smov.u32 s10;
	(pc) =	sbr.rel @p0 .LBB2_174-.Ltmp89, $4  }
0x2c5: {  	s10 =	sadd.s32 $0x10, s10;
	s14 =	sand.u32 $0x1C00, s11  }
0x2c6: {  	s12 =	sadd.s32 s12, s2;
	s14 =	sor.u32 s9, s14;
	s9 =	sand.u32 $0x70, s13  }
0x2c7: {  	s12 =	sadd.s32 s9, s12;
	[tilespmem:s14+$0x13700] =	vst v7  }
0x2c8: {  	v7 =	vld [tilespmem:s12+$0x0]  }
0x2c9: {  	s10 =	smov.u32 s9;
	s13 =	simm.s32 $0x0  }
.LBB2_176:
0x2ca: {  	s9 =	sadd.s32 @p4 $0x80, s11;
	p5 =	por $0x1, $0x1  }
.Ltmp90:
0x2cb: {  	s14 =	simm.s32 $0x0;
	s13 =	smov.u32 @p4 s9;
	(pc) =	sbr.rel @!p5 .LBB2_177-.Ltmp90, $4  }
0x2cc: {  	s12 =	sand.u32 $0x380, s14;
	s9 =	sand.u32 $0x1C00, s13  }
0x2cd: {  	s11 =	sand.u32 $0x70, s14;
	s16 =	sadd.s32 s12, s7;
	s9 =	sor.u32 s10, s9  }
0x2ce: {  	s18 =	sadd.s32 s11, s16;
	[tilespmem:s9+$0x13700] =	vst v7  }
0x2cf: {  	p4 =	por $0x0, $0x0;
	[smem:$0x7F2] =	sst s12;
	s13 =	simm.s32 $0x10;
	v7 =	vld [tilespmem:s18+$0x0]  }
0x2d0: {  	p3 =	por $0x1, $0x1  }
.Ltmp91:
0x2d1: {  	_ = 	snop;
	(pc) =	sbr.rel @!p3 .LBB2_179-.Ltmp91, $4  }
0x2d2: {  	s9 =	sand.u32 $0x380, s13;
	s12 =	sand.u32 $0x1C00, s14  }
0x2d3: {  	s10 =	sand.u32 $0x70, s13;
	s9 =	sadd.s32 s9, s7;
	s12 =	sor.u32 s11, s12  }
0x2d4: {  	s13 =	sadd.s32 s10, s9;
	[tilespmem:s12+$0x13780] =	vst v7  }
0x2d5: {  	p0 =	por $0x1, $0x1;
	s9 =	simm.s32 $0x20;
	s12 =	simm.s32 $0x0;
	v7 =	vld [tilespmem:s13+$0x0]  }
.LBB2_180:
0x2d6: {  	s13 =	sand.u32 $0x380, s9;
	p3 =	sne.s32 s9, $0x3F0  }
.Ltmp92:
0x2d7: {  	s12 =	sadd.s32 $0x80, s12;
	s14 =	smov.u32 s9;
	(pc) =	sbr.rel @p3 .LBB2_180-.Ltmp92, $4  }
0x2d8: {  	s9 =	sadd.s32 $0x10, s9;
	s15 =	sand.u32 $0x1C00, s12  }
0x2d9: {  	s13 =	sadd.s32 s13, s7;
	s15 =	sor.u32 s10, s15;
	s10 =	sand.u32 $0x70, s14  }
0x2da: {  	s13 =	sadd.s32 s10, s13;
	[tilespmem:s15+$0x13780] =	vst v7  }
0x2db: {  	v7 =	vld [tilespmem:s13+$0x0]  }
0x2dc: {  	s14 =	simm.s32 $0x0;
	s13 =	simm.s32 $0x10  }
.LBB2_182:
0x2dd: {  	s9 =	sadd.s32 @p0 $0x80, s12;
	s12 =	simm.s32 $0x0;
	s16 =	sld [smem:$0x7F2]  }
.Ltmp93:
0x2de: {  	s12 =	smov.u32 @p0 s9;
	(pc) =	sbr.rel @!p5 .LBB2_183-.Ltmp93, $4  }
0x2df: {  	s9 =	sand.u32 $0x1C00, s12  }
0x2e0: {  	s9 =	sor.u32 s10, s9;
	s10 =	sadd.s32 s16, s8  }
0x2e1: {  	[tilespmem:s9+$0x13780] =	vst v7;
	s18 =	sadd.s32 s11, s10  }
0x2e2: {  	v7 =	vld [tilespmem:s18+$0x0]  }
0x2e3: {  	p0 =	por $0x1, $0x1  }
.Ltmp94:
0x2e4: {  	_ = 	snop;
	(pc) =	sbr.rel @!p0 .LBB2_185-.Ltmp94, $4  }
0x2e5: {  	s9 =	sand.u32 $0x380, s13;
	s12 =	sand.u32 $0x1C00, s14  }
0x2e6: {  	s10 =	sand.u32 $0x70, s13;
	s9 =	sadd.s32 s9, s8;
	s11 =	sor.u32 s11, s12  }
0x2e7: {  	s18 =	sadd.s32 s10, s9;
	[tilespmem:s11+$0x13800] =	vst v7  }
0x2e8: {  	p4 =	por $0x1, $0x1;
	s12 =	simm.s32 $0x0;
	s9 =	simm.s32 $0x20;
	v7 =	vld [tilespmem:s18+$0x0]  }
.LBB2_186:
0x2e9: {  	s11 =	sand.u32 $0x380, s9;
	p0 =	sne.s32 s9, $0x3F0  }
.Ltmp95:
0x2ea: {  	s12 =	sadd.s32 $0x80, s12;
	s13 =	smov.u32 s9;
	(pc) =	sbr.rel @p0 .LBB2_186-.Ltmp95, $4  }
0x2eb: {  	s9 =	sadd.s32 $0x10, s9;
	s14 =	sand.u32 $0x1C00, s12  }
0x2ec: {  	s11 =	sadd.s32 s11, s8;
	s14 =	sor.u32 s10, s14;
	s10 =	sand.u32 $0x70, s13  }
0x2ed: {  	s11 =	sadd.s32 s10, s11;
	[tilespmem:s14+$0x13800] =	vst v7  }
0x2ee: {  	v7 =	vld [tilespmem:s11+$0x0]  }
0x2ef: {  	s11 =	smov.u32 s10;
	s14 =	simm.s32 $0x0  }
.LBB2_188:
0x2f0: {  	s18 =	sld [smem:$0x7FD];
	_ =	sdelay $0x2  }
0x2f1: {  	p0 =	seq.s32 s18, $0x1  }
.Ltmp96:
0x2f2: {  	s9 =	sadd.s32 @p4 $0x80, s12;
	(pc) =	sbr.rel @!p0 .LBB2_189-.Ltmp96, $4  }
0x2f3: {  	s14 =	smov.u32 @p4 s9  }
0x2f4: {  	s9 =	sand.u32 $0x1C00, s14  }
0x2f5: {  	s9 =	sor.u32 s11, s9  }
0x2f6: {  	[tilespmem:s9+$0x13800] =	vst v7  }
.Ltmp97:
0x2f7: {  	(pc) =	sbr.rel .LBB2_191-.Ltmp97, $4  }
0x2f8: {  	_ = 	snop  }
0x2f9: {  	s11 =	simm.s32 $0x0;
	s9 =	simm.s32 $0xD480;
	s10 =	rddreg [dreg:$0x12]  }
0x2fa: {  	[hbm4b:s10+s11] =	stream.linear.scatter [tilespmem:s9], [sflag:$0x2], $0x8000, $0x38;
	[tilespmem:$0x15480] =	vst v63  }
0x2fb: {  	s13 =	simm.s32 $0x5480;
	s9 =	simm.s32 $0x2;
	s10 =	rddreg [dreg:$0x3]  }
.LBB2_189:
0x2fc: {  	s11 =	simm.s32 $0x0;
	s13 =	simm.s32 $0x5480;
	s9 =	rddreg [dreg:$0x12]  }
0x2fd: {  	[hbm4b:s9+s11] =	stream.linear.scatter [tilespmem:s13], [sflag:$0x1], $0x8000, $0x38;
	[tilespmem:$0x15480] =	vst v63  }
0x2fe: {  	s10 =	rddreg [dreg:$0x11];
	s9 =	simm.s32 $0x1  }
.LBB2_191:
0x2ff: {  	s12 =	rddreg [dreg:$0x15]  }
0x300: {  	[hbm4b:s12+s11] =	stream.linear.scatter [tilespmem:s13], [sflag:$0x1], $0x8000, $0x38;
	[tilespmem:$0x15480] =	vst v63  }
0x301: {  	s18 =	rddreg [dreg:$0x16]  }
0x302: {  	[hbm4b:s18+s11] =	stream.linear.scatter [tilespmem:s13], [sflag:$0x1], $0x8000, $0x38;
	[tilespmem:$0x15480] =	vst v63  }
0x303: {  	s14 =	rddreg [dreg:$0x17]  }
0x304: {  	[hbm4b:s14+s11] =	stream.linear.scatter [tilespmem:s13], [sflag:$0x1], $0x8000, $0x38;
	[tilespmem:$0x15480] =	vst v63  }
0x305: {  	s11 =	sor.u32 $0x4, s10  }
0x306: {  	p4 =	sgt.u32 s11, $0xFE  }
0x307: {  	s14 =	rddreg [dreg:$0x1];
	s11 =	sshll.u32 @!p4 s11, $0xC  }
0x308: {  	s12 =	simm.s32 @!p4 $0x0;
	s13 =	simm.s32 @!p4 $0x5480;
	s11 =	sadd.s32 @!p4 s14, s11  }
0x309: {  	[hbm4b:s11+s12] =	stream.linear.scatter @!p4 [tilespmem:s13], [sflag:$0x1], $0x8000, $0x38;
	[tilespmem:$0x15480] =	vst v63  }
0x30a: {  	s11 =	sor.u32 $0x5, s10  }
0x30b: {  	p6 =	sgt.u32 s11, $0xFE  }
0x30c: {  	s16 =	sld [smem:$0x7FC];
	s11 =	sshll.u32 @!p6 s11, $0xC  }
0x30d: {  	s12 =	simm.s32 @!p6 $0x0;
	s13 =	simm.s32 @!p6 $0x5480;
	s11 =	sadd.s32 @!p6 s14, s11  }
0x30e: {  	[hbm4b:s11+s12] =	stream.linear.scatter @!p6 [tilespmem:s13], [sflag:$0x1], $0x8000, $0x38;
	[tilespmem:$0x15480] =	vst v63  }
0x30f: {  	s15 =	rddreg [dreg:$0x3];
	s11 =	sor.u32 $0x7, s10  }
0x310: {  	p1 =	seq.s32 s16, $0x1;
	p0 =	seq.s32 s11, s15  }
0x311: {  	s10 =	sor.u32 $0x6, s10;
	p0 =	por !p1, !p0  }
0x312: {  	p1 =	slt.u32 s11, $0xFF;
	p5 =	por !p0, !p0;
	p0 =	sgt.u32 s10, $0xFE  }
0x313: {  	p3 =	por !p5, !p5;
	s10 =	sshll.u32 @!p0 s10, $0xC;
	s12 =	simm.s32 @!p0 $0x0  }
0x314: {  	s13 =	simm.s32 @!p0 $0x5480;
	p3 =	por @!p1 p5, p5;
	s10 =	sadd.s32 @!p0 s14, s10  }
0x315: {  	[hbm4b:s10+s12] =	stream.linear.scatter @!p0 [tilespmem:s13], [sflag:$0x1], $0x8000, $0x38;
	[tilespmem:$0x15480] =	vst v63  }
0x316: {  	s10 =	sshll.u32 @p3 s11, $0xC  }
0x317: {  	s11 =	simm.s32 @p3 $0x0;
	s12 =	simm.s32 @p3 $0x5480;
	s10 =	sadd.s32 @p3 s14, s10  }
0x318: {  	[hbm4b:s10+s11] =	stream.linear.scatter @p3 [tilespmem:s12], [sflag:$0x1], $0x8000, $0x38;
	[tilespmem:$0x15480] =	vst v63  }
0x319: {  	s10 =	simm.s32 @p5 $0x0;
	s11 =	simm.s32 @p5 $0xD480;
	s12 =	rddreg [dreg:$0x14]  }
0x31a: {  	[hbm4b:s12+s10] =	stream.linear.scatter @p5 [tilespmem:s11], [sflag:$0x2], $0x8000, $0x38;
	[tilespmem:$0x15480] =	vst v63  }
0x31b: {  	_ =	swait.ge [sflag:s9], $0x8000  }
0x31c: {  	[sflag:s9] =	ssyncset.done $0x0  }
0x31d: {  	s18 =	simm.s32 $0x1;
	[sflag:s9] =	ssyncadd.s32 $0xFFFF8000  }
0x31e: {  	_ =	swait.ge [sflag:s18], $0x8000  }
0x31f: {  	[sflag:s18] =	ssyncset.done $0x0  }
0x320: {  	[sflag:s18] =	ssyncadd.s32 $0xFFFF8000  }
0x321: {  	_ =	swait.ge [sflag:s18], $0x8000  }
0x322: {  	[sflag:s18] =	ssyncset.done $0x0  }
0x323: {  	[sflag:s18] =	ssyncadd.s32 $0xFFFF8000  }
0x324: {  	_ =	swait.ge [sflag:s18], $0x8000  }
0x325: {  	[sflag:s18] =	ssyncset.done $0x0  }
0x326: {  	s9 =	simm.s32 @!p4 $0x1;
	[sflag:s18] =	ssyncadd.s32 $0xFFFF8000  }
0x327: {  	_ =	swait.ge @!p4 [sflag:s9], $0x8000  }
0x328: {  	[sflag:s9] =	ssyncset.done @!p4 $0x0  }
0x329: {  	[sflag:s9] =	ssyncadd.s32 @!p4 $0xFFFF8000;
	s9 =	simm.s32 @!p6 $0x1  }
0x32a: {  	_ =	swait.ge @!p6 [sflag:s9], $0x8000  }
0x32b: {  	[sflag:s9] =	ssyncset.done @!p6 $0x0  }
0x32c: {  	[sflag:s9] =	ssyncadd.s32 @!p6 $0xFFFF8000;
	s9 =	simm.s32 @!p0 $0x1  }
0x32d: {  	_ =	swait.ge @!p0 [sflag:s9], $0x8000  }
0x32e: {  	[sflag:s9] =	ssyncset.done @!p0 $0x0  }
0x32f: {  	[sflag:s9] =	ssyncadd.s32 @!p0 $0xFFFF8000;
	s9 =	simm.s32 @p3 $0x1  }
0x330: {  	_ =	swait.ge @p3 [sflag:s9], $0x8000  }
.Ltmp98:
0x331: {  	[sflag:s9] =	ssyncset.done @p3 $0x0;
	(pc) =	sbr.rel @p2 .LBB2_193-.Ltmp98, $4  }
0x332: {  	[sflag:s9] =	ssyncadd.s32 @p3 $0xFFFF8000;
	s9 =	simm.s32 @p5 $0x2  }
0x333: {  	_ =	swait.ge @p5 [sflag:s9], $0x8000  }
0x334: {  	[sflag:s9] =	ssyncset.done @p5 $0x0  }
0x335: {  	s13 =	simm.s32 $0x0;
	s18 =	rddreg [dreg:$0x1b];
	[sflag:s9] =	ssyncadd.s32 @p5 $0xFFFF8000  }
0x336: {  	_ =	sdelay $0x1  }
0x337: {  	[tilespmem:$0x5400] =	vst v3  }
0x338: {  	[tilespmem:$0x5410] =	vst v4;
	s9 =	rddreg [dreg:$0x1];
	s10 =	simm.s32 $0x5480  }
0x339: {  	[hbm4b:s9+s13] =	stream.indirect_vreg.scatter [tilespmem:s10], [sflag:$0x2], $0x80, v5, vm0, $0xb8;
	[tilespmem:$0x15480] =	vst v63  }
0x33a: {  	s11 =	simm.s32 $0x5C80;
	s10 =	rddreg [dreg:$0x18]  }
0x33b: {  	[hbm4b:s10+s13] =	stream.indirect_vreg.scatter [tilespmem:s11], [sflag:$0x2], $0x80, v5, vm0, $0xb8;
	[tilespmem:$0x15480] =	vst v63  }
0x33c: {  	s12 =	simm.s32 $0x6480;
	s11 =	rddreg [dreg:$0x19]  }
0x33d: {  	[hbm4b:s11+s13] =	stream.indirect_vreg.scatter [tilespmem:s12], [sflag:$0x2], $0x80, v5, vm0, $0xb8;
	[tilespmem:$0x15480] =	vst v63  }
0x33e: {  	s14 =	simm.s32 $0x6C80;
	s12 =	rddreg [dreg:$0x1a]  }
0x33f: {  	[hbm4b:s12+s13] =	stream.indirect_vreg.scatter [tilespmem:s14], [sflag:$0x2], $0x80, v5, vm0, $0xb8;
	[tilespmem:$0x15480] =	vst v63  }
0x340: {  	s15 =	simm.s32 $0x7480  }
0x341: {  	[hbm4b:s9+s13] =	stream.indirect_vreg.scatter [tilespmem:s15], [sflag:$0x2], $0x80, v6, vm0, $0xb8;
	[tilespmem:$0x15480] =	vst v63  }
0x342: {  	s16 =	simm.s32 $0x7C80  }
0x343: {  	[hbm4b:s10+s13] =	stream.indirect_vreg.scatter [tilespmem:s16], [sflag:$0x2], $0x80, v6, vm0, $0xb8;
	[tilespmem:$0x15480] =	vst v63  }
0x344: {  	s15 =	simm.s32 $0x8480  }
0x345: {  	[hbm4b:s11+s13] =	stream.indirect_vreg.scatter [tilespmem:s15], [sflag:$0x2], $0x80, v6, vm0, $0xb8;
	[tilespmem:$0x15480] =	vst v63  }
0x346: {  	s16 =	simm.s32 $0x8C80  }
0x347: {  	[hbm4b:s12+s13] =	stream.indirect_vreg.scatter [tilespmem:s16], [sflag:$0x2], $0x80, v6, vm0, $0xb8;
	[tilespmem:$0x15480] =	vst v63  }
0x348: {  	v7 =	vld [tilespmem:$0x5410];
	_ =	sdelay $0x4  }
0x349: {  	v8 =	vshll.u32 v7, $0x3  }
0x34a: {  	v7 =	vand.u32 $0x7, v7;
	v8 =	vand.u32 $0xFFFFFFC0, v8  }
0x34b: {  	v7 =	vor.u32 v7, v8  }
0x34c: {  	v8 =	vperm.xlane v7, v0;
	_ =	sdelay $0x1  }
0x34d: {  	v8 =	vadd.s32 v2, v8;
	_ =	sdelay $0x3  }
0x34e: {  	s15 =	simm.s32 $0x9480  }
0x34f: {  	[hbm4b:s9+s13] =	stream.indirect_vreg.scatter [tilespmem:s15], [sflag:$0x2], $0x80, v8, vm0, $0xb8;
	[tilespmem:$0x15480] =	vst v63  }
0x350: {  	s16 =	simm.s32 $0x9C80;
	v7 =	vperm.xlane v7, v1  }
0x351: {  	[hbm4b:s10+s13] =	stream.indirect_vreg.scatter [tilespmem:s16], [sflag:$0x2], $0x80, v8, vm0, $0xb8;
	[tilespmem:$0x15480] =	vst v63  }
0x352: {  	v7 =	vadd.s32 v2, v7;
	s15 =	simm.s32 $0xA480  }
0x353: {  	[hbm4b:s11+s13] =	stream.indirect_vreg.scatter [tilespmem:s15], [sflag:$0x2], $0x80, v8, vm0, $0xb8;
	[tilespmem:$0x15480] =	vst v63  }
0x354: {  	s16 =	simm.s32 $0xAC80  }
0x355: {  	[hbm4b:s12+s13] =	stream.indirect_vreg.scatter [tilespmem:s16], [sflag:$0x2], $0x80, v8, vm0, $0xb8;
	[tilespmem:$0x15480] =	vst v63  }
0x356: {  	s15 =	simm.s32 $0xB480  }
0x357: {  	[hbm4b:s9+s13] =	stream.indirect_vreg.scatter [tilespmem:s15], [sflag:$0x2], $0x80, v7, vm0, $0xb8;
	[tilespmem:$0x15480] =	vst v63  }
0x358: {  	s16 =	simm.s32 $0xBC80  }
0x359: {  	[hbm4b:s10+s13] =	stream.indirect_vreg.scatter [tilespmem:s16], [sflag:$0x2], $0x80, v7, vm0, $0xb8;
	[tilespmem:$0x15480] =	vst v63  }
0x35a: {  	s14 =	simm.s32 $0xC480  }
0x35b: {  	[hbm4b:s11+s13] =	stream.indirect_vreg.scatter [tilespmem:s14], [sflag:$0x2], $0x80, v7, vm0, $0xb8;
	[tilespmem:$0x15480] =	vst v63  }
.Ltmp99:
0x35c: {  	s15 =	simm.s32 $0xCC80;
	s16 =	simm.s32 $0x2;
	(pc) =	sbr.rel .LBB2_193-.Ltmp99, $4  }
0x35d: {  	[hbm4b:s12+s13] =	stream.indirect_vreg.scatter [tilespmem:s15], [sflag:$0x2], $0x80, v7, vm0, $0xb8;
	[tilespmem:$0x15480] =	vst v63  }
0x35e: {  	_ =	swait.ge [sflag:s16], $0x8000  }
0x35f: {  	[sflag:s16] =	ssyncset.done $0x0  }
0x360: {  	[sflag:s16] =	ssyncadd.s32 $0xFFFF8000  }
.LBB2_9:
.Ltmp100:
0x361: {  	(pc) =	sbr.rel .LBB2_14-.Ltmp100, $2  }
0x362: {  	_ =	sdelay $0x2  }
0x363: {  	s12 =	simm.s32 $0x0;
	s10 =	smov.u32 s11;
	p0 =	por $0x0, $0x0  }
.LBB2_15:
.Ltmp101:
0x364: {  	(pc) =	sbr.rel .LBB2_20-.Ltmp101, $2  }
0x365: {  	_ =	sdelay $0x2  }
0x366: {  	s12 =	simm.s32 $0x0  }
.LBB2_21:
.Ltmp102:
0x367: {  	(pc) =	sbr.rel .LBB2_26-.Ltmp102, $2  }
0x368: {  	_ =	sdelay $0x2  }
0x369: {  	s10 =	simm.s32 $0x0;
	s11 =	smov.u32 s9;
	p0 =	por $0x0, $0x0  }
.LBB2_27:
.Ltmp103:
0x36a: {  	(pc) =	sbr.rel .LBB2_32-.Ltmp103, $2  }
0x36b: {  	_ =	sdelay $0x2  }
0x36c: {  	s11 =	simm.s32 $0x0  }
.LBB2_33:
.Ltmp104:
0x36d: {  	(pc) =	sbr.rel .LBB2_38-.Ltmp104, $2  }
0x36e: {  	_ =	sdelay $0x2  }
0x36f: {  	s10 =	simm.s32 $0x0;
	s12 =	smov.u32 s18;
	p0 =	por $0x0, $0x0  }
.LBB2_39:
.Ltmp105:
0x370: {  	(pc) =	sbr.rel .LBB2_44-.Ltmp105, $2  }
0x371: {  	_ =	sdelay $0x2  }
0x372: {  	s10 =	simm.s32 $0x0;
	s9 =	simm.s32 $0x0;
	s11 =	simm.s32 $0x0  }
.LBB2_45:
.Ltmp106:
0x373: {  	(pc) =	sbr.rel .LBB2_50-.Ltmp106, $2  }
0x374: {  	_ =	sdelay $0x2  }
0x375: {  	s9 =	simm.s32 $0x0;
	s12 =	smov.u32 s14;
	p0 =	por $0x0, $0x0  }
.LBB2_51:
.Ltmp107:
0x376: {  	(pc) =	sbr.rel .LBB2_56-.Ltmp107, $2  }
0x377: {  	_ =	sdelay $0x2  }
0x378: {  	s11 =	simm.s32 $0x0  }
.LBB2_57:
.Ltmp108:
0x379: {  	(pc) =	sbr.rel .LBB2_62-.Ltmp108, $2  }
0x37a: {  	_ =	sdelay $0x2  }
0x37b: {  	s12 =	simm.s32 $0x0;
	s10 =	smov.u32 s11;
	p0 =	por $0x0, $0x0  }
.LBB2_63:
.Ltmp109:
0x37c: {  	(pc) =	sbr.rel .LBB2_68-.Ltmp109, $2  }
0x37d: {  	_ =	sdelay $0x2  }
0x37e: {  	s12 =	simm.s32 $0x0  }
.LBB2_69:
.Ltmp110:
0x37f: {  	(pc) =	sbr.rel .LBB2_74-.Ltmp110, $2  }
0x380: {  	_ =	sdelay $0x2  }
0x381: {  	s9 =	simm.s32 $0x0;
	s11 =	smov.u32 s10;
	p0 =	por $0x0, $0x0  }
.LBB2_75:
.Ltmp111:
0x382: {  	(pc) =	sbr.rel .LBB2_80-.Ltmp111, $2  }
0x383: {  	_ =	sdelay $0x2  }
0x384: {  	s11 =	simm.s32 $0x0  }
.LBB2_81:
.Ltmp112:
0x385: {  	(pc) =	sbr.rel .LBB2_86-.Ltmp112, $2  }
0x386: {  	_ =	sdelay $0x2  }
0x387: {  	s12 =	simm.s32 $0x0;
	s10 =	smov.u32 s11;
	p0 =	por $0x0, $0x0  }
.LBB2_87:
.Ltmp113:
0x388: {  	(pc) =	sbr.rel .LBB2_92-.Ltmp113, $2  }
0x389: {  	_ =	sdelay $0x2  }
0x38a: {  	s12 =	simm.s32 $0x0  }
.LBB2_93:
.Ltmp114:
0x38b: {  	(pc) =	sbr.rel .LBB2_98-.Ltmp114, $2  }
0x38c: {  	_ =	sdelay $0x2  }
0x38d: {  	s9 =	simm.s32 $0x0;
	s11 =	smov.u32 s10;
	p0 =	por $0x0, $0x0  }
.LBB2_99:
.Ltmp115:
0x38e: {  	(pc) =	sbr.rel .LBB2_104-.Ltmp115, $2  }
0x38f: {  	_ =	sdelay $0x2  }
0x390: {  	s11 =	simm.s32 $0x0  }
.LBB2_105:
.Ltmp116:
0x391: {  	(pc) =	sbr.rel .LBB2_110-.Ltmp116, $2  }
0x392: {  	_ =	sdelay $0x2  }
0x393: {  	s12 =	simm.s32 $0x0;
	s10 =	smov.u32 s11;
	p0 =	por $0x0, $0x0  }
.LBB2_111:
.Ltmp117:
0x394: {  	(pc) =	sbr.rel .LBB2_116-.Ltmp117, $2  }
0x395: {  	_ =	sdelay $0x2  }
0x396: {  	s12 =	simm.s32 $0x0  }
.LBB2_117:
.Ltmp118:
0x397: {  	(pc) =	sbr.rel .LBB2_122-.Ltmp118, $2  }
0x398: {  	_ =	sdelay $0x2  }
0x399: {  	s12 =	simm.s32 $0x0;
	s11 =	smov.u32 s10;
	p0 =	por $0x0, $0x0  }
.LBB2_123:
.Ltmp119:
0x39a: {  	(pc) =	sbr.rel .LBB2_128-.Ltmp119, $2  }
0x39b: {  	_ =	sdelay $0x2  }
0x39c: {  	s11 =	simm.s32 $0x0  }
.LBB2_129:
.Ltmp120:
0x39d: {  	(pc) =	sbr.rel .LBB2_134-.Ltmp120, $2  }
0x39e: {  	_ =	sdelay $0x2  }
0x39f: {  	s12 =	simm.s32 $0x0;
	s10 =	smov.u32 s11;
	p0 =	por $0x0, $0x0  }
.LBB2_135:
.Ltmp121:
0x3a0: {  	(pc) =	sbr.rel .LBB2_140-.Ltmp121, $2  }
0x3a1: {  	_ =	sdelay $0x2  }
0x3a2: {  	s12 =	simm.s32 $0x0  }
.LBB2_141:
.Ltmp122:
0x3a3: {  	(pc) =	sbr.rel .LBB2_146-.Ltmp122, $2  }
0x3a4: {  	_ =	sdelay $0x2  }
0x3a5: {  	s9 =	simm.s32 $0x0;
	s11 =	smov.u32 s10;
	p0 =	por $0x0, $0x0  }
.LBB2_147:
.Ltmp123:
0x3a6: {  	(pc) =	sbr.rel .LBB2_152-.Ltmp123, $2  }
0x3a7: {  	_ =	sdelay $0x2  }
0x3a8: {  	s11 =	simm.s32 $0x0  }
.LBB2_153:
.Ltmp124:
0x3a9: {  	(pc) =	sbr.rel .LBB2_158-.Ltmp124, $2  }
0x3aa: {  	_ =	sdelay $0x2  }
0x3ab: {  	s12 =	simm.s32 $0x0;
	s10 =	smov.u32 s11;
	p0 =	por $0x0, $0x0  }
.LBB2_159:
.Ltmp125:
0x3ac: {  	(pc) =	sbr.rel .LBB2_164-.Ltmp125, $2  }
0x3ad: {  	_ =	sdelay $0x2  }
0x3ae: {  	s12 =	simm.s32 $0x0  }
.LBB2_165:
.Ltmp126:
0x3af: {  	(pc) =	sbr.rel .LBB2_170-.Ltmp126, $2  }
0x3b0: {  	_ =	sdelay $0x2  }
0x3b1: {  	s9 =	simm.s32 $0x0;
	s11 =	smov.u32 s10;
	p0 =	por $0x0, $0x0  }
.LBB2_171:
.Ltmp127:
0x3b2: {  	(pc) =	sbr.rel .LBB2_176-.Ltmp127, $2  }
0x3b3: {  	_ =	sdelay $0x2  }
0x3b4: {  	s11 =	simm.s32 $0x0  }
.LBB2_177:
.Ltmp128:
0x3b5: {  	(pc) =	sbr.rel .LBB2_182-.Ltmp128, $2  }
0x3b6: {  	_ =	sdelay $0x2  }
0x3b7: {  	s12 =	simm.s32 $0x0;
	s10 =	smov.u32 s11;
	p0 =	por $0x0, $0x0  }
.LBB2_183:
.Ltmp129:
0x3b8: {  	(pc) =	sbr.rel .LBB2_188-.Ltmp129, $2  }
0x3b9: {  	_ =	sdelay $0x2  }
0x3ba: {  	s12 =	simm.s32 $0x0  }
.LBB2_11:
.Ltmp130:
0x3bb: {  	(pc) =	sbr.rel .LBB2_14-.Ltmp130, $2  }
0x3bc: {  	_ =	sdelay $0x2  }
0x3bd: {  	s12 =	simm.s32 $0x0;
	s13 =	simm.s32 $0x0;
	s14 =	simm.s32 $0x10  }
.LBB2_17:
.Ltmp131:
0x3be: {  	(pc) =	sbr.rel .LBB2_20-.Ltmp131, $2  }
0x3bf: {  	_ =	sdelay $0x2  }
0x3c0: {  	s12 =	simm.s32 $0x0;
	s11 =	smov.u32 s10;
	s13 =	simm.s32 $0x0  }
.LBB2_23:
.Ltmp132:
0x3c1: {  	(pc) =	sbr.rel .LBB2_26-.Ltmp132, $2  }
0x3c2: {  	_ =	sdelay $0x2  }
0x3c3: {  	s10 =	simm.s32 $0x0;
	s14 =	simm.s32 $0x0;
	s9 =	smov.u32 s18  }
.LBB2_29:
.Ltmp133:
0x3c4: {  	(pc) =	sbr.rel .LBB2_32-.Ltmp133, $2  }
0x3c5: {  	_ =	sdelay $0x2  }
0x3c6: {  	s11 =	simm.s32 $0x0;
	s9 =	smov.u32 s10;
	s14 =	simm.s32 $0x0  }
.LBB2_35:
.Ltmp134:
0x3c7: {  	(pc) =	sbr.rel .LBB2_38-.Ltmp134, $4  }
0x3c8: {  	_ = 	snop  }
0x3c9: {  	s17 =	rddreg [dreg:$0xb]  }
0x3ca: {  	s14 =	rddreg [dreg:$0x1d]  }
0x3cb: {  	s10 =	simm.s32 $0x0;
	s18 =	rddreg [dreg:$0x1e]  }
.LBB2_41:
.Ltmp135:
0x3cc: {  	(pc) =	sbr.rel .LBB2_44-.Ltmp135, $2  }
0x3cd: {  	_ =	sdelay $0x2  }
0x3ce: {  	s10 =	simm.s32 $0x0;
	s11 =	simm.s32 $0x0  }
.LBB2_47:
.Ltmp136:
0x3cf: {  	(pc) =	sbr.rel .LBB2_50-.Ltmp136, $2  }
0x3d0: {  	_ =	sdelay $0x2  }
0x3d1: {  	s9 =	simm.s32 $0x0;
	s10 =	simm.s32 $0x0;
	s14 =	smov.u32 s18  }
.LBB2_53:
.Ltmp137:
0x3d2: {  	(pc) =	sbr.rel .LBB2_56-.Ltmp137, $2  }
0x3d3: {  	_ =	sdelay $0x2  }
0x3d4: {  	s11 =	simm.s32 $0x0;
	s14 =	smov.u32 s9;
	s10 =	simm.s32 $0x0  }
.LBB2_59:
.Ltmp138:
0x3d5: {  	(pc) =	sbr.rel .LBB2_62-.Ltmp138, $2  }
0x3d6: {  	_ =	sdelay $0x2  }
0x3d7: {  	s12 =	simm.s32 $0x0;
	s13 =	simm.s32 $0x0;
	s14 =	simm.s32 $0x10  }
.LBB2_65:
.Ltmp139:
0x3d8: {  	(pc) =	sbr.rel .LBB2_68-.Ltmp139, $2  }
0x3d9: {  	_ =	sdelay $0x2  }
0x3da: {  	s12 =	simm.s32 $0x0;
	s11 =	smov.u32 s10;
	s13 =	simm.s32 $0x0  }
.LBB2_71:
.Ltmp140:
0x3db: {  	(pc) =	sbr.rel .LBB2_74-.Ltmp140, $2  }
0x3dc: {  	_ =	sdelay $0x2  }
0x3dd: {  	s9 =	simm.s32 $0x0;
	s14 =	simm.s32 $0x0;
	s13 =	simm.s32 $0x10  }
.LBB2_77:
.Ltmp141:
0x3de: {  	(pc) =	sbr.rel .LBB2_80-.Ltmp141, $2  }
0x3df: {  	_ =	sdelay $0x2  }
0x3e0: {  	s11 =	simm.s32 $0x0;
	s10 =	smov.u32 s9;
	s14 =	simm.s32 $0x0  }
.LBB2_83:
.Ltmp142:
0x3e1: {  	(pc) =	sbr.rel .LBB2_86-.Ltmp142, $2  }
0x3e2: {  	_ =	sdelay $0x2  }
0x3e3: {  	s12 =	simm.s32 $0x0;
	s13 =	simm.s32 $0x0;
	s14 =	simm.s32 $0x10  }
.LBB2_89:
.Ltmp143:
0x3e4: {  	(pc) =	sbr.rel .LBB2_92-.Ltmp143, $2  }
0x3e5: {  	_ =	sdelay $0x2  }
0x3e6: {  	s12 =	simm.s32 $0x0;
	s11 =	smov.u32 s10;
	s13 =	simm.s32 $0x0  }
.LBB2_95:
.Ltmp144:
0x3e7: {  	(pc) =	sbr.rel .LBB2_98-.Ltmp144, $2  }
0x3e8: {  	_ =	sdelay $0x2  }
0x3e9: {  	s9 =	simm.s32 $0x0;
	s14 =	simm.s32 $0x0;
	s13 =	simm.s32 $0x10  }
.LBB2_101:
.Ltmp145:
0x3ea: {  	(pc) =	sbr.rel .LBB2_104-.Ltmp145, $2  }
0x3eb: {  	_ =	sdelay $0x2  }
0x3ec: {  	s11 =	simm.s32 $0x0;
	s10 =	smov.u32 s9;
	s14 =	simm.s32 $0x0  }
.LBB2_107:
.Ltmp146:
0x3ed: {  	(pc) =	sbr.rel .LBB2_110-.Ltmp146, $2  }
0x3ee: {  	_ =	sdelay $0x2  }
0x3ef: {  	s12 =	simm.s32 $0x0;
	s13 =	simm.s32 $0x10  }
.LBB2_113:
.Ltmp147:
0x3f0: {  	(pc) =	sbr.rel .LBB2_116-.Ltmp147, $2  }
0x3f1: {  	_ =	sdelay $0x2  }
0x3f2: {  	s12 =	simm.s32 $0x0;
	s11 =	smov.u32 s10  }
.LBB2_119:
.Ltmp148:
0x3f3: {  	(pc) =	sbr.rel .LBB2_122-.Ltmp148, $2  }
0x3f4: {  	_ =	sdelay $0x2  }
0x3f5: {  	s12 =	simm.s32 $0x0;
	s13 =	simm.s32 $0x0;
	s14 =	simm.s32 $0x10  }
.LBB2_125:
.Ltmp149:
0x3f6: {  	(pc) =	sbr.rel .LBB2_128-.Ltmp149, $2  }
0x3f7: {  	_ =	sdelay $0x2  }
0x3f8: {  	s11 =	simm.s32 $0x0;
	s10 =	smov.u32 s9;
	s13 =	simm.s32 $0x0  }
.LBB2_131:
.Ltmp150:
0x3f9: {  	(pc) =	sbr.rel .LBB2_134-.Ltmp150, $2  }
0x3fa: {  	_ =	sdelay $0x2  }
0x3fb: {  	s12 =	simm.s32 $0x0;
	s14 =	simm.s32 $0x0;
	s13 =	simm.s32 $0x10  }
.LBB2_137:
.Ltmp151:
0x3fc: {  	(pc) =	sbr.rel .LBB2_140-.Ltmp151, $2  }
0x3fd: {  	_ =	sdelay $0x2  }
0x3fe: {  	s12 =	simm.s32 $0x0;
	s11 =	smov.u32 s10;
	s14 =	simm.s32 $0x0  }
.LBB2_143:
.Ltmp152:
0x3ff: {  	(pc) =	sbr.rel .LBB2_146-.Ltmp152, $2  }
0x400: {  	_ =	sdelay $0x2  }
0x401: {  	s9 =	simm.s32 $0x0;
	s13 =	simm.s32 $0x0;
	s14 =	simm.s32 $0x10  }
.LBB2_149:
.Ltmp153:
0x402: {  	(pc) =	sbr.rel .LBB2_152-.Ltmp153, $2  }
0x403: {  	_ =	sdelay $0x2  }
0x404: {  	s11 =	simm.s32 $0x0;
	s10 =	smov.u32 s9;
	s13 =	simm.s32 $0x0  }
.LBB2_155:
.Ltmp154:
0x405: {  	(pc) =	sbr.rel .LBB2_158-.Ltmp154, $2  }
0x406: {  	_ =	sdelay $0x2  }
0x407: {  	s12 =	simm.s32 $0x0;
	s14 =	simm.s32 $0x0;
	s13 =	simm.s32 $0x10  }
.LBB2_161:
.Ltmp155:
0x408: {  	(pc) =	sbr.rel .LBB2_164-.Ltmp155, $2  }
0x409: {  	_ =	sdelay $0x2  }
0x40a: {  	s12 =	simm.s32 $0x0;
	s11 =	smov.u32 s10;
	s14 =	simm.s32 $0x0  }
.LBB2_167:
.Ltmp156:
0x40b: {  	(pc) =	sbr.rel .LBB2_170-.Ltmp156, $2  }
0x40c: {  	_ =	sdelay $0x2  }
0x40d: {  	s9 =	simm.s32 $0x0;
	s13 =	simm.s32 $0x0;
	s14 =	simm.s32 $0x10  }
.LBB2_173:
.Ltmp157:
0x40e: {  	(pc) =	sbr.rel .LBB2_176-.Ltmp157, $2  }
0x40f: {  	_ =	sdelay $0x2  }
0x410: {  	s11 =	simm.s32 $0x0;
	s10 =	smov.u32 s9;
	s13 =	simm.s32 $0x0  }
.LBB2_179:
.Ltmp158:
0x411: {  	(pc) =	sbr.rel .LBB2_182-.Ltmp158, $2  }
0x412: {  	_ =	sdelay $0x2  }
0x413: {  	s12 =	simm.s32 $0x0;
	s14 =	simm.s32 $0x0;
	s13 =	simm.s32 $0x10  }
.LBB2_185:
.Ltmp159:
0x414: {  	(pc) =	sbr.rel .LBB2_188-.Ltmp159, $2  }
0x415: {  	_ =	sdelay $0x2  }
0x416: {  	s12 =	simm.s32 $0x0;
	s11 =	smov.u32 s10;
	s14 =	simm.s32 $0x0  }
.LBB2_194:
0x417: {  	_ =	sfence.sel $0x180000  }
0x418: {  	[bflag:$0x0] =	sbarrier.arrive $0xFFFF  }
0x419: {  	_ =	strace $0x90000047  }
0x41a: {  	s0 =	stileid.u32;
	[bflag:$0x2] =	sbarrier.arrive $0xFFFF  }
0x41b: {  	p0 =	sne.s32 s0, $0x0;
	s0 =	rddreg [dreg:$0x2]  }
0x41c: {  	s0 =	sadd.s32 @!p0 $0x100000, s0  }
0x41d: {  	[sflag:s0] =	ssyncadd.tile.s32 @!p0 $0x1;
	_ =	shalt  }
.Lfunc_end2:
_tile_overlayer_lowered:
.L_overlay_start_2:
0x41e: {  	(tag) =	ssettag $0x2  }
0x41f: {  	s0 =	rddreg [dreg:$0x0];
	s2 =	stileid.u32  }
0x420: {  	s1 =	rddreg [dreg:$0x1];
	p0 =	sne.s32 s2, $0x0  }
0x421: {  	s3 =	rddreg [dreg:$0x2];
	[bflag:$0x3] =	sbarrier.arrive $0xFFFF;
	s2 =	simm.s32 @!p0 $0x1C03  }
0x422: {  	[timem:s3], [sflag:s2] =	dma.local @!p0 [hbm:s0], s1  }
0x423: {  	s0 =	simm.s32 @!p0 $0x3  }
0x424: {  	_ =	swait.ge @!p0 [sflag:s0], s1  }
0x425: {  	s1 =	ssub.s32 @!p0 $0x0, s1;
	[sflag:s0] =	ssyncset.done @!p0 $0x0  }
0x426: {  	[sflag:s0] =	ssyncadd.s32 @!p0 s1  }
0x427: {  	[bflag:$0x3] =	sbarrier.arrive $0xFFFF  }
0x428: {  	_ =	shalt  }

</sc_bundles>
